<compile_context>
chip_gen: v7x
topology: tpu7x:2x2x1
jax: 0.10.2.dev20260603
libtpu: 0.0.44.dev20260713+nightly
codegen_flags: <defaults>
</compile_context>

<pallas_src>
import functools

import jax
import jax.numpy as jnp
from jax import lax
from jax.experimental import pallas as pl
from jax.experimental.pallas import tpu as pltpu
from jax.experimental.pallas import tpu_sc as plsc

TOP_K = 8
NUM_EXPERTS = 64
NUM_TOKENS = 16384
BLOCK_T = 1024
NUM_WORKERS = 32
TPW = NUM_TOKENS // NUM_WORKERS


def _matmul_body(x_ref, w_ref, logits_ref):
    logits_ref[...] = jax.lax.dot_general(
        x_ref[...], w_ref[...], (((1,), (1,)), ((), ())),
        preferred_element_type=jnp.float32,
    )


def _tc_logits(hidden_states, W, chunk, num_chunks):
    nt, hd = hidden_states.shape
    ne = W.shape[0]
    ct = nt // num_chunks
    blocks_per_chunk = ct // BLOCK_T
    base = chunk * blocks_per_chunk
    return pl.pallas_call(
        _matmul_body,
        grid=(blocks_per_chunk,),
        in_specs=[
            pl.BlockSpec((BLOCK_T, hd), lambda i: (base + i, 0)),
            pl.BlockSpec((ne, hd), lambda i: (0, 0)),
        ],
        out_specs=pl.BlockSpec((BLOCK_T, ne), lambda i: (i, 0)),
        out_shape=jax.ShapeDtypeStruct((ct, ne), jnp.float32),
    )(hidden_states, W)


def _merge_desc(ka, va, kb, vb):
    rk = lax.rev(kb, (0,))
    rv = lax.rev(vb, (0,))
    take_a = ka >= rk
    hk = jnp.where(take_a, ka, rk)
    hv = jnp.where(take_a, va, rv)
    return plsc.sort_key_val(hk, hv, descending=True)


def _make_sc_topk(ct):
    tpw = ct // NUM_WORKERS

    def _sc_topk_body(logits_hbm, w_hbm, e_hbm, slab, wout, eout, sem):
        wid = lax.axis_index("s") * 2 + lax.axis_index("c")
        base = wid * tpw
        pltpu.sync_copy(
            logits_hbm.at[pl.ds(base * NUM_EXPERTS, tpw * NUM_EXPERTS)], slab
        )
        lane = lax.iota(jnp.int32, 16)
        first8 = lane < TOP_K

        @plsc.parallel_loop(0, tpw, 4, unroll=2)
        def body(tbase):
            for u in range(4):
                t = tbase + u
                ks, vs = [], []
                for c in range(4):
                    k, v = plsc.sort_key_val(
                        slab[pl.ds(t * NUM_EXPERTS + c * 16, 16)],
                        lane + c * 16,
                        descending=True,
                    )
                    ks.append(k)
                    vs.append(v)
                k01, v01 = _merge_desc(ks[0], vs[0], ks[1], vs[1])
                k23, v23 = _merge_desc(ks[2], vs[2], ks[3], vs[3])
                kt, vt = _merge_desc(k01, v01, k23, v23)
                mx = jnp.max(kt)
                ex = jnp.where(first8, jnp.exp(kt - mx), 0.0)
                w = ex / jnp.sum(ex)
                wout[pl.ds(t * 16, 16)] = w
                eout[pl.ds(t * 16, 16)] = vt

        pltpu.sync_copy(wout, w_hbm.at[pl.ds(base * 16, tpw * 16)])
        pltpu.sync_copy(eout, e_hbm.at[pl.ds(base * 16, tpw * 16)])

    return functools.partial(
        pl.kernel,
        mesh=plsc.VectorSubcoreMesh(core_axis_name="c", subcore_axis_name="s"),
        compiler_params=pltpu.CompilerParams(needs_layout_passes=False),
        out_type=[
            jax.ShapeDtypeStruct((ct * 16,), jnp.float32),
            jax.ShapeDtypeStruct((ct * 16,), jnp.int32),
        ],
        scratch_types=[
            pltpu.VMEM((tpw * NUM_EXPERTS,), jnp.float32),
            pltpu.VMEM((tpw * 16,), jnp.float32),
            pltpu.VMEM((tpw * 16,), jnp.int32),
            pltpu.SemaphoreType.DMA,
        ],
    )(_sc_topk_body)


NUM_CHUNKS = 1
CHUNK_T = NUM_TOKENS // NUM_CHUNKS
_sc_topk_chunk = _make_sc_topk(CHUNK_T)


def kernel(hidden_states, W):
    louts = [
        _tc_logits(hidden_states, W, c, NUM_CHUNKS) for c in range(NUM_CHUNKS)
    ]
    wouts, eouts = [], []
    for lg in louts:
        wf, ef = _sc_topk_chunk(lg.reshape(-1))
        wouts.append(wf.reshape(CHUNK_T, 16)[:, :TOP_K])
        eouts.append(ef.reshape(CHUNK_T, 16)[:, :TOP_K])
    logits = jnp.concatenate(louts, axis=0)
    weights = jnp.concatenate(wouts, axis=0)
    experts = jnp.concatenate(eouts, axis=0)
    return (weights, experts, logits)

# --- scband reference (transcript-rebuilt; emitter-appended) ---
"""Pipeline reference for scband-mock-olmoe-top-krouter-25022479466896 (READ-ONLY COPY).

The authoritative reference and input builder live on the scoring server;
editing this copy changes nothing except your own understanding.
"""

import jax, jax.numpy as jnp
import numpy as np

HIDDEN_DIM = 2048
NUM_EXPERTS = 64
TOP_K = 8
NUM_TOKENS = 16384


def setup_inputs(seed: int = 0) -> dict:
    key = jax.random.key(seed)
    k1, k2 = jax.random.split(key)
    hidden_states = jax.random.normal(k1, (NUM_TOKENS, HIDDEN_DIM), dtype=jnp.float32)
    # nn.Linear(hidden_dim, num_experts, bias=False): weight shape [num_experts, hidden_dim]
    W = jax.random.normal(k2, (NUM_EXPERTS, HIDDEN_DIM), dtype=jnp.float32) * (1.0 / np.sqrt(HIDDEN_DIM))
    return {"hidden_states": hidden_states, "W": W}


def reference(hidden_states, W):
    # router_logits = hidden_states @ W.T  (nn.Linear without bias)
    router_logits = jnp.dot(hidden_states, W.T)
    # top-k over experts
    routing_weights, selected_experts = jax.lax.top_k(router_logits, TOP_K)
    # softmax over the top-k logits in float32, then cast back
    routing_weights = jax.nn.softmax(routing_weights.astype(jnp.float32), axis=-1)
    routing_weights = routing_weights.astype(hidden_states.dtype)
    return (routing_weights, selected_experts, router_logits)

if __name__ == "__main__":
    import jax
    _d = setup_inputs()
    print(jax.jit(kernel)(*tuple(_d.values())))

</pallas_src>

<mosaic_0001>
#map = affine_map<(d0, d1) -> (0)>
module attributes {stable_mosaic.version = 14 : i64} {
  func.func @_sc_topk_body(%arg0: i32, %arg1: i32, %arg2: memref<1048576xf32, #tpu.memory_space<hbm>>, %arg3: memref<262144xf32, #tpu.memory_space<hbm>>, %arg4: memref<262144xi32, #tpu.memory_space<hbm>>, %arg5: memref<32768xf32, #tpu.memory_space<vmem>>, %arg6: memref<8192xf32, #tpu.memory_space<vmem>>, %arg7: memref<8192xi32, #tpu.memory_space<vmem>>, %arg8: memref<!tpu.dma_semaphore, #tpu.memory_space<semaphore_mem>>) attributes {dimension_semantics = [#tpu.dimension_semantics<core_parallel>, #tpu.dimension_semantics<subcore_parallel>], iteration_bounds = array<i64: 2, 16>, scalar_prefetch = 0 : i64, scratch_operands = 4 : i64, tpu.core_type = #tpu.core_type<sc_vector_subcore>, window_params = [{transform_indices = #map}, {transform_indices = #map}, {transform_indices = #map}]} {
    %mul3A = arith.constant 2 : i32
    %mul3A_0 = arith.muli %arg1, %mul3A : i32
    %add3A = arith.addi %mul3A_0, %arg0 : i32
    %mul3A_1 = arith.constant 512 : i32
    %mul3A_2 = arith.muli %add3A, %mul3A_1 : i32
    %mul3A_3 = arith.constant 64 : i32
    %mul3A_4 = arith.muli %mul3A_2, %mul3A_3 : i32
    "tpu.region"() ({
      %run_scoped3A = tpu.sem_alloc : memref<!tpu.dma_semaphore, #tpu.memory_space<semaphore_mem>>
      %dma_start3A = tpu.memref_slice %arg2[%mul3A_4] : memref<1048576xf32, #tpu.memory_space<hbm>> -> memref<32768xf32, #tpu.memory_space<hbm>>
      %dma_start3A_13 = tpu.memref_slice %arg2[%mul3A_4] : memref<1048576xf32, #tpu.memory_space<hbm>> -> memref<32768xf32, #tpu.memory_space<hbm>>
      tpu.enqueue_dma source(%dma_start3A_13 : memref<32768xf32, #tpu.memory_space<hbm>>) target(%arg5 : memref<32768xf32, #tpu.memory_space<vmem>>) target_semaphore(%run_scoped3A : memref<!tpu.dma_semaphore, #tpu.memory_space<semaphore_mem>>)
      %dma_wait3A = tpu.memref_slice %arg2[%mul3A_4] : memref<1048576xf32, #tpu.memory_space<hbm>> -> memref<32768xf32, #tpu.memory_space<hbm>>
      %dma_wait3A_14 = tpu.memref_slice %arg2[%mul3A_4] : memref<1048576xf32, #tpu.memory_space<hbm>> -> memref<32768xf32, #tpu.memory_space<hbm>>
      tpu.wait_dma2 semaphore(%run_scoped3A : memref<!tpu.dma_semaphore, #tpu.memory_space<semaphore_mem>>) src(%dma_wait3A_14 : memref<32768xf32, #tpu.memory_space<hbm>>) dst(%arg5 : memref<32768xf32, #tpu.memory_space<vmem>>)
      tpu.yield
    }) : () -> ()
    %iota3A = tpu.iota {dimensions = array<i32: 0>} : vector<16xi32>
    %lt3A = arith.constant 8 : i32
    %lt3A_5 = vector.broadcast %lt3A : i32 to vector<16xi32>
    %lt3A_6 = arith.cmpi slt, %iota3A, %lt3A_5 : vector<16xi32>
    %parallel_loop3A = arith.constant 0 : i32
    %parallel_loop3A_7 = arith.constant 512 : i32
    %parallel_loop3A_8 = arith.constant 4 : i32
    scf.for %parallel_loop3A_13 = %parallel_loop3A to %parallel_loop3A_7 step %parallel_loop3A_8  : i32 {
      %parallel_loop3A_14 = arith.constant 0 : i32
      %parallel_loop3A_15 = arith.addi %parallel_loop3A_13, %parallel_loop3A_14 : i32
      %parallel_loop3A_16 = arith.constant 64 : i32
      %parallel_loop3A_17 = arith.muli %parallel_loop3A_15, %parallel_loop3A_16 : i32
      %parallel_loop3A_18 = arith.constant 0 : i32
      %parallel_loop3A_19 = arith.addi %parallel_loop3A_17, %parallel_loop3A_18 : i32
      %parallel_loop3A_20 = arith.index_cast %parallel_loop3A_19 : i32 to index
      %parallel_loop3A_21 = tpu.vector_load %arg5[%parallel_loop3A_20] {strides = array<i32>} : memref<32768xf32, #tpu.memory_space<vmem>>, vector<16xf32>,
      %parallel_loop3A_22 = arith.constant 0 : i32
      %parallel_loop3A_23 = vector.broadcast %parallel_loop3A_22 : i32 to vector<16xi32>
      %parallel_loop3A_24 = arith.addi %iota3A, %parallel_loop3A_23 : vector<16xi32>
      %parallel_loop3A_25 = arith.constant dense<true> : vector<16xi1>
      %parallel_loop3A_26, %parallel_loop3A_27, %parallel_loop3A_28 = tpu.sort %parallel_loop3A_21, %parallel_loop3A_24 masked %parallel_loop3A_25 {descending = true} : (vector<16xf32>, vector<16xi32>, vector<16xi1>) -> (vector<16xi1>, vector<16xf32>, vector<16xi32>)
      %parallel_loop3A_29 = arith.constant 64 : i32
      %parallel_loop3A_30 = arith.muli %parallel_loop3A_15, %parallel_loop3A_29 : i32
      %parallel_loop3A_31 = arith.constant 16 : i32
      %parallel_loop3A_32 = arith.addi %parallel_loop3A_30, %parallel_loop3A_31 : i32
      %parallel_loop3A_33 = arith.index_cast %parallel_loop3A_32 : i32 to index
      %parallel_loop3A_34 = tpu.vector_load %arg5[%parallel_loop3A_33] {strides = array<i32>} : memref<32768xf32, #tpu.memory_space<vmem>>, vector<16xf32>,
      %parallel_loop3A_35 = arith.constant 16 : i32
      %parallel_loop3A_36 = vector.broadcast %parallel_loop3A_35 : i32 to vector<16xi32>
      %parallel_loop3A_37 = arith.addi %iota3A, %parallel_loop3A_36 : vector<16xi32>
      %parallel_loop3A_38 = arith.constant dense<true> : vector<16xi1>
      %parallel_loop3A_39, %parallel_loop3A_40, %parallel_loop3A_41 = tpu.sort %parallel_loop3A_34, %parallel_loop3A_37 masked %parallel_loop3A_38 {descending = true} : (vector<16xf32>, vector<16xi32>, vector<16xi1>) -> (vector<16xi1>, vector<16xf32>, vector<16xi32>)
      %parallel_loop3A_42 = arith.constant 64 : i32
      %parallel_loop3A_43 = arith.muli %parallel_loop3A_15, %parallel_loop3A_42 : i32
      %parallel_loop3A_44 = arith.constant 32 : i32
      %parallel_loop3A_45 = arith.addi %parallel_loop3A_43, %parallel_loop3A_44 : i32
      %parallel_loop3A_46 = arith.index_cast %parallel_loop3A_45 : i32 to index
      %parallel_loop3A_47 = tpu.vector_load %arg5[%parallel_loop3A_46] {strides = array<i32>} : memref<32768xf32, #tpu.memory_space<vmem>>, vector<16xf32>,
      %parallel_loop3A_48 = arith.constant 32 : i32
      %parallel_loop3A_49 = vector.broadcast %parallel_loop3A_48 : i32 to vector<16xi32>
      %parallel_loop3A_50 = arith.addi %iota3A, %parallel_loop3A_49 : vector<16xi32>
      %parallel_loop3A_51 = arith.constant dense<true> : vector<16xi1>
      %parallel_loop3A_52, %parallel_loop3A_53, %parallel_loop3A_54 = tpu.sort %parallel_loop3A_47, %parallel_loop3A_50 masked %parallel_loop3A_51 {descending = true} : (vector<16xf32>, vector<16xi32>, vector<16xi1>) -> (vector<16xi1>, vector<16xf32>, vector<16xi32>)
      %parallel_loop3A_55 = arith.constant 64 : i32
      %parallel_loop3A_56 = arith.muli %parallel_loop3A_15, %parallel_loop3A_55 : i32
      %parallel_loop3A_57 = arith.constant 48 : i32
      %parallel_loop3A_58 = arith.addi %parallel_loop3A_56, %parallel_loop3A_57 : i32
      %parallel_loop3A_59 = arith.index_cast %parallel_loop3A_58 : i32 to index
      %parallel_loop3A_60 = tpu.vector_load %arg5[%parallel_loop3A_59] {strides = array<i32>} : memref<32768xf32, #tpu.memory_space<vmem>>, vector<16xf32>,
      %parallel_loop3A_61 = arith.constant 48 : i32
      %parallel_loop3A_62 = vector.broadcast %parallel_loop3A_61 : i32 to vector<16xi32>
      %parallel_loop3A_63 = arith.addi %iota3A, %parallel_loop3A_62 : vector<16xi32>
      %parallel_loop3A_64 = arith.constant dense<true> : vector<16xi1>
      %parallel_loop3A_65, %parallel_loop3A_66, %parallel_loop3A_67 = tpu.sort %parallel_loop3A_60, %parallel_loop3A_63 masked %parallel_loop3A_64 {descending = true} : (vector<16xf32>, vector<16xi32>, vector<16xi1>) -> (vector<16xi1>, vector<16xf32>, vector<16xi32>)
      %parallel_loop3A_68 = arith.constant 15 : i32
      %parallel_loop3A_69 = vector.broadcast %parallel_loop3A_68 : i32 to vector<16xi32>
      %parallel_loop3A_70 = tpu.iota {dimensions = array<i32: 0>} : vector<16xi32>
      %parallel_loop3A_71 = arith.subi %parallel_loop3A_69, %parallel_loop3A_70 : vector<16xi32>
      %parallel_loop3A_72 = tpu.dynamic_gather %parallel_loop3A_40[%parallel_loop3A_71] in [0] : vector<16xf32>, vector<16xi32> -> vector<16xf32>
      %parallel_loop3A_73 = arith.constant 15 : i32
      %parallel_loop3A_74 = vector.broadcast %parallel_loop3A_73 : i32 to vector<16xi32>
      %parallel_loop3A_75 = tpu.iota {dimensions = array<i32: 0>} : vector<16xi32>
      %parallel_loop3A_76 = arith.subi %parallel_loop3A_74, %parallel_loop3A_75 : vector<16xi32>
      %parallel_loop3A_77 = tpu.dynamic_gather %parallel_loop3A_41[%parallel_loop3A_76] in [0] : vector<16xi32>, vector<16xi32> -> vector<16xi32>
      %parallel_loop3A_78 = arith.cmpf oge, %parallel_loop3A_27, %parallel_loop3A_72 : vector<16xf32>
      %parallel_loop3A_79 = arith.select %parallel_loop3A_78, %parallel_loop3A_27, %parallel_loop3A_72 : vector<16xi1>, vector<16xf32>
      %parallel_loop3A_80 = arith.select %parallel_loop3A_78, %parallel_loop3A_28, %parallel_loop3A_77 : vector<16xi1>, vector<16xi32>
      %parallel_loop3A_81 = arith.constant dense<true> : vector<16xi1>
      %parallel_loop3A_82, %parallel_loop3A_83, %parallel_loop3A_84 = tpu.sort %parallel_loop3A_79, %parallel_loop3A_80 masked %parallel_loop3A_81 {descending = true} : (vector<16xf32>, vector<16xi32>, vector<16xi1>) -> (vector<16xi1>, vector<16xf32>, vector<16xi32>)
      %parallel_loop3A_85 = arith.constant 15 : i32
      %parallel_loop3A_86 = vector.broadcast %parallel_loop3A_85 : i32 to vector<16xi32>
      %parallel_loop3A_87 = tpu.iota {dimensions = array<i32: 0>} : vector<16xi32>
      %parallel_loop3A_88 = arith.subi %parallel_loop3A_86, %parallel_loop3A_87 : vector<16xi32>
      %parallel_loop3A_89 = tpu.dynamic_gather %parallel_loop3A_66[%parallel_loop3A_88] in [0] : vector<16xf32>, vector<16xi32> -> vector<16xf32>
      %parallel_loop3A_90 = arith.constant 15 : i32
      %parallel_loop3A_91 = vector.broadcast %parallel_loop3A_90 : i32 to vector<16xi32>
      %parallel_loop3A_92 = tpu.iota {dimensions = array<i32: 0>} : vector<16xi32>
      %parallel_loop3A_93 = arith.subi %parallel_loop3A_91, %parallel_loop3A_92 : vector<16xi32>
      %parallel_loop3A_94 = tpu.dynamic_gather %parallel_loop3A_67[%parallel_loop3A_93] in [0] : vector<16xi32>, vector<16xi32> -> vector<16xi32>
      %parallel_loop3A_95 = arith.cmpf oge, %parallel_loop3A_53, %parallel_loop3A_89 : vector<16xf32>
      %parallel_loop3A_96 = arith.select %parallel_loop3A_95, %parallel_loop3A_53, %parallel_loop3A_89 : vector<16xi1>, vector<16xf32>
      %parallel_loop3A_97 = arith.select %parallel_loop3A_95, %parallel_loop3A_54, %parallel_loop3A_94 : vector<16xi1>, vector<16xi32>
      %parallel_loop3A_98 = arith.constant dense<true> : vector<16xi1>
      %parallel_loop3A_99, %parallel_loop3A_100, %parallel_loop3A_101 = tpu.sort %parallel_loop3A_96, %parallel_loop3A_97 masked %parallel_loop3A_98 {descending = true} : (vector<16xf32>, vector<16xi32>, vector<16xi1>) -> (vector<16xi1>, vector<16xf32>, vector<16xi32>)
      %parallel_loop3A_102 = arith.constant 15 : i32
      %parallel_loop3A_103 = vector.broadcast %parallel_loop3A_102 : i32 to vector<16xi32>
      %parallel_loop3A_104 = tpu.iota {dimensions = array<i32: 0>} : vector<16xi32>
      %parallel_loop3A_105 = arith.subi %parallel_loop3A_103, %parallel_loop3A_104 : vector<16xi32>
      %parallel_loop3A_106 = tpu.dynamic_gather %parallel_loop3A_100[%parallel_loop3A_105] in [0] : vector<16xf32>, vector<16xi32> -> vector<16xf32>
      %parallel_loop3A_107 = arith.constant 15 : i32
      %parallel_loop3A_108 = vector.broadcast %parallel_loop3A_107 : i32 to vector<16xi32>
      %parallel_loop3A_109 = tpu.iota {dimensions = array<i32: 0>} : vector<16xi32>
      %parallel_loop3A_110 = arith.subi %parallel_loop3A_108, %parallel_loop3A_109 : vector<16xi32>
      %parallel_loop3A_111 = tpu.dynamic_gather %parallel_loop3A_101[%parallel_loop3A_110] in [0] : vector<16xi32>, vector<16xi32> -> vector<16xi32>
      %parallel_loop3A_112 = arith.cmpf oge, %parallel_loop3A_83, %parallel_loop3A_106 : vector<16xf32>
      %parallel_loop3A_113 = arith.select %parallel_loop3A_112, %parallel_loop3A_83, %parallel_loop3A_106 : vector<16xi1>, vector<16xf32>
      %parallel_loop3A_114 = arith.select %parallel_loop3A_112, %parallel_loop3A_84, %parallel_loop3A_111 : vector<16xi1>, vector<16xi32>
      %parallel_loop3A_115 = arith.constant dense<true> : vector<16xi1>
      %parallel_loop3A_116, %parallel_loop3A_117, %parallel_loop3A_118 = tpu.sort %parallel_loop3A_113, %parallel_loop3A_114 masked %parallel_loop3A_115 {descending = true} : (vector<16xf32>, vector<16xi32>, vector<16xi1>) -> (vector<16xi1>, vector<16xf32>, vector<16xi32>)
      %parallel_loop3A_119 = arith.constant true
      %parallel_loop3A_120 = vector.broadcast %parallel_loop3A_119 : i1 to vector<16xi1>
      %parallel_loop3A_121 = tpu.scan <max>, %parallel_loop3A_117 masked %parallel_loop3A_120 : vector<16xf32>, vector<16xi1> -> vector<16xf32>
      %parallel_loop3A_122 = vector.extract %parallel_loop3A_121[15] : f32 from vector<16xf32>
      %parallel_loop3A_123 = vector.broadcast %parallel_loop3A_122 : f32 to vector<16xf32>
      %parallel_loop3A_124 = arith.subf %parallel_loop3A_117, %parallel_loop3A_123 : vector<16xf32>
      %parallel_loop3A_125 = math.exp %parallel_loop3A_124 : vector<16xf32>
      %parallel_loop3A_126 = arith.constant 0.000000e+00 : f32
      %parallel_loop3A_127 = vector.broadcast %parallel_loop3A_126 : f32 to vector<16xf32>
      %parallel_loop3A_128 = arith.select %lt3A_6, %parallel_loop3A_125, %parallel_loop3A_127 : vector<16xi1>, vector<16xf32>
      %parallel_loop3A_129 = arith.constant true
      %parallel_loop3A_130 = vector.broadcast %parallel_loop3A_129 : i1 to vector<16xi1>
      %parallel_loop3A_131 = tpu.scan <sum>, %parallel_loop3A_128 masked %parallel_loop3A_130 : vector<16xf32>, vector<16xi1> -> vector<16xf32>
      %parallel_loop3A_132 = vector.extract %parallel_loop3A_131[15] : f32 from vector<16xf32>
      %parallel_loop3A_133 = vector.broadcast %parallel_loop3A_132 : f32 to vector<16xf32>
      %parallel_loop3A_134 = arith.divf %parallel_loop3A_128, %parallel_loop3A_133 : vector<16xf32>
      %parallel_loop3A_135 = arith.constant 16 : i32
      %parallel_loop3A_136 = arith.muli %parallel_loop3A_15, %parallel_loop3A_135 : i32
      %parallel_loop3A_137 = arith.index_cast %parallel_loop3A_136 : i32 to index
      %parallel_loop3A_138 = tpu.vector_load %arg6[%parallel_loop3A_137] {strides = array<i32>} : memref<8192xf32, #tpu.memory_space<vmem>>, vector<16xf32>,
      tpu.vector_store %arg6[%parallel_loop3A_137], %parallel_loop3A_134 {strides = array<i32>} : memref<8192xf32, #tpu.memory_space<vmem>>, vector<16xf32>,
      %parallel_loop3A_139 = arith.constant 16 : i32
      %parallel_loop3A_140 = arith.muli %parallel_loop3A_15, %parallel_loop3A_139 : i32
      %parallel_loop3A_141 = arith.index_cast %parallel_loop3A_140 : i32 to index
      %parallel_loop3A_142 = tpu.vector_load %arg7[%parallel_loop3A_141] {strides = array<i32>} : memref<8192xi32, #tpu.memory_space<vmem>>, vector<16xi32>,
      tpu.vector_store %arg7[%parallel_loop3A_141], %parallel_loop3A_118 {strides = array<i32>} : memref<8192xi32, #tpu.memory_space<vmem>>, vector<16xi32>,
      %parallel_loop3A_143 = arith.constant 1 : i32
      %parallel_loop3A_144 = arith.addi %parallel_loop3A_13, %parallel_loop3A_143 : i32
      %parallel_loop3A_145 = arith.constant 64 : i32
      %parallel_loop3A_146 = arith.muli %parallel_loop3A_144, %parallel_loop3A_145 : i32
      %parallel_loop3A_147 = arith.constant 0 : i32
      %parallel_loop3A_148 = arith.addi %parallel_loop3A_146, %parallel_loop3A_147 : i32
      %parallel_loop3A_149 = arith.index_cast %parallel_loop3A_148 : i32 to index
      %parallel_loop3A_150 = tpu.vector_load %arg5[%parallel_loop3A_149] {strides = array<i32>} : memref<32768xf32, #tpu.memory_space<vmem>>, vector<16xf32>,
      %parallel_loop3A_151 = arith.constant 0 : i32
      %parallel_loop3A_152 = vector.broadcast %parallel_loop3A_151 : i32 to vector<16xi32>
      %parallel_loop3A_153 = arith.addi %iota3A, %parallel_loop3A_152 : vector<16xi32>
      %parallel_loop3A_154 = arith.constant dense<true> : vector<16xi1>
      %parallel_loop3A_155, %parallel_loop3A_156, %parallel_loop3A_157 = tpu.sort %parallel_loop3A_150, %parallel_loop3A_153 masked %parallel_loop3A_154 {descending = true} : (vector<16xf32>, vector<16xi32>, vector<16xi1>) -> (vector<16xi1>, vector<16xf32>, vector<16xi32>)
      %parallel_loop3A_158 = arith.constant 64 : i32
      %parallel_loop3A_159 = arith.muli %parallel_loop3A_144, %parallel_loop3A_158 : i32
      %parallel_loop3A_160 = arith.constant 16 : i32
      %parallel_loop3A_161 = arith.addi %parallel_loop3A_159, %parallel_loop3A_160 : i32
      %parallel_loop3A_162 = arith.index_cast %parallel_loop3A_161 : i32 to index
      %parallel_loop3A_163 = tpu.vector_load %arg5[%parallel_loop3A_162] {strides = array<i32>} : memref<32768xf32, #tpu.memory_space<vmem>>, vector<16xf32>,
      %parallel_loop3A_164 = arith.constant 16 : i32
      %parallel_loop3A_165 = vector.broadcast %parallel_loop3A_164 : i32 to vector<16xi32>
      %parallel_loop3A_166 = arith.addi %iota3A, %parallel_loop3A_165 : vector<16xi32>
      %parallel_loop3A_167 = arith.constant dense<true> : vector<16xi1>
      %parallel_loop3A_168, %parallel_loop3A_169, %parallel_loop3A_170 = tpu.sort %parallel_loop3A_163, %parallel_loop3A_166 masked %parallel_loop3A_167 {descending = true} : (vector<16xf32>, vector<16xi32>, vector<16xi1>) -> (vector<16xi1>, vector<16xf32>, vector<16xi32>)
      %parallel_loop3A_171 = arith.constant 64 : i32
      %parallel_loop3A_172 = arith.muli %parallel_loop3A_144, %parallel_loop3A_171 : i32
      %parallel_loop3A_173 = arith.constant 32 : i32
      %parallel_loop3A_174 = arith.addi %parallel_loop3A_172, %parallel_loop3A_173 : i32
      %parallel_loop3A_175 = arith.index_cast %parallel_loop3A_174 : i32 to index
      %parallel_loop3A_176 = tpu.vector_load %arg5[%parallel_loop3A_175] {strides = array<i32>} : memref<32768xf32, #tpu.memory_space<vmem>>, vector<16xf32>,
      %parallel_loop3A_177 = arith.constant 32 : i32
      %parallel_loop3A_178 = vector.broadcast %parallel_loop3A_177 : i32 to vector<16xi32>
      %parallel_loop3A_179 = arith.addi %iota3A, %parallel_loop3A_178 : vector<16xi32>
      %parallel_loop3A_180 = arith.constant dense<true> : vector<16xi1>
      %parallel_loop3A_181, %parallel_loop3A_182, %parallel_loop3A_183 = tpu.sort %parallel_loop3A_176, %parallel_loop3A_179 masked %parallel_loop3A_180 {descending = true} : (vector<16xf32>, vector<16xi32>, vector<16xi1>) -> (vector<16xi1>, vector<16xf32>, vector<16xi32>)
      %parallel_loop3A_184 = arith.constant 64 : i32
      %parallel_loop3A_185 = arith.muli %parallel_loop3A_144, %parallel_loop3A_184 : i32
      %parallel_loop3A_186 = arith.constant 48 : i32
      %parallel_loop3A_187 = arith.addi %parallel_loop3A_185, %parallel_loop3A_186 : i32
      %parallel_loop3A_188 = arith.index_cast %parallel_loop3A_187 : i32 to index
      %parallel_loop3A_189 = tpu.vector_load %arg5[%parallel_loop3A_188] {strides = array<i32>} : memref<32768xf32, #tpu.memory_space<vmem>>, vector<16xf32>,
      %parallel_loop3A_190 = arith.constant 48 : i32
      %parallel_loop3A_191 = vector.broadcast %parallel_loop3A_190 : i32 to vector<16xi32>
      %parallel_loop3A_192 = arith.addi %iota3A, %parallel_loop3A_191 : vector<16xi32>
      %parallel_loop3A_193 = arith.constant dense<true> : vector<16xi1>
      %parallel_loop3A_194, %parallel_loop3A_195, %parallel_loop3A_196 = tpu.sort %parallel_loop3A_189, %parallel_loop3A_192 masked %parallel_loop3A_193 {descending = true} : (vector<16xf32>, vector<16xi32>, vector<16xi1>) -> (vector<16xi1>, vector<16xf32>, vector<16xi32>)
      %parallel_loop3A_197 = arith.constant 15 : i32
      %parallel_loop3A_198 = vector.broadcast %parallel_loop3A_197 : i32 to vector<16xi32>
      %parallel_loop3A_199 = tpu.iota {dimensions = array<i32: 0>} : vector<16xi32>
      %parallel_loop3A_200 = arith.subi %parallel_loop3A_198, %parallel_loop3A_199 : vector<16xi32>
      %parallel_loop3A_201 = tpu.dynamic_gather %parallel_loop3A_169[%parallel_loop3A_200] in [0] : vector<16xf32>, vector<16xi32> -> vector<16xf32>
      %parallel_loop3A_202 = arith.constant 15 : i32
      %parallel_loop3A_203 = vector.broadcast %parallel_loop3A_202 : i32 to vector<16xi32>
      %parallel_loop3A_204 = tpu.iota {dimensions = array<i32: 0>} : vector<16xi32>
      %parallel_loop3A_205 = arith.subi %parallel_loop3A_203, %parallel_loop3A_204 : vector<16xi32>
      %parallel_loop3A_206 = tpu.dynamic_gather %parallel_loop3A_170[%parallel_loop3A_205] in [0] : vector<16xi32>, vector<16xi32> -> vector<16xi32>
      %parallel_loop3A_207 = arith.cmpf oge, %parallel_loop3A_156, %parallel_loop3A_201 : vector<16xf32>
      %parallel_loop3A_208 = arith.select %parallel_loop3A_207, %parallel_loop3A_156, %parallel_loop3A_201 : vector<16xi1>, vector<16xf32>
      %parallel_loop3A_209 = arith.select %parallel_loop3A_207, %parallel_loop3A_157, %parallel_loop3A_206 : vector<16xi1>, vector<16xi32>
      %parallel_loop3A_210 = arith.constant dense<true> : vector<16xi1>
      %parallel_loop3A_211, %parallel_loop3A_212, %parallel_loop3A_213 = tpu.sort %parallel_loop3A_208, %parallel_loop3A_209 masked %parallel_loop3A_210 {descending = true} : (vector<16xf32>, vector<16xi32>, vector<16xi1>) -> (vector<16xi1>, vector<16xf32>, vector<16xi32>)
      %parallel_loop3A_214 = arith.constant 15 : i32
      %parallel_loop3A_215 = vector.broadcast %parallel_loop3A_214 : i32 to vector<16xi32>
      %parallel_loop3A_216 = tpu.iota {dimensions = array<i32: 0>} : vector<16xi32>
      %parallel_loop3A_217 = arith.subi %parallel_loop3A_215, %parallel_loop3A_216 : vector<16xi32>
      %parallel_loop3A_218 = tpu.dynamic_gather %parallel_loop3A_195[%parallel_loop3A_217] in [0] : vector<16xf32>, vector<16xi32> -> vector<16xf32>
      %parallel_loop3A_219 = arith.constant 15 : i32
      %parallel_loop3A_220 = vector.broadcast %parallel_loop3A_219 : i32 to vector<16xi32>
      %parallel_loop3A_221 = tpu.iota {dimensions = array<i32: 0>} : vector<16xi32>
      %parallel_loop3A_222 = arith.subi %parallel_loop3A_220, %parallel_loop3A_221 : vector<16xi32>
      %parallel_loop3A_223 = tpu.dynamic_gather %parallel_loop3A_196[%parallel_loop3A_222] in [0] : vector<16xi32>, vector<16xi32> -> vector<16xi32>
      %parallel_loop3A_224 = arith.cmpf oge, %parallel_loop3A_182, %parallel_loop3A_218 : vector<16xf32>
      %parallel_loop3A_225 = arith.select %parallel_loop3A_224, %parallel_loop3A_182, %parallel_loop3A_218 : vector<16xi1>, vector<16xf32>
      %parallel_loop3A_226 = arith.select %parallel_loop3A_224, %parallel_loop3A_183, %parallel_loop3A_223 : vector<16xi1>, vector<16xi32>
      %parallel_loop3A_227 = arith.constant dense<true> : vector<16xi1>
      %parallel_loop3A_228, %parallel_loop3A_229, %parallel_loop3A_230 = tpu.sort %parallel_loop3A_225, %parallel_loop3A_226 masked %parallel_loop3A_227 {descending = true} : (vector<16xf32>, vector<16xi32>, vector<16xi1>) -> (vector<16xi1>, vector<16xf32>, vector<16xi32>)
      %parallel_loop3A_231 = arith.constant 15 : i32
      %parallel_loop3A_232 = vector.broadcast %parallel_loop3A_231 : i32 to vector<16xi32>
      %parallel_loop3A_233 = tpu.iota {dimensions = array<i32: 0>} : vector<16xi32>
      %parallel_loop3A_234 = arith.subi %parallel_loop3A_232, %parallel_loop3A_233 : vector<16xi32>
      %parallel_loop3A_235 = tpu.dynamic_gather %parallel_loop3A_229[%parallel_loop3A_234] in [0] : vector<16xf32>, vector<16xi32> -> vector<16xf32>
      %parallel_loop3A_236 = arith.constant 15 : i32
      %parallel_loop3A_237 = vector.broadcast %parallel_loop3A_236 : i32 to vector<16xi32>
      %parallel_loop3A_238 = tpu.iota {dimensions = array<i32: 0>} : vector<16xi32>
      %parallel_loop3A_239 = arith.subi %parallel_loop3A_237, %parallel_loop3A_238 : vector<16xi32>
      %parallel_loop3A_240 = tpu.dynamic_gather %parallel_loop3A_230[%parallel_loop3A_239] in [0] : vector<16xi32>, vector<16xi32> -> vector<16xi32>
      %parallel_loop3A_241 = arith.cmpf oge, %parallel_loop3A_212, %parallel_loop3A_235 : vector<16xf32>
      %parallel_loop3A_242 = arith.select %parallel_loop3A_241, %parallel_loop3A_212, %parallel_loop3A_235 : vector<16xi1>, vector<16xf32>
      %parallel_loop3A_243 = arith.select %parallel_loop3A_241, %parallel_loop3A_213, %parallel_loop3A_240 : vector<16xi1>, vector<16xi32>
      %parallel_loop3A_244 = arith.constant dense<true> : vector<16xi1>
      %parallel_loop3A_245, %parallel_loop3A_246, %parallel_loop3A_247 = tpu.sort %parallel_loop3A_242, %parallel_loop3A_243 masked %parallel_loop3A_244 {descending = true} : (vector<16xf32>, vector<16xi32>, vector<16xi1>) -> (vector<16xi1>, vector<16xf32>, vector<16xi32>)
      %parallel_loop3A_248 = arith.constant true
      %parallel_loop3A_249 = vector.broadcast %parallel_loop3A_248 : i1 to vector<16xi1>
      %parallel_loop3A_250 = tpu.scan <max>, %parallel_loop3A_246 masked %parallel_loop3A_249 : vector<16xf32>, vector<16xi1> -> vector<16xf32>
      %parallel_loop3A_251 = vector.extract %parallel_loop3A_250[15] : f32 from vector<16xf32>
      %parallel_loop3A_252 = vector.broadcast %parallel_loop3A_251 : f32 to vector<16xf32>
      %parallel_loop3A_253 = arith.subf %parallel_loop3A_246, %parallel_loop3A_252 : vector<16xf32>
      %parallel_loop3A_254 = math.exp %parallel_loop3A_253 : vector<16xf32>
      %parallel_loop3A_255 = arith.constant 0.000000e+00 : f32
      %parallel_loop3A_256 = vector.broadcast %parallel_loop3A_255 : f32 to vector<16xf32>
      %parallel_loop3A_257 = arith.select %lt3A_6, %parallel_loop3A_254, %parallel_loop3A_256 : vector<16xi1>, vector<16xf32>
      %parallel_loop3A_258 = arith.constant true
      %parallel_loop3A_259 = vector.broadcast %parallel_loop3A_258 : i1 to vector<16xi1>
      %parallel_loop3A_260 = tpu.scan <sum>, %parallel_loop3A_257 masked %parallel_loop3A_259 : vector<16xf32>, vector<16xi1> -> vector<16xf32>
      %parallel_loop3A_261 = vector.extract %parallel_loop3A_260[15] : f32 from vector<16xf32>
      %parallel_loop3A_262 = vector.broadcast %parallel_loop3A_261 : f32 to vector<16xf32>
      %parallel_loop3A_263 = arith.divf %parallel_loop3A_257, %parallel_loop3A_262 : vector<16xf32>
      %parallel_loop3A_264 = arith.constant 16 : i32
      %parallel_loop3A_265 = arith.muli %parallel_loop3A_144, %parallel_loop3A_264 : i32
      %parallel_loop3A_266 = arith.index_cast %parallel_loop3A_265 : i32 to index
      %parallel_loop3A_267 = tpu.vector_load %arg6[%parallel_loop3A_266] {strides = array<i32>} : memref<8192xf32, #tpu.memory_space<vmem>>, vector<16xf32>,
      tpu.vector_store %arg6[%parallel_loop3A_266], %parallel_loop3A_263 {strides = array<i32>} : memref<8192xf32, #tpu.memory_space<vmem>>, vector<16xf32>,
      %parallel_loop3A_268 = arith.constant 16 : i32
      %parallel_loop3A_269 = arith.muli %parallel_loop3A_144, %parallel_loop3A_268 : i32
      %parallel_loop3A_270 = arith.index_cast %parallel_loop3A_269 : i32 to index
      %parallel_loop3A_271 = tpu.vector_load %arg7[%parallel_loop3A_270] {strides = array<i32>} : memref<8192xi32, #tpu.memory_space<vmem>>, vector<16xi32>,
      tpu.vector_store %arg7[%parallel_loop3A_270], %parallel_loop3A_247 {strides = array<i32>} : memref<8192xi32, #tpu.memory_space<vmem>>, vector<16xi32>,
      %parallel_loop3A_272 = arith.constant 2 : i32
      %parallel_loop3A_273 = arith.addi %parallel_loop3A_13, %parallel_loop3A_272 : i32
      %parallel_loop3A_274 = arith.constant 64 : i32
      %parallel_loop3A_275 = arith.muli %parallel_loop3A_273, %parallel_loop3A_274 : i32
      %parallel_loop3A_276 = arith.constant 0 : i32
      %parallel_loop3A_277 = arith.addi %parallel_loop3A_275, %parallel_loop3A_276 : i32
      %parallel_loop3A_278 = arith.index_cast %parallel_loop3A_277 : i32 to index
      %parallel_loop3A_279 = tpu.vector_load %arg5[%parallel_loop3A_278] {strides = array<i32>} : memref<32768xf32, #tpu.memory_space<vmem>>, vector<16xf32>,
      %parallel_loop3A_280 = arith.constant 0 : i32
      %parallel_loop3A_281 = vector.broadcast %parallel_loop3A_280 : i32 to vector<16xi32>
      %parallel_loop3A_282 = arith.addi %iota3A, %parallel_loop3A_281 : vector<16xi32>
      %parallel_loop3A_283 = arith.constant dense<true> : vector<16xi1>
      %parallel_loop3A_284, %parallel_loop3A_285, %parallel_loop3A_286 = tpu.sort %parallel_loop3A_279, %parallel_loop3A_282 masked %parallel_loop3A_283 {descending = true} : (vector<16xf32>, vector<16xi32>, vector<16xi1>) -> (vector<16xi1>, vector<16xf32>, vector<16xi32>)
      %parallel_loop3A_287 = arith.constant 64 : i32
      %parallel_loop3A_288 = arith.muli %parallel_loop3A_273, %parallel_loop3A_287 : i32
      %parallel_loop3A_289 = arith.constant 16 : i32
      %parallel_loop3A_290 = arith.addi %parallel_loop3A_288, %parallel_loop3A_289 : i32
      %parallel_loop3A_291 = arith.index_cast %parallel_loop3A_290 : i32 to index
      %parallel_loop3A_292 = tpu.vector_load %arg5[%parallel_loop3A_291] {strides = array<i32>} : memref<32768xf32, #tpu.memory_space<vmem>>, vector<16xf32>,
      %parallel_loop3A_293 = arith.constant 16 : i32
      %parallel_loop3A_294 = vector.broadcast %parallel_loop3A_293 : i32 to vector<16xi32>
      %parallel_loop3A_295 = arith.addi %iota3A, %parallel_loop3A_294 : vector<16xi32>
      %parallel_loop3A_296 = arith.constant dense<true> : vector<16xi1>
      %parallel_loop3A_297, %parallel_loop3A_298, %parallel_loop3A_299 = tpu.sort %parallel_loop3A_292, %parallel_loop3A_295 masked %parallel_loop3A_296 {descending = true} : (vector<16xf32>, vector<16xi32>, vector<16xi1>) -> (vector<16xi1>, vector<16xf32>, vector<16xi32>)
      %parallel_loop3A_300 = arith.constant 64 : i32
      %parallel_loop3A_301 = arith.muli %parallel_loop3A_273, %parallel_loop3A_300 : i32
      %parallel_loop3A_302 = arith.constant 32 : i32
      %parallel_loop3A_303 = arith.addi %parallel_loop3A_301, %parallel_loop3A_302 : i32
      %parallel_loop3A_304 = arith.index_cast %parallel_loop3A_303 : i32 to index
      %parallel_loop3A_305 = tpu.vector_load %arg5[%parallel_loop3A_304] {strides = array<i32>} : memref<32768xf32, #tpu.memory_space<vmem>>, vector<16xf32>,
      %parallel_loop3A_306 = arith.constant 32 : i32
      %parallel_loop3A_307 = vector.broadcast %parallel_loop3A_306 : i32 to vector<16xi32>
      %parallel_loop3A_308 = arith.addi %iota3A, %parallel_loop3A_307 : vector<16xi32>
      %parallel_loop3A_309 = arith.constant dense<true> : vector<16xi1>
      %parallel_loop3A_310, %parallel_loop3A_311, %parallel_loop3A_312 = tpu.sort %parallel_loop3A_305, %parallel_loop3A_308 masked %parallel_loop3A_309 {descending = true} : (vector<16xf32>, vector<16xi32>, vector<16xi1>) -> (vector<16xi1>, vector<16xf32>, vector<16xi32>)
      %parallel_loop3A_313 = arith.constant 64 : i32
      %parallel_loop3A_314 = arith.muli %parallel_loop3A_273, %parallel_loop3A_313 : i32
      %parallel_loop3A_315 = arith.constant 48 : i32
      %parallel_loop3A_316 = arith.addi %parallel_loop3A_314, %parallel_loop3A_315 : i32
      %parallel_loop3A_317 = arith.index_cast %parallel_loop3A_316 : i32 to index
      %parallel_loop3A_318 = tpu.vector_load %arg5[%parallel_loop3A_317] {strides = array<i32>} : memref<32768xf32, #tpu.memory_space<vmem>>, vector<16xf32>,
      %parallel_loop3A_319 = arith.constant 48 : i32
      %parallel_loop3A_320 = vector.broadcast %parallel_loop3A_319 : i32 to vector<16xi32>
      %parallel_loop3A_321 = arith.addi %iota3A, %parallel_loop3A_320 : vector<16xi32>
      %parallel_loop3A_322 = arith.constant dense<true> : vector<16xi1>
      %parallel_loop3A_323, %parallel_loop3A_324, %parallel_loop3A_325 = tpu.sort %parallel_loop3A_318, %parallel_loop3A_321 masked %parallel_loop3A_322 {descending = true} : (vector<16xf32>, vector<16xi32>, vector<16xi1>) -> (vector<16xi1>, vector<16xf32>, vector<16xi32>)
      %parallel_loop3A_326 = arith.constant 15 : i32
      %parallel_loop3A_327 = vector.broadcast %parallel_loop3A_326 : i32 to vector<16xi32>
      %parallel_loop3A_328 = tpu.iota {dimensions = array<i32: 0>} : vector<16xi32>
      %parallel_loop3A_329 = arith.subi %parallel_loop3A_327, %parallel_loop3A_328 : vector<16xi32>
      %parallel_loop3A_330 = tpu.dynamic_gather %parallel_loop3A_298[%parallel_loop3A_329] in [0] : vector<16xf32>, vector<16xi32> -> vector<16xf32>
      %parallel_loop3A_331 = arith.constant 15 : i32
      %parallel_loop3A_332 = vector.broadcast %parallel_loop3A_331 : i32 to vector<16xi32>
      %parallel_loop3A_333 = tpu.iota {dimensions = array<i32: 0>} : vector<16xi32>
      %parallel_loop3A_334 = arith.subi %parallel_loop3A_332, %parallel_loop3A_333 : vector<16xi32>
      %parallel_loop3A_335 = tpu.dynamic_gather %parallel_loop3A_299[%parallel_loop3A_334] in [0] : vector<16xi32>, vector<16xi32> -> vector<16xi32>
      %parallel_loop3A_336 = arith.cmpf oge, %parallel_loop3A_285, %parallel_loop3A_330 : vector<16xf32>
      %parallel_loop3A_337 = arith.select %parallel_loop3A_336, %parallel_loop3A_285, %parallel_loop3A_330 : vector<16xi1>, vector<16xf32>
      %parallel_loop3A_338 = arith.select %parallel_loop3A_336, %parallel_loop3A_286, %parallel_loop3A_335 : vector<16xi1>, vector<16xi32>
      %parallel_loop3A_339 = arith.constant dense<true> : vector<16xi1>
      %parallel_loop3A_340, %parallel_loop3A_341, %parallel_loop3A_342 = tpu.sort %parallel_loop3A_337, %parallel_loop3A_338 masked %parallel_loop3A_339 {descending = true} : (vector<16xf32>, vector<16xi32>, vector<16xi1>) -> (vector<16xi1>, vector<16xf32>, vector<16xi32>)
      %parallel_loop3A_343 = arith.constant 15 : i32
      %parallel_loop3A_344 = vector.broadcast %parallel_loop3A_343 : i32 to vector<16xi32>
      %parallel_loop3A_345 = tpu.iota {dimensions = array<i32: 0>} : vector<16xi32>
      %parallel_loop3A_346 = arith.subi %parallel_loop3A_344, %parallel_loop3A_345 : vector<16xi32>
      %parallel_loop3A_347 = tpu.dynamic_gather %parallel_loop3A_324[%parallel_loop3A_346] in [0] : vector<16xf32>, vector<16xi32> -> vector<16xf32>
      %parallel_loop3A_348 = arith.constant 15 : i32
      %parallel_loop3A_349 = vector.broadcast %parallel_loop3A_348 : i32 to vector<16xi32>
      %parallel_loop3A_350 = tpu.iota {dimensions = array<i32: 0>} : vector<16xi32>
      %parallel_loop3A_351 = arith.subi %parallel_loop3A_349, %parallel_loop3A_350 : vector<16xi32>
      %parallel_loop3A_352 = tpu.dynamic_gather %parallel_loop3A_325[%parallel_loop3A_351] in [0] : vector<16xi32>, vector<16xi32> -> vector<16xi32>
      %parallel_loop3A_353 = arith.cmpf oge, %parallel_loop3A_311, %parallel_loop3A_347 : vector<16xf32>
      %parallel_loop3A_354 = arith.select %parallel_loop3A_353, %parallel_loop3A_311, %parallel_loop3A_347 : vector<16xi1>, vector<16xf32>
      %parallel_loop3A_355 = arith.select %parallel_loop3A_353, %parallel_loop3A_312, %parallel_loop3A_352 : vector<16xi1>, vector<16xi32>
      %parallel_loop3A_356 = arith.constant dense<true> : vector<16xi1>
      %parallel_loop3A_357, %parallel_loop3A_358, %parallel_loop3A_359 = tpu.sort %parallel_loop3A_354, %parallel_loop3A_355 masked %parallel_loop3A_356 {descending = true} : (vector<16xf32>, vector<16xi32>, vector<16xi1>) -> (vector<16xi1>, vector<16xf32>, vector<16xi32>)
      %parallel_loop3A_360 = arith.constant 15 : i32
      %parallel_loop3A_361 = vector.broadcast %parallel_loop3A_360 : i32 to vector<16xi32>
      %parallel_loop3A_362 = tpu.iota {dimensions = array<i32: 0>} : vector<16xi32>
      %parallel_loop3A_363 = arith.subi %parallel_loop3A_361, %parallel_loop3A_362 : vector<16xi32>
      %parallel_loop3A_364 = tpu.dynamic_gather %parallel_loop3A_358[%parallel_loop3A_363] in [0] : vector<16xf32>, vector<16xi32> -> vector<16xf32>
      %parallel_loop3A_365 = arith.constant 15 : i32
      %parallel_loop3A_366 = vector.broadcast %parallel_loop3A_365 : i32 to vector<16xi32>
      %parallel_loop3A_367 = tpu.iota {dimensions = array<i32: 0>} : vector<16xi32>
      %parallel_loop3A_368 = arith.subi %parallel_loop3A_366, %parallel_loop3A_367 : vector<16xi32>
      %parallel_loop3A_369 = tpu.dynamic_gather %parallel_loop3A_359[%parallel_loop3A_368] in [0] : vector<16xi32>, vector<16xi32> -> vector<16xi32>
      %parallel_loop3A_370 = arith.cmpf oge, %parallel_loop3A_341, %parallel_loop3A_364 : vector<16xf32>
      %parallel_loop3A_371 = arith.select %parallel_loop3A_370, %parallel_loop3A_341, %parallel_loop3A_364 : vector<16xi1>, vector<16xf32>
      %parallel_loop3A_372 = arith.select %parallel_loop3A_370, %parallel_loop3A_342, %parallel_loop3A_369 : vector<16xi1>, vector<16xi32>
      %parallel_loop3A_373 = arith.constant dense<true> : vector<16xi1>
      %parallel_loop3A_374, %parallel_loop3A_375, %parallel_loop3A_376 = tpu.sort %parallel_loop3A_371, %parallel_loop3A_372 masked %parallel_loop3A_373 {descending = true} : (vector<16xf32>, vector<16xi32>, vector<16xi1>) -> (vector<16xi1>, vector<16xf32>, vector<16xi32>)
      %parallel_loop3A_377 = arith.constant true
      %parallel_loop3A_378 = vector.broadcast %parallel_loop3A_377 : i1 to vector<16xi1>
      %parallel_loop3A_379 = tpu.scan <max>, %parallel_loop3A_375 masked %parallel_loop3A_378 : vector<16xf32>, vector<16xi1> -> vector<16xf32>
      %parallel_loop3A_380 = vector.extract %parallel_loop3A_379[15] : f32 from vector<16xf32>
      %parallel_loop3A_381 = vector.broadcast %parallel_loop3A_380 : f32 to vector<16xf32>
      %parallel_loop3A_382 = arith.subf %parallel_loop3A_375, %parallel_loop3A_381 : vector<16xf32>
      %parallel_loop3A_383 = math.exp %parallel_loop3A_382 : vector<16xf32>
      %parallel_loop3A_384 = arith.constant 0.000000e+00 : f32
      %parallel_loop3A_385 = vector.broadcast %parallel_loop3A_384 : f32 to vector<16xf32>
      %parallel_loop3A_386 = arith.select %lt3A_6, %parallel_loop3A_383, %parallel_loop3A_385 : vector<16xi1>, vector<16xf32>
      %parallel_loop3A_387 = arith.constant true
      %parallel_loop3A_388 = vector.broadcast %parallel_loop3A_387 : i1 to vector<16xi1>
      %parallel_loop3A_389 = tpu.scan <sum>, %parallel_loop3A_386 masked %parallel_loop3A_388 : vector<16xf32>, vector<16xi1> -> vector<16xf32>
      %parallel_loop3A_390 = vector.extract %parallel_loop3A_389[15] : f32 from vector<16xf32>
      %parallel_loop3A_391 = vector.broadcast %parallel_loop3A_390 : f32 to vector<16xf32>
      %parallel_loop3A_392 = arith.divf %parallel_loop3A_386, %parallel_loop3A_391 : vector<16xf32>
      %parallel_loop3A_393 = arith.constant 16 : i32
      %parallel_loop3A_394 = arith.muli %parallel_loop3A_273, %parallel_loop3A_393 : i32
      %parallel_loop3A_395 = arith.index_cast %parallel_loop3A_394 : i32 to index
      %parallel_loop3A_396 = tpu.vector_load %arg6[%parallel_loop3A_395] {strides = array<i32>} : memref<8192xf32, #tpu.memory_space<vmem>>, vector<16xf32>,
      tpu.vector_store %arg6[%parallel_loop3A_395], %parallel_loop3A_392 {strides = array<i32>} : memref<8192xf32, #tpu.memory_space<vmem>>, vector<16xf32>,
      %parallel_loop3A_397 = arith.constant 16 : i32
      %parallel_loop3A_398 = arith.muli %parallel_loop3A_273, %parallel_loop3A_397 : i32
      %parallel_loop3A_399 = arith.index_cast %parallel_loop3A_398 : i32 to index
      %parallel_loop3A_400 = tpu.vector_load %arg7[%parallel_loop3A_399] {strides = array<i32>} : memref<8192xi32, #tpu.memory_space<vmem>>, vector<16xi32>,
      tpu.vector_store %arg7[%parallel_loop3A_399], %parallel_loop3A_376 {strides = array<i32>} : memref<8192xi32, #tpu.memory_space<vmem>>, vector<16xi32>,
      %parallel_loop3A_401 = arith.constant 3 : i32
      %parallel_loop3A_402 = arith.addi %parallel_loop3A_13, %parallel_loop3A_401 : i32
      %parallel_loop3A_403 = arith.constant 64 : i32
      %parallel_loop3A_404 = arith.muli %parallel_loop3A_402, %parallel_loop3A_403 : i32
      %parallel_loop3A_405 = arith.constant 0 : i32
      %parallel_loop3A_406 = arith.addi %parallel_loop3A_404, %parallel_loop3A_405 : i32
      %parallel_loop3A_407 = arith.index_cast %parallel_loop3A_406 : i32 to index
      %parallel_loop3A_408 = tpu.vector_load %arg5[%parallel_loop3A_407] {strides = array<i32>} : memref<32768xf32, #tpu.memory_space<vmem>>, vector<16xf32>,
      %parallel_loop3A_409 = arith.constant 0 : i32
      %parallel_loop3A_410 = vector.broadcast %parallel_loop3A_409 : i32 to vector<16xi32>
      %parallel_loop3A_411 = arith.addi %iota3A, %parallel_loop3A_410 : vector<16xi32>
      %parallel_loop3A_412 = arith.constant dense<true> : vector<16xi1>
      %parallel_loop3A_413, %parallel_loop3A_414, %parallel_loop3A_415 = tpu.sort %parallel_loop3A_408, %parallel_loop3A_411 masked %parallel_loop3A_412 {descending = true} : (vector<16xf32>, vector<16xi32>, vector<16xi1>) -> (vector<16xi1>, vector<16xf32>, vector<16xi32>)
      %parallel_loop3A_416 = arith.constant 64 : i32
      %parallel_loop3A_417 = arith.muli %parallel_loop3A_402, %parallel_loop3A_416 : i32
      %parallel_loop3A_418 = arith.constant 16 : i32
      %parallel_loop3A_419 = arith.addi %parallel_loop3A_417, %parallel_loop3A_418 : i32
      %parallel_loop3A_420 = arith.index_cast %parallel_loop3A_419 : i32 to index
      %parallel_loop3A_421 = tpu.vector_load %arg5[%parallel_loop3A_420] {strides = array<i32>} : memref<32768xf32, #tpu.memory_space<vmem>>, vector<16xf32>,
      %parallel_loop3A_422 = arith.constant 16 : i32
      %parallel_loop3A_423 = vector.broadcast %parallel_loop3A_422 : i32 to vector<16xi32>
      %parallel_loop3A_424 = arith.addi %iota3A, %parallel_loop3A_423 : vector<16xi32>
      %parallel_loop3A_425 = arith.constant dense<true> : vector<16xi1>
      %parallel_loop3A_426, %parallel_loop3A_427, %parallel_loop3A_428 = tpu.sort %parallel_loop3A_421, %parallel_loop3A_424 masked %parallel_loop3A_425 {descending = true} : (vector<16xf32>, vector<16xi32>, vector<16xi1>) -> (vector<16xi1>, vector<16xf32>, vector<16xi32>)
      %parallel_loop3A_429 = arith.constant 64 : i32
      %parallel_loop3A_430 = arith.muli %parallel_loop3A_402, %parallel_loop3A_429 : i32
      %parallel_loop3A_431 = arith.constant 32 : i32
      %parallel_loop3A_432 = arith.addi %parallel_loop3A_430, %parallel_loop3A_431 : i32
      %parallel_loop3A_433 = arith.index_cast %parallel_loop3A_432 : i32 to index
      %parallel_loop3A_434 = tpu.vector_load %arg5[%parallel_loop3A_433] {strides = array<i32>} : memref<32768xf32, #tpu.memory_space<vmem>>, vector<16xf32>,
      %parallel_loop3A_435 = arith.constant 32 : i32
      %parallel_loop3A_436 = vector.broadcast %parallel_loop3A_435 : i32 to vector<16xi32>
      %parallel_loop3A_437 = arith.addi %iota3A, %parallel_loop3A_436 : vector<16xi32>
      %parallel_loop3A_438 = arith.constant dense<true> : vector<16xi1>
      %parallel_loop3A_439, %parallel_loop3A_440, %parallel_loop3A_441 = tpu.sort %parallel_loop3A_434, %parallel_loop3A_437 masked %parallel_loop3A_438 {descending = true} : (vector<16xf32>, vector<16xi32>, vector<16xi1>) -> (vector<16xi1>, vector<16xf32>, vector<16xi32>)
      %parallel_loop3A_442 = arith.constant 64 : i32
      %parallel_loop3A_443 = arith.muli %parallel_loop3A_402, %parallel_loop3A_442 : i32
      %parallel_loop3A_444 = arith.constant 48 : i32
      %parallel_loop3A_445 = arith.addi %parallel_loop3A_443, %parallel_loop3A_444 : i32
      %parallel_loop3A_446 = arith.index_cast %parallel_loop3A_445 : i32 to index
      %parallel_loop3A_447 = tpu.vector_load %arg5[%parallel_loop3A_446] {strides = array<i32>} : memref<32768xf32, #tpu.memory_space<vmem>>, vector<16xf32>,
      %parallel_loop3A_448 = arith.constant 48 : i32
      %parallel_loop3A_449 = vector.broadcast %parallel_loop3A_448 : i32 to vector<16xi32>
      %parallel_loop3A_450 = arith.addi %iota3A, %parallel_loop3A_449 : vector<16xi32>
      %parallel_loop3A_451 = arith.constant dense<true> : vector<16xi1>
      %parallel_loop3A_452, %parallel_loop3A_453, %parallel_loop3A_454 = tpu.sort %parallel_loop3A_447, %parallel_loop3A_450 masked %parallel_loop3A_451 {descending = true} : (vector<16xf32>, vector<16xi32>, vector<16xi1>) -> (vector<16xi1>, vector<16xf32>, vector<16xi32>)
      %parallel_loop3A_455 = arith.constant 15 : i32
      %parallel_loop3A_456 = vector.broadcast %parallel_loop3A_455 : i32 to vector<16xi32>
      %parallel_loop3A_457 = tpu.iota {dimensions = array<i32: 0>} : vector<16xi32>
      %parallel_loop3A_458 = arith.subi %parallel_loop3A_456, %parallel_loop3A_457 : vector<16xi32>
      %parallel_loop3A_459 = tpu.dynamic_gather %parallel_loop3A_427[%parallel_loop3A_458] in [0] : vector<16xf32>, vector<16xi32> -> vector<16xf32>
      %parallel_loop3A_460 = arith.constant 15 : i32
      %parallel_loop3A_461 = vector.broadcast %parallel_loop3A_460 : i32 to vector<16xi32>
      %parallel_loop3A_462 = tpu.iota {dimensions = array<i32: 0>} : vector<16xi32>
      %parallel_loop3A_463 = arith.subi %parallel_loop3A_461, %parallel_loop3A_462 : vector<16xi32>
      %parallel_loop3A_464 = tpu.dynamic_gather %parallel_loop3A_428[%parallel_loop3A_463] in [0] : vector<16xi32>, vector<16xi32> -> vector<16xi32>
      %parallel_loop3A_465 = arith.cmpf oge, %parallel_loop3A_414, %parallel_loop3A_459 : vector<16xf32>
      %parallel_loop3A_466 = arith.select %parallel_loop3A_465, %parallel_loop3A_414, %parallel_loop3A_459 : vector<16xi1>, vector<16xf32>
      %parallel_loop3A_467 = arith.select %parallel_loop3A_465, %parallel_loop3A_415, %parallel_loop3A_464 : vector<16xi1>, vector<16xi32>
      %parallel_loop3A_468 = arith.constant dense<true> : vector<16xi1>
      %parallel_loop3A_469, %parallel_loop3A_470, %parallel_loop3A_471 = tpu.sort %parallel_loop3A_466, %parallel_loop3A_467 masked %parallel_loop3A_468 {descending = true} : (vector<16xf32>, vector<16xi32>, vector<16xi1>) -> (vector<16xi1>, vector<16xf32>, vector<16xi32>)
      %parallel_loop3A_472 = arith.constant 15 : i32
      %parallel_loop3A_473 = vector.broadcast %parallel_loop3A_472 : i32 to vector<16xi32>
      %parallel_loop3A_474 = tpu.iota {dimensions = array<i32: 0>} : vector<16xi32>
      %parallel_loop3A_475 = arith.subi %parallel_loop3A_473, %parallel_loop3A_474 : vector<16xi32>
      %parallel_loop3A_476 = tpu.dynamic_gather %parallel_loop3A_453[%parallel_loop3A_475] in [0] : vector<16xf32>, vector<16xi32> -> vector<16xf32>
      %parallel_loop3A_477 = arith.constant 15 : i32
      %parallel_loop3A_478 = vector.broadcast %parallel_loop3A_477 : i32 to vector<16xi32>
      %parallel_loop3A_479 = tpu.iota {dimensions = array<i32: 0>} : vector<16xi32>
      %parallel_loop3A_480 = arith.subi %parallel_loop3A_478, %parallel_loop3A_479 : vector<16xi32>
      %parallel_loop3A_481 = tpu.dynamic_gather %parallel_loop3A_454[%parallel_loop3A_480] in [0] : vector<16xi32>, vector<16xi32> -> vector<16xi32>
      %parallel_loop3A_482 = arith.cmpf oge, %parallel_loop3A_440, %parallel_loop3A_476 : vector<16xf32>
      %parallel_loop3A_483 = arith.select %parallel_loop3A_482, %parallel_loop3A_440, %parallel_loop3A_476 : vector<16xi1>, vector<16xf32>
      %parallel_loop3A_484 = arith.select %parallel_loop3A_482, %parallel_loop3A_441, %parallel_loop3A_481 : vector<16xi1>, vector<16xi32>
      %parallel_loop3A_485 = arith.constant dense<true> : vector<16xi1>
      %parallel_loop3A_486, %parallel_loop3A_487, %parallel_loop3A_488 = tpu.sort %parallel_loop3A_483, %parallel_loop3A_484 masked %parallel_loop3A_485 {descending = true} : (vector<16xf32>, vector<16xi32>, vector<16xi1>) -> (vector<16xi1>, vector<16xf32>, vector<16xi32>)
      %parallel_loop3A_489 = arith.constant 15 : i32
      %parallel_loop3A_490 = vector.broadcast %parallel_loop3A_489 : i32 to vector<16xi32>
      %parallel_loop3A_491 = tpu.iota {dimensions = array<i32: 0>} : vector<16xi32>
      %parallel_loop3A_492 = arith.subi %parallel_loop3A_490, %parallel_loop3A_491 : vector<16xi32>
      %parallel_loop3A_493 = tpu.dynamic_gather %parallel_loop3A_487[%parallel_loop3A_492] in [0] : vector<16xf32>, vector<16xi32> -> vector<16xf32>
      %parallel_loop3A_494 = arith.constant 15 : i32
      %parallel_loop3A_495 = vector.broadcast %parallel_loop3A_494 : i32 to vector<16xi32>
      %parallel_loop3A_496 = tpu.iota {dimensions = array<i32: 0>} : vector<16xi32>
      %parallel_loop3A_497 = arith.subi %parallel_loop3A_495, %parallel_loop3A_496 : vector<16xi32>
      %parallel_loop3A_498 = tpu.dynamic_gather %parallel_loop3A_488[%parallel_loop3A_497] in [0] : vector<16xi32>, vector<16xi32> -> vector<16xi32>
      %parallel_loop3A_499 = arith.cmpf oge, %parallel_loop3A_470, %parallel_loop3A_493 : vector<16xf32>
      %parallel_loop3A_500 = arith.select %parallel_loop3A_499, %parallel_loop3A_470, %parallel_loop3A_493 : vector<16xi1>, vector<16xf32>
      %parallel_loop3A_501 = arith.select %parallel_loop3A_499, %parallel_loop3A_471, %parallel_loop3A_498 : vector<16xi1>, vector<16xi32>
      %parallel_loop3A_502 = arith.constant dense<true> : vector<16xi1>
      %parallel_loop3A_503, %parallel_loop3A_504, %parallel_loop3A_505 = tpu.sort %parallel_loop3A_500, %parallel_loop3A_501 masked %parallel_loop3A_502 {descending = true} : (vector<16xf32>, vector<16xi32>, vector<16xi1>) -> (vector<16xi1>, vector<16xf32>, vector<16xi32>)
      %parallel_loop3A_506 = arith.constant true
      %parallel_loop3A_507 = vector.broadcast %parallel_loop3A_506 : i1 to vector<16xi1>
      %parallel_loop3A_508 = tpu.scan <max>, %parallel_loop3A_504 masked %parallel_loop3A_507 : vector<16xf32>, vector<16xi1> -> vector<16xf32>
      %parallel_loop3A_509 = vector.extract %parallel_loop3A_508[15] : f32 from vector<16xf32>
      %parallel_loop3A_510 = vector.broadcast %parallel_loop3A_509 : f32 to vector<16xf32>
      %parallel_loop3A_511 = arith.subf %parallel_loop3A_504, %parallel_loop3A_510 : vector<16xf32>
      %parallel_loop3A_512 = math.exp %parallel_loop3A_511 : vector<16xf32>
      %parallel_loop3A_513 = arith.constant 0.000000e+00 : f32
      %parallel_loop3A_514 = vector.broadcast %parallel_loop3A_513 : f32 to vector<16xf32>
      %parallel_loop3A_515 = arith.select %lt3A_6, %parallel_loop3A_512, %parallel_loop3A_514 : vector<16xi1>, vector<16xf32>
      %parallel_loop3A_516 = arith.constant true
      %parallel_loop3A_517 = vector.broadcast %parallel_loop3A_516 : i1 to vector<16xi1>
      %parallel_loop3A_518 = tpu.scan <sum>, %parallel_loop3A_515 masked %parallel_loop3A_517 : vector<16xf32>, vector<16xi1> -> vector<16xf32>
      %parallel_loop3A_519 = vector.extract %parallel_loop3A_518[15] : f32 from vector<16xf32>
      %parallel_loop3A_520 = vector.broadcast %parallel_loop3A_519 : f32 to vector<16xf32>
      %parallel_loop3A_521 = arith.divf %parallel_loop3A_515, %parallel_loop3A_520 : vector<16xf32>
      %parallel_loop3A_522 = arith.constant 16 : i32
      %parallel_loop3A_523 = arith.muli %parallel_loop3A_402, %parallel_loop3A_522 : i32
      %parallel_loop3A_524 = arith.index_cast %parallel_loop3A_523 : i32 to index
      %parallel_loop3A_525 = tpu.vector_load %arg6[%parallel_loop3A_524] {strides = array<i32>} : memref<8192xf32, #tpu.memory_space<vmem>>, vector<16xf32>,
      tpu.vector_store %arg6[%parallel_loop3A_524], %parallel_loop3A_521 {strides = array<i32>} : memref<8192xf32, #tpu.memory_space<vmem>>, vector<16xf32>,
      %parallel_loop3A_526 = arith.constant 16 : i32
      %parallel_loop3A_527 = arith.muli %parallel_loop3A_402, %parallel_loop3A_526 : i32
      %parallel_loop3A_528 = arith.index_cast %parallel_loop3A_527 : i32 to index
      %parallel_loop3A_529 = tpu.vector_load %arg7[%parallel_loop3A_528] {strides = array<i32>} : memref<8192xi32, #tpu.memory_space<vmem>>, vector<16xi32>,
      tpu.vector_store %arg7[%parallel_loop3A_528], %parallel_loop3A_505 {strides = array<i32>} : memref<8192xi32, #tpu.memory_space<vmem>>, vector<16xi32>,
    } {sc.loop_unroll_factor = 2 : i64, sc.parallel_access}
    %mul3A_9 = arith.constant 16 : i32
    %mul3A_10 = arith.muli %mul3A_2, %mul3A_9 : i32
    "tpu.region"() ({
      %run_scoped3A = tpu.sem_alloc : memref<!tpu.dma_semaphore, #tpu.memory_space<semaphore_mem>>
      %dma_start3A = tpu.memref_slice %arg3[%mul3A_10] : memref<262144xf32, #tpu.memory_space<hbm>> -> memref<8192xf32, #tpu.memory_space<hbm>>
      %dma_start3A_13 = tpu.memref_slice %arg3[%mul3A_10] : memref<262144xf32, #tpu.memory_space<hbm>> -> memref<8192xf32, #tpu.memory_space<hbm>>
      tpu.enqueue_dma source(%arg6 : memref<8192xf32, #tpu.memory_space<vmem>>) target(%dma_start3A_13 : memref<8192xf32, #tpu.memory_space<hbm>>) target_semaphore(%run_scoped3A : memref<!tpu.dma_semaphore, #tpu.memory_space<semaphore_mem>>)
      %dma_wait3A = tpu.memref_slice %arg3[%mul3A_10] : memref<262144xf32, #tpu.memory_space<hbm>> -> memref<8192xf32, #tpu.memory_space<hbm>>
      %dma_wait3A_14 = tpu.memref_slice %arg3[%mul3A_10] : memref<262144xf32, #tpu.memory_space<hbm>> -> memref<8192xf32, #tpu.memory_space<hbm>>
      tpu.wait_dma2 semaphore(%run_scoped3A : memref<!tpu.dma_semaphore, #tpu.memory_space<semaphore_mem>>) src(%arg6 : memref<8192xf32, #tpu.memory_space<vmem>>) dst(%dma_wait3A_14 : memref<8192xf32, #tpu.memory_space<hbm>>)
      tpu.yield
    }) : () -> ()
    %mul3A_11 = arith.constant 16 : i32
    %mul3A_12 = arith.muli %mul3A_2, %mul3A_11 : i32
    "tpu.region"() ({
      %run_scoped3A = tpu.sem_alloc : memref<!tpu.dma_semaphore, #tpu.memory_space<semaphore_mem>>
      %dma_start3A = tpu.memref_slice %arg4[%mul3A_12] : memref<262144xi32, #tpu.memory_space<hbm>> -> memref<8192xi32, #tpu.memory_space<hbm>>
      %dma_start3A_13 = tpu.memref_slice %arg4[%mul3A_12] : memref<262144xi32, #tpu.memory_space<hbm>> -> memref<8192xi32, #tpu.memory_space<hbm>>
      tpu.enqueue_dma source(%arg7 : memref<8192xi32, #tpu.memory_space<vmem>>) target(%dma_start3A_13 : memref<8192xi32, #tpu.memory_space<hbm>>) target_semaphore(%run_scoped3A : memref<!tpu.dma_semaphore, #tpu.memory_space<semaphore_mem>>)
      %dma_wait3A = tpu.memref_slice %arg4[%mul3A_12] : memref<262144xi32, #tpu.memory_space<hbm>> -> memref<8192xi32, #tpu.memory_space<hbm>>
      %dma_wait3A_14 = tpu.memref_slice %arg4[%mul3A_12] : memref<262144xi32, #tpu.memory_space<hbm>> -> memref<8192xi32, #tpu.memory_space<hbm>>
      tpu.wait_dma2 semaphore(%run_scoped3A : memref<!tpu.dma_semaphore, #tpu.memory_space<semaphore_mem>>) src(%arg7 : memref<8192xi32, #tpu.memory_space<vmem>>) dst(%dma_wait3A_14 : memref<8192xi32, #tpu.memory_space<hbm>>)
      tpu.yield
    }) : () -> ()
    return
  }
}

module attributes {stable_mosaic.version = 14 : i64} {
  func.func @_matmul_body(%arg0: i32, %arg1: memref<1024x2048xf32, #tpu.memory_space<vmem>>, %arg2: memref<64x2048xf32, #tpu.memory_space<vmem>>, %arg3: memref<1024x64xf32, #tpu.memory_space<vmem>>) attributes {dimension_semantics = [#tpu.dimension_semantics<arbitrary>], iteration_bounds = array<i64: 16>, scalar_prefetch = 0 : i64, scratch_operands = 0 : i64, tpu.core_type = #tpu.core_type<tc>, window_params = [{transform_indices = @transform_0, window_bounds = array<i64: 1024, 2048>}, {pipeline_mode = #tpu.pipeline_mode<synchronous>, transform_indices = @transform_1, window_bounds = array<i64: 64, 2048>}, {transform_indices = @transform_2, window_bounds = array<i64: 1024, 64>}]} {
    %get3A = arith.constant 0 : index
    %get3A_0 = arith.constant 0 : index
    %get3A_1 = vector.load %arg1[%get3A, %get3A_0] : memref<1024x2048xf32, #tpu.memory_space<vmem>>, vector<1024x2048xf32>
    %get3A_2 = arith.constant 0 : index
    %get3A_3 = arith.constant 0 : index
    %get3A_4 = vector.load %arg2[%get3A_2, %get3A_3] : memref<64x2048xf32, #tpu.memory_space<vmem>>, vector<64x2048xf32>
    %dot_general3A = arith.constant dense<0.000000e+00> : vector<1024x64xf32>
    %dot_general3A_5 = tpu.matmul %get3A_1, %get3A_4, %dot_general3A {dimension_numbers = #tpu.dot_dimension_numbers<[1], [1], [0], [0], [0, 0, 1, 0], [], []>, transpose_lhs_hint = false} : vector<1024x2048xf32>, vector<64x2048xf32>, vector<1024x64xf32> -> vector<1024x64xf32>
    %swap3A = arith.constant 0 : index
    %swap3A_6 = arith.constant 0 : index
    %swap3A_7 = vector.load %arg3[%swap3A, %swap3A_6] : memref<1024x64xf32, #tpu.memory_space<vmem>>, vector<1024x64xf32>
    tpu.vector_store %arg3[%swap3A, %swap3A_6], %dot_general3A_5 {strides = array<i32>} : memref<1024x64xf32, #tpu.memory_space<vmem>>, vector<1024x64xf32>,
    return
  }
  func.func @transform_0(%arg0: i32) -> (i32, i32) {
    %add3A = arith.constant 0 : i32
    %add3A_0 = arith.addi %add3A, %arg0 : i32
    %c0_i32 = arith.constant 0 : i32
    %c0_i32_1 = arith.constant 0 : i32
    return %add3A_0, %c0_i32 : i32, i32
  }
  func.func @transform_1(%arg0: i32) -> (i32, i32) {
    %c0_i32 = arith.constant 0 : i32
    %c0_i32_0 = arith.constant 0 : i32
    %c0_i32_1 = arith.constant 0 : i32
    return %c0_i32, %c0_i32_0 : i32, i32
  }
  func.func @transform_2(%arg0: i32) -> (i32, i32) {
    %c0_i32 = arith.constant 0 : i32
    %c0_i32_0 = arith.constant 0 : i32
    return %arg0, %c0_i32 : i32, i32
  }
}

</mosaic_0001>

<sc_bundles>
// kernel: kernel.4.cloned.1.call-start
scs
__scs_entry_jumppad:
0x0: {  	(pc) =	sbr.rel $0x88, $3  }
0x1: {  	(tag) =	ssettag $0x0;
	lr =	simm.s32 $0x1  }
0x2: {  	[smem:$0x3F9F] =	sst lr;
	_ =	strace $0xD0000000  }
0x3: {  	_ = 	snop  }
0x4: {  	_ = 	snop  }
0x5: {  	_ = 	snop  }
0x6: {  	_ = 	snop  }
0x7: {  	_ = 	snop  }
__scs_overlays_trampoline_lowered:
0x8: {  	[smem:$0x3FAE] =	sst s0  }
0x9: {  	[smem:$0x3FAF] =	sst s1  }
0xa: {  	[smem:$0x3FB0] =	sst s2  }
0xb: {  	[smem:$0x3FB1] =	sst s3  }
0xc: {  	[smem:$0x3FB2] =	sst s4  }
0xd: {  	[smem:$0x3FB3] =	sst s5  }
0xe: {  	[smem:$0x3FB4] =	sst s6  }
0xf: {  	[smem:$0x3FB5] =	sst s7  }
0x10: {  	[smem:$0x3FB6] =	sst s8  }
0x11: {  	[smem:$0x3FB7] =	sst s9;
	s0 =	simm.s32 @!p0 $0x0  }
0x12: {  	s1 =	sld [smem:$0x3F9D];
	s0 =	simm.s32 @p0 $0x1  }
0x13: {  	[smem:$0x3FB8] =	sst s0;
	s0 =	simm.s32 @!p1 $0x0  }
0x14: {  	s2 =	sld [smem:$0x3F9C];
	s0 =	simm.s32 @p1 $0x1  }
0x15: {  	[smem:$0x3FB9] =	sst s0;
	s0 =	simm.s32 @!p2 $0x0  }
0x16: {  	s3 =	sld [smem:$0x3FDB];
	s0 =	simm.s32 @p2 $0x1  }
0x17: {  	s4 =	simm.s32 $0x1BF5;
	[smem:$0x3FBB] =	sst s0  }
0x18: {  	s0 =	sld [smem:$0x3F9E];
	_ =	swait.ge [sflag:s4], $0x0  }
0x19: {  	s7 =	sld [smem:$0x3F9F]  }
0x1a: {  	s8 =	sadd.s32 $0xFFFFE003, lr  }
0x1b: {  	s9 =	sadd.s32 $0xFFFFFEF7, lr;
	s5 =	simm.s32 $0xFFFFFFFF;
	p2 =	slt.u32 s8, $0xFFFFF086  }
0x1c: {  	p1 =	slt.u32 s9, $0xF7A;
	s5 =	simm.s32 @!p2 $0x0  }
0x1d: {  	s5 =	simm.s32 @p1 $0x1;
	p0 =	seq.s32 s7, s2  }
0x1e: {  	s7 =	smul.u32 @!p0 $0xF7A, s2;
	p2 =	seq.s32 @!p0 s5, $0x0  }
0x1f: {  	s9 =	smul.u32 $0xF7A, s1;
	s8 =	simm.s32 @!p0 $0x1BF5;
	p2 =	por !p2, p0  }
0x20: {  	[sflag:s8] =	ssyncset.s32 @!p0 $0xFFFFF086;
	s6 =	sadd.s32 @!p0 s3, s7;
	s7 =	simm.s32 @!p0 $0x108  }
0x21: {  	s3 =	sadd.s32 s3, s9;
	s6 =	sadd.s32 @!p0 $0x88, s6;
	s7 =	simm.s32 @p2 $0x1082  }
0x22: {  	[simem:s7], [sflag:s8] =	dma.local @!p0 [hbm:s6], $0xF7A  }
0x23: {  	s9 =	sor.u32 $0xD0000000, s2;
	s6 =	simm.s32 $0x108;
	_ =	swait.ge @!p0 [sflag:s8], $0x0  }
0x24: {  	s3 =	sadd.s32 $0x88, s3;
	s6 =	simm.s32 @!p1 $0x1082;
	[sflag:s4] =	ssyncset.s32 $0xFFFFF086  }
0x25: {  	[simem:s6], [sflag:s4] =	dma.local [hbm:s3], $0xF7A  }
0x26: {  	[smem:$0x3F9F] =	sst s1;
	(tag) =	ssettag s2;
	_ =	strace s9  }
0x27: {  	s1 =	sld [smem:$0x3FAF]  }
0x28: {  	s2 =	sld [smem:$0x3FB0]  }
0x29: {  	s4 =	sld [smem:$0x3FB2]  }
0x2a: {  	p0 =	seq.s32 s5, $0x0;
	s5 =	sld [smem:$0x3FB3]  }
0x2b: {  	s6 =	sld [smem:$0x3FB4]  }
0x2c: {  	s7 =	sld [smem:$0x3FB5]  }
0x2d: {  	s3 =	simm.s32 $0x108;
	s8 =	sld [smem:$0x3FB6]  }
0x2e: {  	s3 =	simm.s32 @!p0 $0x1082;
	s9 =	sld [smem:$0x3FB7]  }
0x2f: {  	lr =	sadd.s32 s0, s3;
	s0 =	sld [smem:$0x3FAE]  }
0x30: {  	s3 =	sld [smem:$0x3FB1]  }
0x31: {  	[smem:$0x3FBA] =	sst s10  }
0x32: {  	s10 =	sld [smem:$0x3FB8];
	_ =	sdelay $0x3  }
0x33: {  	p0 =	seq.s32 s10, $0x1;
	s10 =	sld [smem:$0x3FBA];
	_ =	sdelay $0x3  }
0x34: {  	[smem:$0x3FBA] =	sst s10  }
0x35: {  	s10 =	sld [smem:$0x3FB9];
	_ =	sdelay $0x3  }
0x36: {  	p1 =	seq.s32 s10, $0x1;
	s10 =	sld [smem:$0x3FBA];
	_ =	sdelay $0x3  }
0x37: {  	[smem:$0x3FBA] =	sst s10  }
0x38: {  	s10 =	sld [smem:$0x3FBB]  }
0x39: {  	_ = 	snop;
	(pc) =	sbr.ind lr, $3  }
0x3a: {  	_ = 	snop  }
0x3b: {  	_ = 	snop  }
0x3c: {  	p2 =	seq.s32 s10, $0x1;
	s10 =	sld [smem:$0x3FBA]  }
0x3d: {  	_ =	shalt  }
0x3e: {  	_ =	shalt  }
0x3f: {  	_ =	shalt  }
0x40: {  	_ =	shalt  }
0x41: {  	_ =	shalt  }
0x42: {  	_ =	shalt  }
0x43: {  	_ =	shalt  }
0x44: {  	_ =	shalt  }
0x45: {  	_ =	shalt  }
0x46: {  	_ =	shalt  }
0x47: {  	_ =	shalt  }
0x48: {  	_ =	shalt  }
0x49: {  	_ =	shalt  }
0x4a: {  	_ =	shalt  }
0x4b: {  	_ =	shalt  }
0x4c: {  	_ =	shalt  }
0x4d: {  	_ =	shalt  }
0x4e: {  	_ =	shalt  }
0x4f: {  	_ =	shalt  }
0x50: {  	_ =	shalt  }
0x51: {  	_ =	shalt  }
0x52: {  	_ =	shalt  }
0x53: {  	_ =	shalt  }
0x54: {  	_ =	shalt  }
0x55: {  	_ =	shalt  }
0x56: {  	_ =	shalt  }
0x57: {  	_ =	shalt  }
0x58: {  	_ =	shalt  }
0x59: {  	_ =	shalt  }
0x5a: {  	_ =	shalt  }
0x5b: {  	_ =	shalt  }
0x5c: {  	_ =	shalt  }
0x5d: {  	_ =	shalt  }
0x5e: {  	_ =	shalt  }
0x5f: {  	_ =	shalt  }
0x60: {  	_ =	shalt  }
0x61: {  	_ =	shalt  }
0x62: {  	_ =	shalt  }
0x63: {  	_ =	shalt  }
0x64: {  	_ =	shalt  }
0x65: {  	_ =	shalt  }
0x66: {  	_ =	shalt  }
0x67: {  	_ =	shalt  }
0x68: {  	_ =	shalt  }
0x69: {  	_ =	shalt  }
0x6a: {  	_ =	shalt  }
0x6b: {  	_ =	shalt  }
0x6c: {  	_ =	shalt  }
0x6d: {  	_ =	shalt  }
0x6e: {  	_ =	shalt  }
0x6f: {  	_ =	shalt  }
0x70: {  	_ =	shalt  }
0x71: {  	_ =	shalt  }
0x72: {  	_ =	shalt  }
0x73: {  	_ =	shalt  }
0x74: {  	_ =	shalt  }
0x75: {  	_ =	shalt  }
0x76: {  	_ =	shalt  }
0x77: {  	_ =	shalt  }
0x78: {  	_ =	shalt  }
0x79: {  	_ =	shalt  }
0x7a: {  	_ =	shalt  }
0x7b: {  	_ =	shalt  }
0x7c: {  	_ =	shalt  }
0x7d: {  	_ =	shalt  }
0x7e: {  	_ =	shalt  }
0x7f: {  	_ =	shalt  }
0x80: {  	_ =	shalt  }
0x81: {  	_ =	shalt  }
0x82: {  	_ =	shalt  }
0x83: {  	_ =	shalt  }
0x84: {  	_ =	shalt  }
0x85: {  	_ =	shalt  }
0x86: {  	_ =	shalt  }
0x87: {  	_ =	shalt  }
.Lfunc_end0:
.L_simem_size_0:
called_computation_lowered:
.L_overlay_start_0:
0x88: {  	s2 =	sld [smem:$0x3FD9]  }
0x89: {  	s3 =	sld [smem:$0x3FFE];
	_ =	sdelay $0x1  }
0x8a: {  	s1 =	srdreg.scid  }
0x8b: {  	s0 =	sand.u32 $0x1, s1  }
0x8c: {  	s16 =	sshll.u32 s0, $0xA;
	s2 =	sadd.s32 s3, s2  }
0x8d: {  	s2 =	sadd.s32 s2, s16  }
0x8e: {  	[smem:$0x3FC6] =	sst s2  }
0x8f: {  	_ = 	snop  }
0x90: {  	(tm) =	ssettm $0x1  }
0x91: {  	s17 =	sld [smem:$0x3FFB];
	_ =	sdelay $0x3  }
0x92: {  	_ =	strace s17  }
0x93: {  	s2 =	sld [smem:$0x3FFC];
	_ =	sdelay $0x3  }
0x94: {  	_ =	strace s2  }
0x95: {  	s2 =	sld [smem:$0x3FFD];
	_ =	sdelay $0x3  }
0x96: {  	_ =	strace s2  }
0x97: {  	_ =	strace $0x8FFFFFFF  }
0x98: {  	s18 =	sld [smem:$0x3FDB];
	_ =	sdelay $0x1  }
0x99: {  	s19 =	simm.s32 $_scs_section_size  }
0x9a: {  	s4 =	simm.s32 $_size__tile_overlayer_lowered;
	s5 =	simm.s32 $_tile_overlayer_lowered  }
0x9b: {  	s22 =	simm.s32 $0x1BFF;
	s21 =	sshll.u32 s5, $0x1;
	s2 =	sadd.s32 s19, s18  }
0x9c: {  	s6 =	simm.s32 $0x0;
	s20 =	sshll.u32 s4, $0x1;
	s4 =	sadd.s32 s21, s2  }
0x9d: {  	[timem:s6], [sflag:s22] =	dma.local [hbm:s4], s20  }
0x9e: {  	_ =	swait.ge [sflag:s22], s20  }
0x9f: {  	s3 =	ssub.s32 $0x0, s20;
	[sflag:s22] =	ssyncset.done $0x0  }
0xa0: {  	[sflag:s22] =	ssyncadd.s32 s3;
	_ =	sdelay $0x1  }
0xa1: {  	s23 =	simm.s32 $0x1B8B  }
0xa2: {  	_ =	swait.ge [sflag:s23], $0x1  }
0xa3: {  	[sflag:s23] =	ssyncset.done $0x0  }
0xa4: {  	s25 =	simm.s32 $0x1B8E;
	s24 =	sld [smem:$0x3FFE];
	[sflag:s23] =	ssyncadd.s32 $0xFFFFFFFF  }
0xa5: {  	s26 =	simm.s32 $execute0_lowered;
	[smem:$0x3FD2] =	sst s25  }
0xa6: {  	s4 =	sshll.u32 s26, $0x1;
	_ =	strace $0x80000046;
	[dreg:$0x1] =	wrdreg $0xFFFFFFFF  }
0xa7: {  	s28 =	simm.s32 $_size_execute0_lowered;
	s2 =	sadd.s32 s2, s4;
	[dreg:$0x0] =	wrdreg $0x0  }
0xa8: {  	s4 =	sshll.u32 s28, $0x1;
	[dreg:$0x2] =	wrdreg s2  }
0xa9: {  	[dreg:$0x3] =	wrdreg s4  }
0xaa: {  	[dreg:$0x4] =	wrdreg $0xC0  }
0xab: {  	_ =	task [dreg:s6], $0x5FFFF  }
0xac: {  	[dreg:$0x1] =	wrdreg $0xFFFFFFFF  }
0xad: {  	[dreg:$0x0] =	wrdreg $0x60  }
0xae: {  	[dreg:$0x2] =	wrdreg s24  }
0xaf: {  	[dreg:$0x3] =	wrdreg $0x9  }
0xb0: {  	_ =	task.clear_ibuf [dreg:s6], $0x4FFFF;
	_ =	strace $0x90000046  }
0xb1: {  	s29 =	simm.s32 $0x9;
	_ =	strace $0x80000048  }
0xb2: {  	_ =	swait.ge [sflag:s29], $0x1  }
0xb3: {  	[sflag:s29] =	ssyncadd.s32 $0xFFFFFFFF  }
0xb4: {  	_ =	strace $0x90000048  }
0xb5: {  	_ =	sfence  }
0xb6: {  	s30 =	sld [smem:$0x0];
	_ =	sdelay $0x2  }
0xb7: {  	s31 =	sshll.u32 s1, $0xD;
	s1 =	sshrl.u32 s1, $0x2  }
0xb8: {  	s3 =	sand.u32 $0x4000, s31;
	s1 =	sadd.s32 s1, s30  }
0xb9: {  	s0 =	sor.u32 s3, s0;
	s1 =	sshll.u32 s1, $0x11  }
0xba: {  	s0 =	sor.u32 s1, s0  }
0xbb: {  	s0 =	sadd.s32 $0x8F2B, s0  }
0xbc: {  	[sflag:s0] =	ssyncadd.remote.s32 $0x1  }
0xbd: {  	_ =	sfence.sel $0xFFFF  }
0xbe: {  	[dreg:$0x0] =	wrdreg $0xFFFFFFFF;
	(pc) =	sbr.abs _section_cstart, $3  }
0xbf: {  	[dreg:$0x1] =	wrdreg $0xFFFFFFFF  }
0xc0: {  	_ =	task.clear_ibuf [dreg:s6], $0x2FFFF;
	_ =	strace $0x9FFFFFFF  }
0xc1: {  	(tm) =	ssettm $0x7FFFFFFF  }
tec
execute0_lowered:
.L_overlay_start_1:
0x0: {  	(tag) =	ssettag $0x1  }
0x1: {  	s0 =	rddreg [dreg:$0x0];
	s2 =	simm.s32 $0x0;
	s1 =	srdreg.scid  }
0x2: {  	s3 =	stileid.u32;
	s7 =	simm.s32 $0x1;
	s8 =	simm.s32 $0x8000  }
0x3: {  	s9 =	simm.s32 $0xA000;
	s1 =	sand.u32 $0x1, s1;
	s3 =	sshll.u32 s3, $0x1  }
0x4: {  	s10 =	simm.s32 $0x0;
	[smem:$0x7FF] =	sst s2;
	s3 =	sor.u32 s1, s3  }
0x5: {  	v0 =	vlaneseq.u32;
	_ =	strace $0x80000047;
	s1 =	ssub.s32 $0x2, s1;
	s4 =	sshll.u32 s3, $0xC  }
0x6: {  	v4 =	vmul.u32 $0xFFFFFFFF, v0;
	s3 =	sshll.u32 s3, $0xA;
	s31 =	sshrl.u32 s1, $0x1;
	s4 =	sadd.s32 s4, s0  }
0x7: {  	vm0 =	vmmov $0xff;
	v1 =	vor.u32 $0x10, v0;
	s0 =	sadd.s32 s3, s0;
	s1 =	ssub.s32 s1, s31;
	s3 =	sadd.s32 $0xC00, s4  }
0x8: {  	v2 =	vor.u32 $0x20, v0;
	v3 =	vor.u32 $0x30, v0;
	v4 =	vadd.s32 $0xF, v4;
	s4 =	sadd.s32 $0x20C00, s0;
	s5 =	sadd.s32 $0x28C00, s0;
	s6 =	smax.u32 s1, $0x1  }
.LBB2_1:
0x9: {  	[tilespmem:s2], [sflag:$0x1] =	stream.linear.gather [hbm4b:s3+s2], $0x8000, $0x38;
	[tilespmem:$0xC000] =	vst v63  }
0xa: {  	_ =	swait.ge [sflag:s7], $0x8000  }
0xb: {  	[sflag:s7] =	ssyncset.done $0x0  }
0xc: {  	s24 =	simm.s32 $0x100;
	[sflag:s7] =	ssyncadd.s32 $0xFFFF8000  }
0xd: {  	v5 =	vld [tilespmem:s24+$0x0]  }
0xe: {  	v6 =	vld [tilespmem:s24+$0x10]  }
0xf: {  	v7 =	vld [tilespmem:s24+$0x30]  }
0x10: {  	v8 =	vld [tilespmem:s24+$0xFFFFFF30]  }
0x11: {  	v9 =	vld [tilespmem:s24+$0x20]  }
0x12: {  	(xrf1) =	vsort.dscd.msk.f32 $0xffff, v5, v0  }
0x13: {  	(xrf1) =	vsort.dscd.msk.f32 $0xffff, v6, v1  }
0x14: {  	(xrf1) =	vsort.dscd.msk.f32 $0xffff, v7, v3  }
0x15: {  	(xrf1) =	vsort.dscd.msk.f32 $0xffff, v8, v3  }
0x16: {  	(xrf1) =	vsort.dscd.msk.f32 $0xffff, v9, v2;
	_ =	sdelay $0x6  }
0x17: {  	v5 =	vld [tilespmem:s24+$0xFFFFFF10]  }
0x18: {  	v6 =	vld [tilespmem:s24+$0xFFFFFF20]  }
0x19: {  	v7 =	vld [tilespmem:s24+$0xFFFFFF00]  }
0x1a: {  	v8, v9, _ =	vpop (xrf1)  }
0x1b: {  	v10, v11, _ =	vpop (xrf1)  }
0x1c: {  	(xrf1) =	vsort.dscd.msk.f32 $0xffff, v5, v1;
	v5, v12, _ =	vpop (xrf1);
	v10 =	vperm.xlane v10, v4  }
0x1d: {  	(xrf1) =	vsort.dscd.msk.f32 $0xffff, v6, v2;
	v6 =	vperm.xlane v11, v4;
	v5 =	vperm.xlane v5, v4;
	v11, v13, _ =	vpop (xrf1)  }
0x1e: {  	(xrf1) =	vsort.dscd.msk.f32 $0xffff, v7, v0;
	v7 =	vperm.xlane v12, v4;
	vm1 =	vge.f32 v8, v10;
	v12, v14, _ =	vpop (xrf1)  }
0x1f: {  	v8 =	vsel vm1, v8, v10;
	v6 =	vsel vm1, v9, v6;
	vm1 =	vge.f32 v12, v5  }
0x20: {  	(xrf1) =	vsort.dscd.msk.f32 $0xffff, v8, v6;
	v5 =	vsel vm1, v12, v5;
	v6 =	vsel vm1, v14, v7  }
0x21: {  	(xrf1) =	vsort.dscd.msk.f32 $0xffff, v5, v6;
	_ =	sdelay $0x9  }
0x22: {  	v5, v6, _ =	vpop (xrf1)  }
0x23: {  	v7, v8, _ =	vpop (xrf1)  }
0x24: {  	v9 =	vperm.xlane v11, v4;
	v10, v11, _ =	vpop (xrf1)  }
0x25: {  	v5 =	vperm.xlane v5, v4;
	v12, v14, _ =	vpop (xrf1)  }
0x26: {  	v13 =	vperm.xlane v13, v4;
	v6 =	vperm.xlane v6, v4;
	vm1 =	vge.f32 v7, v9;
	v15, v16, _ =	vpop (xrf1)  }
0x27: {  	v7 =	vsel vm1, v7, v9;
	vm2 =	vge.f32 v10, v5;
	v9 =	vperm.xlane v15, v4  }
0x28: {  	v8 =	vsel vm1, v8, v13;
	v5 =	vsel vm2, v10, v5;
	v10 =	vperm.xlane v16, v4  }
0x29: {  	v6 =	vsel vm2, v11, v6;
	(xrf1) =	vsort.dscd.msk.f32 $0xffff, v7, v8;
	vm1 =	vge.f32 v12, v9  }
0x2a: {  	(xrf1) =	vsort.dscd.msk.f32 $0xffff, v5, v6;
	v5 =	vsel vm1, v12, v9;
	v6 =	vsel vm1, v14, v10  }
0x2b: {  	(xrf1) =	vsort.dscd.msk.f32 $0xffff, v5, v6;
	_ =	sdelay $0xb  }
0x2c: {  	v5, v6, _ =	vpop (xrf1)  }
0x2d: {  	v7, v8, _ =	vpop (xrf1)  }
0x2e: {  	v9, v10, _ =	vpop (xrf1)  }
0x2f: {  	(xrf0) =	vmax.scan.msk.f32 $0xffff, v9;
	_ =	sdelay $0x2  }
0x30: {  	v5 =	vperm.xlane v5, v4  }
0x31: {  	v6 =	vperm.xlane v6, v4  }
0x32: {  	vm1 =	vge.f32 v7, v5  }
0x33: {  	v5 =	vsel vm1, v7, v5;
	v6 =	vsel vm1, v8, v6;
	v7, _, _ =	vpop (xrf0)  }
0x34: {  	(xrf1) =	vsort.dscd.msk.f32 $0xffff, v5, v6;
	v5 =	vbroadcast v7, $0xF;
	_ =	sdelay $0x1  }
0x35: {  	v5 =	vsub.f32 v9, v5;
	_ =	sdelay $0x1  }
0x36: {  	v5 =	vmul.f32 $1.442695020e+00, v5;
	_ =	sdelay $0x1  }
0x37: {  	(erf) = vpow2.f32 v5;
	_ =	sdelay $0x7  }
0x38: {  	v5, v6, _ =	vpop (xrf1)  }
0x39: {  	(xrf0) =	vmax.scan.msk.f32 $0xffff, v5;
	v7 =	vpop (erf)  }
0x3a: {  	v7 =	vnsel vm0, $0x0, v7  }
0x3b: {  	(xrf2) =	vadd.scan.msk.f32 $0xffff, v7  }
0x3c: {  	s29 =	simm.s32 $0x300  }
0x3d: {  	v8 =	vld [tilespmem:s29+$0x0];
	_ =	sdelay $0x1  }
0x3e: {  	v11 =	vld [tilespmem:s29+$0x10];
	v9, _, _ =	vpop (xrf0)  }
0x3f: {  	v9 =	vbroadcast v9, $0xF;
	_ =	sdelay $0x1  }
0x40: {  	(xrf1) =	vsort.dscd.msk.f32 $0xffff, v8, v0;
	v5 =	vsub.f32 v5, v9  }
0x41: {  	v12 =	vld [tilespmem:s29+$0x30]  }
0x42: {  	(xrf1) =	vsort.dscd.msk.f32 $0xffff, v11, v1;
	v9 =	vld [tilespmem:s29+$0xFFFFFF30];
	v5 =	vmul.f32 $1.442695020e+00, v5  }
0x43: {  	v8 =	vld [tilespmem:s29+$0x20];
	v11, _, _ =	vpop (xrf2)  }
0x44: {  	(erf) = vpow2.f32 v5;
	v11 =	vbroadcast v11, $0xF  }
0x45: {  	v13 =	vld [tilespmem:s29+$0xFFFFFF10]  }
0x46: {  	v14 =	vld [tilespmem:s29+$0xFFFFFF20];
	(xrf1) =	vsort.dscd.msk.f32 $0xffff, v12, v3;
	(erf) = vrcp.f32 v11  }
0x47: {  	(xrf1) =	vsort.dscd.msk.f32 $0xffff, v9, v3  }
0x48: {  	v5 =	vld [tilespmem:s29+$0xFFFFFF00];
	(xrf1) =	vsort.dscd.msk.f32 $0xffff, v8, v2;
	_ =	sdelay $0x1  }
0x49: {  	(xrf1) =	vsort.dscd.msk.f32 $0xffff, v13, v1  }
0x4a: {  	(xrf1) =	vsort.dscd.msk.f32 $0xffff, v14, v2;
	_ =	sdelay $0x1  }
0x4b: {  	(xrf1) =	vsort.dscd.msk.f32 $0xffff, v5, v0;
	v5 =	vpop (erf)  }
0x4c: {  	v9, v11, _ =	vpop (xrf1)  }
0x4d: {  	v8 =	vpop (erf)  }
0x4e: {  	v7 =	vmul.f32 v8, v7;
	v8, v12, _ =	vpop (xrf1)  }
0x4f: {  	v8 =	vperm.xlane v8, v4  }
0x50: {  	v12 =	vperm.xlane v12, v4  }
0x51: {  	s11 =	simm.s32 $0x8040;
	vm1 =	vge.f32 v9, v8  }
0x52: {  	s12 =	simm.s32 $0xA040;
	[tilespmem:s11+$0x0] =	vst v7;
	v7, v13, _ =	vpop (xrf1);
	v8 =	vsel vm1, v9, v8  }
0x53: {  	[tilespmem:s12+$0x0] =	vst v10;
	v9 =	vsel vm1, v11, v12;
	v7 =	vperm.xlane v7, v4;
	v10, v14, _ =	vpop (xrf1);
	v11 =	vperm.xlane v13, v4  }
0x54: {  	v15 =	vld [tilespmem:s24+$0x70];
	v12, v13, _ =	vpop (xrf1)  }
0x55: {  	v16 =	vld [tilespmem:s24+$0x60];
	v10 =	vperm.xlane v10, v4;
	vm1 =	vge.f32 v12, v7  }
0x56: {  	v17, v18, _ =	vpop (xrf1);
	(xrf1) =	vsort.dscd.msk.f32 $0xffff, v8, v9;
	v7 =	vsel vm1, v12, v7;
	v9 =	vsel vm1, v13, v11  }
0x57: {  	v5 =	vnsel vm0, $0x0, v5;
	v11, v12, _ =	vpop (xrf1);
	(xrf1) =	vsort.dscd.msk.f32 $0xffff, v7, v9  }
0x58: {  	(xrf2) =	vadd.scan.msk.f32 $0xffff, v5;
	v8 =	vperm.xlane v14, v4;
	v13 =	vperm.xlane v17, v4;
	v7 =	vld [tilespmem:s24+$0x50];
	vm1 =	vge.f32 v11, v10  }
0x59: {  	v9 =	vperm.xlane v18, v4;
	(xrf1) =	vsort.dscd.msk.f32 $0xffff, v15, v3;
	v10 =	vsel vm1, v11, v10;
	v11, v14, _ =	vpop (xrf1)  }
0x5a: {  	v8 =	vsel vm1, v12, v8;
	(xrf1) =	vsort.dscd.msk.f32 $0xffff, v16, v2;
	v12 =	vld [tilespmem:s24+$0x40];
	vm1 =	vge.f32 v11, v13  }
0x5b: {  	(xrf1) =	vsort.dscd.msk.f32 $0xffff, v10, v8;
	v11 =	vsel vm1, v11, v13;
	v9 =	vsel vm1, v14, v9  }
0x5c: {  	(xrf1) =	vsort.dscd.msk.f32 $0xffff, v11, v9  }
0x5d: {  	(xrf1) =	vsort.dscd.msk.f32 $0xffff, v7, v1;
	_ =	sdelay $0x1  }
0x5e: {  	(xrf1) =	vsort.dscd.msk.f32 $0xffff, v12, v0;
	_ =	sdelay $0x4  }
0x5f: {  	v8, v9, _ =	vpop (xrf1)  }
0x60: {  	v10, v11, _ =	vpop (xrf1)  }
0x61: {  	v7, _, _ =	vpop (xrf2);
	v11 =	vperm.xlane v11, v4  }
0x62: {  	v7 =	vbroadcast v7, $0xF;
	v12, v13, _ =	vpop (xrf1);
	v10 =	vperm.xlane v10, v4  }
0x63: {  	v14, v15, _ =	vpop (xrf1);
	v13 =	vperm.xlane v13, v4  }
0x64: {  	(erf) = vrcp.f32 v7;
	v16, v17, _ =	vpop (xrf1)  }
0x65: {  	v7 =	vperm.xlane v12, v4;
	vm1 =	vge.f32 v8, v10;
	v12, v18, _ =	vpop (xrf1)  }
0x66: {  	v8 =	vsel vm1, v8, v10;
	v9 =	vsel vm1, v9, v11;
	v10, v11, _ =	vpop (xrf1)  }
0x67: {  	vm1 =	vge.f32 v14, v7;
	(xrf1) =	vsort.dscd.msk.f32 $0xffff, v8, v9;
	v8 =	vperm.xlane v10, v4  }
0x68: {  	v7 =	vsel vm1, v14, v7;
	v9 =	vsel vm1, v15, v13;
	v10 =	vperm.xlane v11, v4;
	v11, v13, _ =	vpop (xrf1)  }
0x69: {  	(xrf1) =	vsort.dscd.msk.f32 $0xffff, v7, v9;
	vm1 =	vge.f32 v11, v8  }
0x6a: {  	v7 =	vsel vm1, v11, v8;
	v8 =	vsel vm1, v13, v10  }
0x6b: {  	(xrf1) =	vsort.dscd.msk.f32 $0xffff, v7, v8;
	_ =	sdelay $0x1  }
0x6c: {  	v7 =	vpop (erf)  }
0x6d: {  	v5 =	vmul.f32 v7, v5;
	_ =	sdelay $0x1  }
0x6e: {  	[tilespmem:s11+$0xFFFFFFC0] =	vst v5;
	v5 =	vperm.xlane v16, v4  }
0x6f: {  	[tilespmem:s12+$0xFFFFFFC0] =	vst v6;
	v6 =	vperm.xlane v17, v4  }
0x70: {  	vm1 =	vge.f32 v12, v5  }
0x71: {  	v7 =	vld [tilespmem:s24+$0xFFFFFF70];
	v6 =	vsel vm1, v18, v6  }
0x72: {  	v8 =	vld [tilespmem:s24+$0xFFFFFF50]  }
0x73: {  	v9 =	vld [tilespmem:s24+$0xFFFFFF60];
	v5 =	vsel vm1, v12, v5  }
0x74: {  	(xrf1) =	vsort.dscd.msk.f32 $0xffff, v5, v6;
	v5 =	vld [tilespmem:s24+$0xFFFFFF40];
	v6, v10, _ =	vpop (xrf1)  }
0x75: {  	v11, v12, _ =	vpop (xrf1);
	(xrf0) =	vmax.scan.msk.f32 $0xffff, v6  }
0x76: {  	(xrf1) =	vsort.dscd.msk.f32 $0xffff, v7, v3;
	v7 =	vperm.xlane v11, v4  }
0x77: {  	(xrf1) =	vsort.dscd.msk.f32 $0xffff, v8, v1;
	v8 =	vperm.xlane v12, v4;
	v11, v12, _ =	vpop (xrf1)  }
0x78: {  	(xrf1) =	vsort.dscd.msk.f32 $0xffff, v9, v2;
	vm1 =	vge.f32 v11, v7  }
0x79: {  	(xrf1) =	vsort.dscd.msk.f32 $0xffff, v5, v0;
	v5 =	vsel vm1, v11, v7;
	_ =	sdelay $0x1  }
0x7a: {  	v7 =	vsel vm1, v12, v8  }
0x7b: {  	(xrf1) =	vsort.dscd.msk.f32 $0xffff, v5, v7;
	v5, _, _ =	vpop (xrf0)  }
0x7c: {  	v5 =	vbroadcast v5, $0xF;
	_ =	sdelay $0x1  }
0x7d: {  	v5 =	vsub.f32 v6, v5;
	_ =	sdelay $0x1  }
0x7e: {  	v5 =	vmul.f32 $1.442695020e+00, v5;
	_ =	sdelay $0x4  }
0x7f: {  	(erf) = vpow2.f32 v5;
	v6, v5, _ =	vpop (xrf1)  }
0x80: {  	v7, v8, _ =	vpop (xrf1)  }
0x81: {  	v9, v11, _ =	vpop (xrf1)  }
0x82: {  	v12, v13, _ =	vpop (xrf1)  }
0x83: {  	v14, v15, _ =	vpop (xrf1)  }
0x84: {  	(xrf0) =	vmax.scan.msk.f32 $0xffff, v6;
	v16, v17, _ =	vpop (xrf1)  }
0x85: {  	(xrf0) =	vmax.scan.msk.f32 $0xffff, v16;
	_ =	sdelay $0x2  }
0x86: {  	v18 =	vpop (erf)  }
0x87: {  	v18 =	vnsel vm0, $0x0, v18  }
0x88: {  	v19, _, _ =	vpop (xrf0);
	(xrf2) =	vadd.scan.msk.f32 $0xffff, v18  }
0x89: {  	v20, _, _ =	vpop (xrf0)  }
0x8a: {  	v7 =	vperm.xlane v7, v4;
	v20 =	vbroadcast v20, $0xF  }
0x8b: {  	v8 =	vperm.xlane v8, v4;
	v19 =	vbroadcast v19, $0xF  }
0x8c: {  	vm1 =	vge.f32 v12, v7;
	v16 =	vsub.f32 v16, v20  }
0x8d: {  	s28 =	simm.s32 $0x500;
	v7 =	vsel vm1, v12, v7;
	v8 =	vsel vm1, v13, v8;
	v6 =	vsub.f32 v6, v19  }
0x8e: {  	v9 =	vperm.xlane v9, v4;
	(xrf1) =	vsort.dscd.msk.f32 $0xffff, v7, v8;
	v19 =	vld [tilespmem:s28+$0x0];
	v8 =	vmul.f32 $1.442695020e+00, v16  }
0x8f: {  	v11 =	vperm.xlane v11, v4;
	v12 =	vld [tilespmem:s28+$0x10];
	v6 =	vmul.f32 $1.442695020e+00, v6  }
0x90: {  	vm1 =	vge.f32 v14, v9;
	v7 =	vld [tilespmem:s28+$0x30]  }
0x91: {  	v9 =	vsel vm1, v14, v9;
	v11 =	vsel vm1, v15, v11;
	(erf) = vpow2.f32 v6;
	v6 =	vld [tilespmem:s28+$0xFFFFFF30]  }
0x92: {  	(xrf1) =	vsort.dscd.msk.f32 $0xffff, v9, v11;
	v9 =	vld [tilespmem:s28+$0x20];
	(erf) = vpow2.f32 v8;
	v8, _, _ =	vpop (xrf2)  }
0x93: {  	(xrf1) =	vsort.dscd.msk.f32 $0xffff, v19, v0;
	v8 =	vbroadcast v8, $0xF  }
0x94: {  	(xrf1) =	vsort.dscd.msk.f32 $0xffff, v12, v1  }
0x95: {  	(xrf1) =	vsort.dscd.msk.f32 $0xffff, v7, v3;
	(erf) = vrcp.f32 v8  }
0x96: {  	(xrf1) =	vsort.dscd.msk.f32 $0xffff, v6, v3  }
0x97: {  	v6 =	vld [tilespmem:s28+$0xFFFFFF10];
	(xrf1) =	vsort.dscd.msk.f32 $0xffff, v9, v2;
	_ =	sdelay $0x1  }
0x98: {  	v7 =	vld [tilespmem:s28+$0xFFFFFF20]  }
0x99: {  	v9 =	vld [tilespmem:s28+$0xFFFFFF00];
	v8 =	vpop (erf)  }
0x9a: {  	v11 =	vpop (erf)  }
0x9b: {  	(xrf1) =	vsort.dscd.msk.f32 $0xffff, v6, v1;
	v6 =	vnsel vm0, $0x0, v11  }
0x9c: {  	v11, v12, _ =	vpop (xrf1);
	(xrf2) =	vadd.scan.msk.f32 $0xffff, v6  }
0x9d: {  	(xrf1) =	vsort.dscd.msk.f32 $0xffff, v7, v2;
	v7 =	vpop (erf)  }
0x9e: {  	(xrf1) =	vsort.dscd.msk.f32 $0xffff, v9, v0;
	v9 =	vperm.xlane v11, v4;
	v7 =	vmul.f32 v7, v18  }
0x9f: {  	s13 =	simm.s32 $0x80C0;
	v11, v13, _ =	vpop (xrf1);
	v12 =	vperm.xlane v12, v4  }
0xa0: {  	s14 =	simm.s32 $0xA0C0;
	v14, v15, _ =	vpop (xrf1);
	vm1 =	vge.f32 v11, v9;
	[tilespmem:s13+$0x0] =	vst v7  }
0xa1: {  	v16, v18, _ =	vpop (xrf1);
	[tilespmem:s14+$0x0] =	vst v10;
	v10 =	vsel vm1, v13, v12  }
0xa2: {  	v16 =	vperm.xlane v16, v4;
	v7 =	vsel vm1, v11, v9;
	v9, v11, _ =	vpop (xrf1)  }
0xa3: {  	v12 =	vperm.xlane v18, v4;
	v9 =	vperm.xlane v9, v4;
	v13, v18, _ =	vpop (xrf1)  }
0xa4: {  	v8 =	vnsel vm0, $0x0, v8;
	vm1 =	vge.f32 v14, v16;
	v19 =	vld [tilespmem:s29+$0x70];
	(xrf1) =	vsort.dscd.msk.f32 $0xffff, v7, v10;
	v7 =	vperm.xlane v11, v4;
	v10, v11, _ =	vpop (xrf1)  }
0xa5: {  	(xrf2) =	vadd.scan.msk.f32 $0xffff, v8;
	v14 =	vsel vm1, v14, v16;
	v12 =	vsel vm1, v15, v12;
	vm1 =	vge.f32 v10, v9  }
0xa6: {  	v15 =	vld [tilespmem:s29+$0x60];
	(xrf1) =	vsort.dscd.msk.f32 $0xffff, v14, v12;
	v9 =	vsel vm1, v10, v9;
	v7 =	vsel vm1, v11, v7;
	v10, _, _ =	vpop (xrf2)  }
0xa7: {  	(xrf1) =	vsort.dscd.msk.f32 $0xffff, v9, v7;
	v7 =	vbroadcast v10, $0xF;
	_ =	sdelay $0x1  }
0xa8: {  	(xrf1) =	vsort.dscd.msk.f32 $0xffff, v19, v3;
	(erf) = vrcp.f32 v7  }
0xa9: {  	v7 =	vperm.xlane v13, v4;
	v9, v10, _ =	vpop (xrf1)  }
0xaa: {  	v11 =	vperm.xlane v18, v4;
	(xrf1) =	vsort.dscd.msk.f32 $0xffff, v15, v2;
	v12, v13, _ =	vpop (xrf1);
	v9 =	vperm.xlane v9, v4  }
0xab: {  	v10 =	vperm.xlane v10, v4;
	vm1 =	vge.f32 v12, v7;
	v15, v16, _ =	vpop (xrf1)  }
0xac: {  	v7 =	vsel vm1, v12, v7;
	v11 =	vsel vm1, v13, v11;
	vm1 =	vge.f32 v15, v9  }
0xad: {  	v14 =	vld [tilespmem:s29+$0x50];
	v9 =	vsel vm1, v15, v9  }
0xae: {  	v10 =	vsel vm1, v16, v10  }
0xaf: {  	v12 =	vld [tilespmem:s29+$0x40];
	(xrf1) =	vsort.dscd.msk.f32 $0xffff, v7, v11  }
0xb0: {  	(xrf1) =	vsort.dscd.msk.f32 $0xffff, v9, v10;
	v9, _, _ =	vpop (xrf2)  }
0xb1: {  	v9 =	vbroadcast v9, $0xF;
	v10 =	vpop (erf)  }
0xb2: {  	(xrf1) =	vsort.dscd.msk.f32 $0xffff, v14, v1;
	v6 =	vmul.f32 v10, v6  }
0xb3: {  	v11, v7, _ =	vpop (xrf1)  }
0xb4: {  	(xrf1) =	vsort.dscd.msk.f32 $0xffff, v12, v0;
	v10, v12, _ =	vpop (xrf1)  }
0xb5: {  	v13, v14, _ =	vpop (xrf1)  }
0xb6: {  	(erf) = vrcp.f32 v9;
	[tilespmem:s11+$0x10] =	vst v6;
	v13 =	vperm.xlane v13, v4;
	v6, v9, _ =	vpop (xrf1)  }
0xb7: {  	v14 =	vperm.xlane v14, v4;
	v6 =	vperm.xlane v6, v4  }
0xb8: {  	[tilespmem:s12+$0x10] =	vst v17;
	v16, v17, _ =	vpop (xrf1);
	vm1 =	vge.f32 v10, v13;
	v9 =	vperm.xlane v9, v4  }
0xb9: {  	v10 =	vsel vm1, v10, v13;
	v12 =	vsel vm1, v12, v14;
	vm1 =	vge.f32 v16, v6  }
0xba: {  	v15 =	vld [tilespmem:s24+$0xB0];
	v9 =	vsel vm1, v17, v9  }
0xbb: {  	v18 =	vld [tilespmem:s24+$0x90];
	v6 =	vsel vm1, v16, v6  }
0xbc: {  	v13 =	vld [tilespmem:s24+$0xA0]  }
0xbd: {  	(xrf1) =	vsort.dscd.msk.f32 $0xffff, v10, v12  }
0xbe: {  	v10 =	vld [tilespmem:s24+$0x80];
	(xrf1) =	vsort.dscd.msk.f32 $0xffff, v6, v9;
	v6, v9, _ =	vpop (xrf1)  }
0xbf: {  	(xrf1) =	vsort.dscd.msk.f32 $0xffff, v15, v3;
	v12, v14, _ =	vpop (xrf1)  }
0xc0: {  	(xrf1) =	vsort.dscd.msk.f32 $0xffff, v18, v1;
	v15, v16, _ =	vpop (xrf1)  }
0xc1: {  	(xrf1) =	vsort.dscd.msk.f32 $0xffff, v13, v2;
	v13 =	vpop (erf);
	v15 =	vperm.xlane v15, v4  }
0xc2: {  	v8 =	vmul.f32 v13, v8;
	v16 =	vperm.xlane v16, v4;
	v17, v18, _ =	vpop (xrf1)  }
0xc3: {  	(xrf1) =	vsort.dscd.msk.f32 $0xffff, v10, v0;
	vm1 =	vge.f32 v17, v15  }
0xc4: {  	(xrf0) =	vmax.scan.msk.f32 $0xffff, v11;
	[tilespmem:s13+$0xFFFFFFC0] =	vst v8;
	v10 =	vsel vm1, v17, v15;
	v13 =	vsel vm1, v18, v16  }
0xc5: {  	[tilespmem:s14+$0xFFFFFFC0] =	vst v5;
	v5 =	vperm.xlane v6, v4;
	(xrf1) =	vsort.dscd.msk.f32 $0xffff, v10, v13  }
0xc6: {  	v8 =	vperm.xlane v9, v4  }
0xc7: {  	v6 =	vld [tilespmem:s29+$0xFFFFFF70];
	vm1 =	vge.f32 v12, v5  }
0xc8: {  	v9 =	vld [tilespmem:s29+$0xFFFFFF50];
	v5 =	vsel vm1, v12, v5;
	v12 =	vsel vm1, v14, v8  }
0xc9: {  	v13 =	vld [tilespmem:s29+$0xFFFFFF60]  }
0xca: {  	v10, _, _ =	vpop (xrf0)  }
0xcb: {  	v15, v8, _ =	vpop (xrf1);
	(xrf1) =	vsort.dscd.msk.f32 $0xffff, v5, v12;
	v10 =	vbroadcast v10, $0xF  }
0xcc: {  	v14 =	vld [tilespmem:s29+$0xFFFFFF40];
	(xrf1) =	vsort.dscd.msk.f32 $0xffff, v6, v3;
	v5, v12, _ =	vpop (xrf1)  }
0xcd: {  	v10 =	vsub.f32 v11, v10;
	(xrf1) =	vsort.dscd.msk.f32 $0xffff, v9, v1;
	v6, v16, _ =	vpop (xrf1)  }
0xce: {  	(xrf1) =	vsort.dscd.msk.f32 $0xffff, v13, v2;
	v6 =	vperm.xlane v6, v4;
	v9, v11, _ =	vpop (xrf1);
	v13 =	vperm.xlane v16, v4  }
0xcf: {  	v10 =	vmul.f32 $1.442695020e+00, v10;
	v16, v17, _ =	vpop (xrf1);
	v11 =	vperm.xlane v11, v4  }
0xd0: {  	(xrf0) =	vmax.scan.msk.f32 $0xffff, v15;
	v9 =	vperm.xlane v9, v4;
	vm1 =	vge.f32 v16, v6  }
0xd1: {  	(xrf1) =	vsort.dscd.msk.f32 $0xffff, v14, v0;
	v14, v18, _ =	vpop (xrf1);
	(erf) = vpow2.f32 v10;
	v6 =	vsel vm1, v16, v6;
	v13 =	vsel vm1, v17, v13  }
0xd2: {  	v5 =	vperm.xlane v5, v4;
	vm1 =	vge.f32 v14, v9;
	(xrf1) =	vsort.dscd.msk.f32 $0xffff, v6, v13  }
0xd3: {  	v10 =	vperm.xlane v12, v4;
	v6 =	vsel vm1, v14, v9;
	v9 =	vsel vm1, v18, v11;
	v11, v12, _ =	vpop (xrf1)  }
0xd4: {  	vm1 =	vge.f32 v11, v5  }
0xd5: {  	(xrf1) =	vsort.dscd.msk.f32 $0xffff, v6, v9;
	v5 =	vsel vm1, v11, v5;
	_ =	sdelay $0x1  }
0xd6: {  	v6 =	vsel vm1, v12, v10  }
0xd7: {  	(xrf1) =	vsort.dscd.msk.f32 $0xffff, v5, v6;
	v5, _, _ =	vpop (xrf0)  }
0xd8: {  	v6 =	vbroadcast v5, $0xF  }
0xd9: {  	v9 =	vpop (erf)  }
0xda: {  	v10, v5, _ =	vpop (xrf1);
	v6 =	vsub.f32 v15, v6  }
0xdb: {  	v11, v12, _ =	vpop (xrf1)  }
0xdc: {  	v11 =	vperm.xlane v11, v4;
	v13, v14, _ =	vpop (xrf1);
	v6 =	vmul.f32 $1.442695020e+00, v6  }
0xdd: {  	v15 =	vnsel vm0, $0x0, v9;
	v9 =	vperm.xlane v12, v4;
	v12, v16, _ =	vpop (xrf1)  }
0xde: {  	vm1 =	vge.f32 v12, v11;
	v17, v18, _ =	vpop (xrf1);
	(erf) = vpow2.f32 v6  }
0xdf: {  	(xrf0) =	vmax.scan.msk.f32 $0xffff, v10;
	v6 =	vperm.xlane v13, v4;
	v11 =	vsel vm1, v12, v11;
	v9 =	vsel vm1, v16, v9;
	v12, v13, _ =	vpop (xrf1)  }
0xe0: {  	(xrf1) =	vsort.dscd.msk.f32 $0xffff, v11, v9;
	v9 =	vperm.xlane v12, v4  }
0xe1: {  	(xrf2) =	vadd.scan.msk.f32 $0xffff, v15;
	v14 =	vperm.xlane v14, v4  }
0xe2: {  	v11 =	vperm.xlane v13, v4;
	v12, v13, _ =	vpop (xrf1);
	vm1 =	vge.f32 v17, v6  }
0xe3: {  	v6 =	vsel vm1, v17, v6;
	v14 =	vsel vm1, v18, v14;
	vm1 =	vge.f32 v12, v9  }
0xe4: {  	(xrf1) =	vsort.dscd.msk.f32 $0xffff, v6, v14;
	v6 =	vsel vm1, v12, v9  }
0xe5: {  	v11 =	vsel vm1, v13, v11;
	v12, v9, _ =	vpop (xrf1)  }
0xe6: {  	(xrf0) =	vmax.scan.msk.f32 $0xffff, v12  }
0xe7: {  	(xrf1) =	vsort.dscd.msk.f32 $0xffff, v6, v11;
	v6, _, _ =	vpop (xrf0)  }
0xe8: {  	v6 =	vbroadcast v6, $0xF;
	v11 =	vpop (erf)  }
0xe9: {  	v11 =	vnsel vm0, $0x0, v11  }
0xea: {  	v6 =	vsub.f32 v10, v6;
	(xrf2) =	vadd.scan.msk.f32 $0xffff, v11  }
0xeb: {  	v10, _, _ =	vpop (xrf2)  }
0xec: {  	v6 =	vmul.f32 $1.442695020e+00, v6;
	v13, _, _ =	vpop (xrf0)  }
0xed: {  	s19 =	simm.s32 $0x700;
	v10 =	vbroadcast v10, $0xF;
	v13 =	vbroadcast v13, $0xF  }
0xee: {  	v14 =	vld [tilespmem:s19+$0x0];
	(erf) = vpow2.f32 v6  }
0xef: {  	(erf) = vrcp.f32 v10;
	v10 =	vsub.f32 v12, v13  }
0xf0: {  	v6 =	vld [tilespmem:s19+$0x10]  }
0xf1: {  	v16, v17, _ =	vpop (xrf1);
	v10 =	vmul.f32 $1.442695020e+00, v10  }
0xf2: {  	v12 =	vld [tilespmem:s19+$0xFFFFFF30]  }
0xf3: {  	v13 =	vld [tilespmem:s19+$0x30];
	(xrf1) =	vsort.dscd.msk.f32 $0xffff, v14, v0;
	v14, v18, _ =	vpop (xrf1)  }
0xf4: {  	v20, _, _ =	vpop (xrf2)  }
0xf5: {  	(xrf1) =	vsort.dscd.msk.f32 $0xffff, v6, v1;
	(erf) = vpow2.f32 v10;
	v10, v6, _ =	vpop (xrf1)  }
0xf6: {  	v19 =	vld [tilespmem:s19+$0x20];
	v20 =	vbroadcast v20, $0xF;
	(xrf0) =	vmax.scan.msk.f32 $0xffff, v10;
	_ =	sdelay $0x1  }
0xf7: {  	v21 =	vld [tilespmem:s19+$0xFFFFFF10];
	(xrf1) =	vsort.dscd.msk.f32 $0xffff, v13, v3;
	v22 =	vpop (erf);
	(erf) = vrcp.f32 v20  }
0xf8: {  	v13 =	vld [tilespmem:s19+$0xFFFFFF20]  }
0xf9: {  	(xrf1) =	vsort.dscd.msk.f32 $0xffff, v12, v3;
	v12 =	vld [tilespmem:s19+$0xFFFFFF00];
	v20 =	vpop (erf)  }
0xfa: {  	(xrf1) =	vsort.dscd.msk.f32 $0xffff, v19, v2;
	v15 =	vmul.f32 v20, v15  }
0xfb: {  	v19, _, _ =	vpop (xrf0)  }
0xfc: {  	(xrf1) =	vsort.dscd.msk.f32 $0xffff, v21, v1;
	[tilespmem:s11+$0xFFFFFFD0] =	vst v15;
	v15 =	vbroadcast v19, $0xF  }
0xfd: {  	(xrf1) =	vsort.dscd.msk.f32 $0xffff, v13, v2;
	v13 =	vperm.xlane v16, v4;
	[tilespmem:s12+$0xFFFFFFD0] =	vst v7;
	v7 =	vpop (erf)  }
0xfe: {  	(xrf1) =	vsort.dscd.msk.f32 $0xffff, v12, v0;
	v12 =	vnsel vm0, $0x0, v7;
	v7 =	vsub.f32 v10, v15;
	v10 =	vperm.xlane v17, v4  }
0xff: {  	vm1 =	vge.f32 v14, v13;
	v16 =	vld [tilespmem:s24+$0xFFFFFFB0]  }
0x100: {  	v13 =	vsel vm1, v14, v13;
	v15 =	vld [tilespmem:s24+$0xFFFFFF90];
	(xrf2) =	vadd.scan.msk.f32 $0xffff, v12;
	v17 =	vpop (erf);
	v7 =	vmul.f32 $1.442695020e+00, v7;
	v10 =	vsel vm1, v18, v10  }
0x101: {  	(xrf1) =	vsort.dscd.msk.f32 $0xffff, v13, v10;
	v10 =	vmul.f32 v17, v11;
	_ =	sdelay $0x1  }
0x102: {  	v14 =	vld [tilespmem:s24+$0xFFFFFFA0];
	v18, v19, _ =	vpop (xrf1);
	(erf) = vpow2.f32 v7  }
0x103: {  	s15 =	simm.s32 $0x8140;
	(xrf1) =	vsort.dscd.msk.f32 $0xffff, v16, v3;
	v7, v11, _ =	vpop (xrf1)  }
0x104: {  	(xrf1) =	vsort.dscd.msk.f32 $0xffff, v15, v1;
	[tilespmem:s15+$0x0] =	vst v10;
	v7 =	vperm.xlane v7, v4;
	v10, v15, _ =	vpop (xrf1)  }
0x105: {  	s16 =	simm.s32 $0xA140;
	v13 =	vnsel vm0, $0x0, v22;
	v11 =	vperm.xlane v11, v4;
	v15 =	vperm.xlane v15, v4  }
0x106: {  	(xrf2) =	vadd.scan.msk.f32 $0xffff, v13;
	[tilespmem:s16+$0x0] =	vst v8;
	v8 =	vperm.xlane v10, v4;
	v10, v16, _ =	vpop (xrf1);
	vm1 =	vge.f32 v18, v7  }
0x107: {  	(xrf1) =	vsort.dscd.msk.f32 $0xffff, v14, v2;
	v14 =	vld [tilespmem:s28+$0x70];
	v7 =	vsel vm1, v18, v7;
	v11 =	vsel vm1, v19, v11;
	v17, v18, _ =	vpop (xrf1)  }
0x108: {  	vm1 =	vge.f32 v17, v8  }
0x109: {  	(xrf1) =	vsort.dscd.msk.f32 $0xffff, v7, v11;
	v7 =	vsel vm1, v17, v8;
	v8 =	vsel vm1, v18, v15;
	v15, v17, _ =	vpop (xrf1)  }
0x10a: {  	v11, _, _ =	vpop (xrf2)  }
0x10b: {  	v19 =	vld [tilespmem:s28+$0x60];
	(xrf1) =	vsort.dscd.msk.f32 $0xffff, v7, v8;
	v8 =	vperm.xlane v10, v4;
	v7 =	vbroadcast v11, $0xF;
	v11 =	vpop (erf)  }
0x10c: {  	v10 =	vperm.xlane v16, v4;
	v15 =	vperm.xlane v15, v4;
	(xrf1) =	vsort.dscd.msk.f32 $0xffff, v14, v3;
	v14, v16, _ =	vpop (xrf1);
	v11 =	vnsel vm0, $0x0, v11  }
0x10d: {  	vm1 =	vge.f32 v14, v8;
	(erf) = vrcp.f32 v7;
	v7 =	vperm.xlane v17, v4;
	v17, v20, _ =	vpop (xrf1)  }
0x10e: {  	v8 =	vsel vm1, v14, v8;
	v10 =	vsel vm1, v16, v10;
	vm1 =	vge.f32 v17, v15  }
0x10f: {  	v18 =	vld [tilespmem:s28+$0x50];
	(xrf2) =	vadd.scan.msk.f32 $0xffff, v11;
	v7 =	vsel vm1, v20, v7  }
0x110: {  	(xrf1) =	vsort.dscd.msk.f32 $0xffff, v19, v2;
	v19 =	vld [tilespmem:s24+$0xFFFFFF80]  }
0x111: {  	v14 =	vld [tilespmem:s28+$0x40];
	(xrf1) =	vsort.dscd.msk.f32 $0xffff, v8, v10;
	v15 =	vsel vm1, v17, v15;
	v8, _, _ =	vpop (xrf2)  }
0x112: {  	v8 =	vbroadcast v8, $0xF  }
0x113: {  	(xrf1) =	vsort.dscd.msk.f32 $0xffff, v15, v7;
	v10, v7, _ =	vpop (xrf1)  }
0x114: {  	(xrf1) =	vsort.dscd.msk.f32 $0xffff, v18, v1;
	v15, v16, _ =	vpop (xrf1)  }
0x115: {  	(xrf1) =	vsort.dscd.msk.f32 $0xffff, v19, v0;
	v17, v18, _ =	vpop (xrf1)  }
0x116: {  	(erf) = vrcp.f32 v8;
	(xrf1) =	vsort.dscd.msk.f32 $0xffff, v14, v0;
	v8, v14, _ =	vpop (xrf1)  }
0x117: {  	v19 =	vpop (erf)  }
0x118: {  	v15 =	vperm.xlane v15, v4;
	v20, v21, _ =	vpop (xrf1);
	v12 =	vmul.f32 v19, v12  }
0x119: {  	v16 =	vperm.xlane v16, v4;
	v19, _, _ =	vpop (xrf2)  }
0x11a: {  	vm1 =	vge.f32 v8, v15;
	v22, v23, _ =	vpop (xrf1);
	[tilespmem:s13+$0x10] =	vst v12  }
0x11b: {  	v22 =	vperm.xlane v22, v4;
	[tilespmem:s14+$0x10] =	vst v9;
	v9 =	vsel vm1, v14, v16  }
0x11c: {  	v8 =	vsel vm1, v8, v15;
	v12 =	vbroadcast v19, $0xF;
	v15, v19, _ =	vpop (xrf1);
	v23 =	vperm.xlane v23, v4  }
0x11d: {  	v14 =	vperm.xlane v15, v4;
	vm1 =	vge.f32 v20, v22  }
0x11e: {  	v15 =	vld [tilespmem:s29+$0xB0];
	(erf) = vrcp.f32 v12;
	v21 =	vsel vm1, v21, v23  }
0x11f: {  	(xrf1) =	vsort.dscd.msk.f32 $0xffff, v8, v9;
	v12 =	vperm.xlane v19, v4;
	v16 =	vld [tilespmem:s29+$0x90];
	v20 =	vsel vm1, v20, v22;
	v8, v9, _ =	vpop (xrf1)  }
0x120: {  	(xrf1) =	vsort.dscd.msk.f32 $0xffff, v20, v21;
	vm1 =	vge.f32 v8, v14;
	v23, v24, _ =	vpop (xrf1)  }
0x121: {  	(xrf0) =	vmax.scan.msk.f32 $0xffff, v10;
	v22 =	vld [tilespmem:s29+$0xA0];
	v8 =	vsel vm1, v8, v14;
	v9 =	vsel vm1, v9, v12;
	v12 =	vperm.xlane v17, v4;
	v14, v17, _ =	vpop (xrf1)  }
0x122: {  	v20 =	vld [tilespmem:s29+$0x80];
	(xrf1) =	vsort.dscd.msk.f32 $0xffff, v8, v9;
	v8 =	vperm.xlane v18, v4;
	v18, v21, _ =	vpop (xrf1)  }
0x123: {  	v19 =	vpop (erf);
	v9 =	vperm.xlane v23, v4;
	(xrf1) =	vsort.dscd.msk.f32 $0xffff, v15, v3  }
0x124: {  	v13 =	vmul.f32 v19, v13;
	v15 =	vperm.xlane v18, v4;
	(xrf1) =	vsort.dscd.msk.f32 $0xffff, v16, v1;
	v16, v18, _ =	vpop (xrf1)  }
0x125: {  	v19 =	vperm.xlane v21, v4;
	vm1 =	vge.f32 v14, v9;
	v21, v23, _ =	vpop (xrf1)  }
0x126: {  	[tilespmem:s15+$0xFFFFFFC0] =	vst v13;
	(xrf1) =	vsort.dscd.msk.f32 $0xffff, v22, v2;
	v9 =	vsel vm1, v14, v9;
	vm2 =	vge.f32 v21, v15  }
0x127: {  	[tilespmem:s16+$0xFFFFFFC0] =	vst v5;
	v14 =	vpop (erf);
	(xrf1) =	vsort.dscd.msk.f32 $0xffff, v20, v0;
	v5 =	vsel vm2, v21, v15;
	v13 =	vsel vm2, v23, v19  }
0x128: {  	v22 =	vperm.xlane v24, v4;
	v15, _, _ =	vpop (xrf0);
	(xrf1) =	vsort.dscd.msk.f32 $0xffff, v5, v13  }
0x129: {  	v19 =	vld [tilespmem:s28+$0xFFFFFF70];
	v5 =	vmul.f32 v14, v11;
	v11 =	vbroadcast v15, $0xF  }
0x12a: {  	v13 =	vld [tilespmem:s28+$0xFFFFFF50]  }
0x12b: {  	v17 =	vsel vm1, v17, v22;
	vm1 =	vge.f32 v16, v12;
	v14 =	vld [tilespmem:s28+$0xFFFFFF60];
	[tilespmem:s11+$0x20] =	vst v5;
	v5 =	vsub.f32 v10, v11  }
0x12c: {  	v8 =	vsel vm1, v18, v8;
	(xrf1) =	vsort.dscd.msk.f32 $0xffff, v9, v17;
	v9 =	vsel vm1, v16, v12;
	v10 =	vld [tilespmem:s28+$0xFFFFFF40];
	[tilespmem:s12+$0x20] =	vst v6  }
0x12d: {  	(xrf1) =	vsort.dscd.msk.f32 $0xffff, v9, v8;
	v6 =	vld [tilespmem:s24+$0xF0];
	v5 =	vmul.f32 $1.442695020e+00, v5  }
0x12e: {  	(xrf1) =	vsort.dscd.msk.f32 $0xffff, v19, v3;
	v8 =	vld [tilespmem:s24+$0xD0]  }
0x12f: {  	v11, v12, _ =	vpop (xrf1);
	(xrf1) =	vsort.dscd.msk.f32 $0xffff, v13, v1;
	v13 =	vld [tilespmem:s24+$0xE0]  }
0x130: {  	v15, v9, _ =	vpop (xrf1);
	(xrf1) =	vsort.dscd.msk.f32 $0xffff, v14, v2  }
0x131: {  	(erf) = vpow2.f32 v5;
	v14 =	vld [tilespmem:s24+$0xC0];
	(xrf1) =	vsort.dscd.msk.f32 $0xffff, v10, v0;
	v5, v10, _ =	vpop (xrf1)  }
0x132: {  	v16, v17, _ =	vpop (xrf1);
	(xrf1) =	vsort.dscd.msk.f32 $0xffff, v6, v3  }
0x133: {  	v10 =	vperm.xlane v10, v4;
	v6 =	vperm.xlane v16, v4;
	v16, v18, _ =	vpop (xrf1);
	(xrf1) =	vsort.dscd.msk.f32 $0xffff, v8, v1  }
0x134: {  	v8 =	vperm.xlane v5, v4;
	v5 =	vperm.xlane v17, v4;
	v17, v19, _ =	vpop (xrf1);
	(xrf1) =	vsort.dscd.msk.f32 $0xffff, v13, v2  }
0x135: {  	(xrf0) =	vmax.scan.msk.f32 $0xffff, v15;
	v13 =	vperm.xlane v16, v4;
	v16 =	vperm.xlane v18, v4;
	vm1 =	vge.f32 v17, v6;
	v18, v20, _ =	vpop (xrf1)  }
0x136: {  	(xrf1) =	vsort.dscd.msk.f32 $0xffff, v14, v0;
	v6 =	vsel vm1, v17, v6;
	v5 =	vsel vm1, v19, v5;
	v14, v17, _ =	vpop (xrf1)  }
0x137: {  	vm1 =	vge.f32 v18, v13;
	vm2 =	vge.f32 v14, v8  }
0x138: {  	v13 =	vsel vm1, v18, v13;
	v10 =	vsel vm2, v17, v10  }
0x139: {  	v8 =	vsel vm2, v14, v8  }
0x13a: {  	(xrf1) =	vsort.dscd.msk.f32 $0xffff, v6, v5;
	v16 =	vsel vm1, v20, v16;
	v6, v5, _ =	vpop (xrf1)  }
0x13b: {  	v11 =	vperm.xlane v11, v4;
	(xrf1) =	vsort.dscd.msk.f32 $0xffff, v13, v16;
	v13, _, _ =	vpop (xrf0)  }
0x13c: {  	(xrf1) =	vsort.dscd.msk.f32 $0xffff, v8, v10;
	v13 =	vbroadcast v13, $0xF;
	v8, v10, _ =	vpop (xrf1)  }
0x13d: {  	v12 =	vperm.xlane v12, v4;
	v16, v17, _ =	vpop (xrf1);
	vm1 =	vge.f32 v8, v11  }
0x13e: {  	v13 =	vsub.f32 v15, v13;
	v18, v19, _ =	vpop (xrf1);
	v8 =	vsel vm1, v8, v11  }
0x13f: {  	v11 =	vperm.xlane v16, v4;
	v10 =	vsel vm1, v10, v12;
	v12 =	vperm.xlane v17, v4;
	v15, v16, _ =	vpop (xrf1)  }
0x140: {  	v13 =	vmul.f32 $1.442695020e+00, v13;
	v17 =	vperm.xlane v18, v4;
	v18, v20, _ =	vpop (xrf1)  }
0x141: {  	vm1 =	vge.f32 v15, v11;
	v21, v22, _ =	vpop (xrf1)  }
0x142: {  	v11 =	vsel vm1, v15, v11;
	v15 =	vperm.xlane v21, v4  }
0x143: {  	v14 =	vpop (erf)  }
0x144: {  	(xrf0) =	vmax.scan.msk.f32 $0xffff, v6;
	v19 =	vperm.xlane v19, v4;
	v12 =	vsel vm1, v16, v12;
	v16, v21, _ =	vpop (xrf1)  }
0x145: {  	(xrf1) =	vsort.dscd.msk.f32 $0xffff, v8, v10;
	(erf) = vpow2.f32 v13;
	vm1 =	vge.f32 v18, v17;
	v8 =	vperm.xlane v22, v4;
	v10, v13, _ =	vpop (xrf1)  }
0x146: {  	v14 =	vnsel vm0, $0x0, v14;
	(xrf1) =	vsort.dscd.msk.f32 $0xffff, v11, v12;
	v11 =	vperm.xlane v16, v4;
	vm2 =	vge.f32 v10, v15  }
0x147: {  	(xrf2) =	vadd.scan.msk.f32 $0xffff, v14;
	v12 =	vperm.xlane v21, v4;
	v10 =	vsel vm2, v10, v15;
	v8 =	vsel vm2, v13, v8;
	v13, v15, _ =	vpop (xrf1)  }
0x148: {  	v16 =	vsel vm1, v18, v17;
	(xrf1) =	vsort.dscd.msk.f32 $0xffff, v10, v8;
	vm2 =	vge.f32 v13, v11  }
0x149: {  	v17, v18, _ =	vpop (xrf1);
	v10 =	vsel vm2, v13, v11;
	v11 =	vsel vm2, v15, v12;
	v12 =	vsel vm1, v20, v19;
	_ =	sdelay $0x1  }
0x14a: {  	v8 =	vperm.xlane v17, v4;
	v15, v17, _ =	vpop (xrf1);
	(xrf1) =	vsort.dscd.msk.f32 $0xffff, v10, v11  }
0x14b: {  	(xrf1) =	vsort.dscd.msk.f32 $0xffff, v16, v12;
	v12, _, _ =	vpop (xrf0)  }
0x14c: {  	vm1 =	vge.f32 v15, v8;
	v10, v11, _ =	vpop (xrf1)  }
0x14d: {  	v13 =	vperm.xlane v18, v4;
	v8 =	vsel vm1, v15, v8;
	v12 =	vbroadcast v12, $0xF;
	(xrf0) =	vmax.scan.msk.f32 $0xffff, v10;
	_ =	sdelay $0x1  }
0x14e: {  	v13 =	vsel vm1, v17, v13;
	v6 =	vsub.f32 v6, v12  }
0x14f: {  	(xrf1) =	vsort.dscd.msk.f32 $0xffff, v8, v13;
	v8 =	vpop (erf)  }
0x150: {  	v12, _, _ =	vpop (xrf2);
	v6 =	vmul.f32 $1.442695020e+00, v6  }
0x151: {  	v8 =	vnsel vm0, $0x0, v8;
	v12 =	vbroadcast v12, $0xF  }
0x152: {  	s22 =	simm.s32 $0x900;
	(xrf2) =	vadd.scan.msk.f32 $0xffff, v8;
	(erf) = vpow2.f32 v6;
	v15, _, _ =	vpop (xrf0)  }
0x153: {  	v13 =	vld [tilespmem:s22+$0x0];
	(erf) = vrcp.f32 v12;
	v12 =	vbroadcast v15, $0xF  }
0x154: {  	v16 =	vld [tilespmem:s22+$0x10]  }
0x155: {  	v17, v6, _ =	vpop (xrf1)  }
0x156: {  	v15, v18, _ =	vpop (xrf1);
	v10 =	vsub.f32 v10, v12  }
0x157: {  	v19 =	vld [tilespmem:s22+$0x30];
	v12, v20, _ =	vpop (xrf1)  }
0x158: {  	(xrf1) =	vsort.dscd.msk.f32 $0xffff, v13, v0;
	v10 =	vmul.f32 $1.442695020e+00, v10;
	v12 =	vperm.xlane v12, v4  }
0x159: {  	(xrf1) =	vsort.dscd.msk.f32 $0xffff, v16, v1;
	v16 =	vperm.xlane v20, v4;
	v20, v21, _ =	vpop (xrf1)  }
0x15a: {  	vm1 =	vge.f32 v20, v12  }
0x15b: {  	v23, v24, _ =	vpop (xrf1);
	v12 =	vsel vm1, v20, v12  }
0x15c: {  	v13 =	vld [tilespmem:s22+$0xFFFFFF30];
	(xrf1) =	vsort.dscd.msk.f32 $0xffff, v19, v3;
	v19, _, _ =	vpop (xrf2)  }
0x15d: {  	v22 =	vld [tilespmem:s22+$0x20];
	(xrf0) =	vmax.scan.msk.f32 $0xffff, v17;
	(erf) = vpow2.f32 v10;
	v16 =	vsel vm1, v21, v16;
	v21, v10, _ =	vpop (xrf1)  }
0x15e: {  	(xrf1) =	vsort.dscd.msk.f32 $0xffff, v12, v16;
	v12 =	vpop (erf)  }
0x15f: {  	v16 =	vbroadcast v19, $0xF;
	(xrf0) =	vmax.scan.msk.f32 $0xffff, v21;
	v19 =	vpop (erf)  }
0x160: {  	v14 =	vmul.f32 v19, v14  }
0x161: {  	v20 =	vld [tilespmem:s22+$0xFFFFFF10];
	(xrf1) =	vsort.dscd.msk.f32 $0xffff, v13, v3  }
0x162: {  	(xrf1) =	vsort.dscd.msk.f32 $0xffff, v22, v2;
	(erf) = vrcp.f32 v16  }
0x163: {  	v13 =	vld [tilespmem:s22+$0xFFFFFF20]  }
0x164: {  	v16 =	vld [tilespmem:s22+$0xFFFFFF00];
	[tilespmem:s13+$0xFFFFFFD0] =	vst v14;
	v14, _, _ =	vpop (xrf0)  }
0x165: {  	[tilespmem:s14+$0xFFFFFFD0] =	vst v7;
	v7 =	vperm.xlane v15, v4;
	v19, _, _ =	vpop (xrf0)  }
0x166: {  	(xrf1) =	vsort.dscd.msk.f32 $0xffff, v20, v1;
	v19 =	vbroadcast v19, $0xF  }
0x167: {  	v18 =	vperm.xlane v18, v4;
	v15 =	vld [tilespmem:s29+$0xFFFFFFB0];
	vm1 =	vge.f32 v23, v7  }
0x168: {  	(xrf1) =	vsort.dscd.msk.f32 $0xffff, v13, v2;
	v13 =	vld [tilespmem:s29+$0xFFFFFF90];
	v7 =	vsel vm1, v23, v7;
	v19 =	vsub.f32 v21, v19  }
0x169: {  	v20 =	vpop (erf);
	(xrf1) =	vsort.dscd.msk.f32 $0xffff, v16, v0;
	v18 =	vsel vm1, v24, v18  }
0x16a: {  	v16 =	vnsel vm0, $0x0, v20;
	v20, v22, _ =	vpop (xrf1);
	(xrf1) =	vsort.dscd.msk.f32 $0xffff, v7, v18;
	v18 =	vmul.f32 $1.442695020e+00, v19  }
0x16b: {  	(xrf2) =	vadd.scan.msk.f32 $0xffff, v16;
	v7 =	vpop (erf)  }
0x16c: {  	v14 =	vbroadcast v14, $0xF;
	v23, v24, _ =	vpop (xrf1);
	v21 =	vld [tilespmem:s29+$0xFFFFFFA0];
	(xrf1) =	vsort.dscd.msk.f32 $0xffff, v15, v3;
	v7 =	vmul.f32 v7, v8  }
0x16d: {  	s18 =	simm.s32 $0x81C0;
	(xrf1) =	vsort.dscd.msk.f32 $0xffff, v13, v1;
	v13 =	vperm.xlane v23, v4;
	v15, v19, _ =	vpop (xrf1)  }
0x16e: {  	s17 =	simm.s32 $0xA1C0;
	v14 =	vsub.f32 v17, v14;
	v17 =	vperm.xlane v24, v4;
	(erf) = vpow2.f32 v18;
	[tilespmem:s18+$0x0] =	vst v7;
	v18, v8, _ =	vpop (xrf1)  }
0x16f: {  	vm1 =	vge.f32 v20, v13;
	[tilespmem:s17+$0x0] =	vst v9;
	v7 =	vperm.xlane v15, v4;
	v15, v23, _ =	vpop (xrf1)  }
0x170: {  	v9 =	vsel vm1, v20, v13;
	v13 =	vsel vm1, v22, v17;
	v17 =	vperm.xlane v19, v4;
	(xrf0) =	vmax.scan.msk.f32 $0xffff, v18;
	v19, v20, _ =	vpop (xrf1)  }
0x171: {  	(xrf1) =	vsort.dscd.msk.f32 $0xffff, v21, v2;
	vm1 =	vge.f32 v19, v7  }
0x172: {  	v12 =	vnsel vm0, $0x0, v12;
	(xrf1) =	vsort.dscd.msk.f32 $0xffff, v9, v13;
	v9 =	vmul.f32 $1.442695020e+00, v14;
	v7 =	vsel vm1, v19, v7  }
0x173: {  	(xrf2) =	vadd.scan.msk.f32 $0xffff, v12;
	v21 =	vld [tilespmem:s19+$0x70]  }
0x174: {  	v13, v14, _ =	vpop (xrf1);
	v17 =	vsel vm1, v20, v17;
	v19 =	vld [tilespmem:s19+$0x60]  }
0x175: {  	v15 =	vperm.xlane v15, v4;
	(xrf1) =	vsort.dscd.msk.f32 $0xffff, v7, v17;
	v7, _, _ =	vpop (xrf2)  }
0x176: {  	(erf) = vpow2.f32 v9;
	v13 =	vperm.xlane v13, v4;
	v9, _, _ =	vpop (xrf0)  }
0x177: {  	v17, v20, _ =	vpop (xrf1);
	v7 =	vbroadcast v7, $0xF;
	v9 =	vbroadcast v9, $0xF  }
0x178: {  	(xrf1) =	vsort.dscd.msk.f32 $0xffff, v21, v3;
	v21 =	vperm.xlane v23, v4;
	v22 =	vpop (erf);
	vm1 =	vge.f32 v17, v15  }
0x179: {  	(xrf1) =	vsort.dscd.msk.f32 $0xffff, v19, v2;
	v19 =	vnsel vm0, $0x0, v22;
	(erf) = vrcp.f32 v7;
	v7 =	vsub.f32 v18, v9  }
0x17a: {  	v15 =	vsel vm1, v17, v15;
	v17, v18, _ =	vpop (xrf1);
	(xrf2) =	vadd.scan.msk.f32 $0xffff, v19  }
0x17b: {  	v14 =	vperm.xlane v14, v4;
	v20 =	vsel vm1, v20, v21;
	vm1 =	vge.f32 v17, v13  }
0x17c: {  	v23 =	vld [tilespmem:s19+$0x50];
	v13 =	vsel vm1, v17, v13  }
0x17d: {  	v21, _, _ =	vpop (xrf2);
	(xrf1) =	vsort.dscd.msk.f32 $0xffff, v15, v20;
	v14 =	vsel vm1, v18, v14  }
0x17e: {  	v9 =	vld [tilespmem:s29+$0xFFFFFF80];
	v24 =	vmul.f32 $1.442695020e+00, v7;
	v17, v7, _ =	vpop (xrf1);
	(xrf1) =	vsort.dscd.msk.f32 $0xffff, v13, v14;
	v14 =	vbroadcast v21, $0xF  }
0x17f: {  	v22 =	vld [tilespmem:s19+$0x40];
	v13 =	vpop (erf)  }
0x180: {  	v15, v18, _ =	vpop (xrf1)  }
0x181: {  	(erf) = vpow2.f32 v24;
	(xrf1) =	vsort.dscd.msk.f32 $0xffff, v23, v1;
	v20, v21, _ =	vpop (xrf1)  }
0x182: {  	(erf) = vrcp.f32 v14;
	v24 =	vpop (erf)  }
0x183: {  	(xrf1) =	vsort.dscd.msk.f32 $0xffff, v9, v0;
	v9, v14, _ =	vpop (xrf1)  }
0x184: {  	v15 =	vperm.xlane v15, v4;
	(xrf1) =	vsort.dscd.msk.f32 $0xffff, v22, v0;
	v16 =	vmul.f32 v24, v16;
	v24, _, _ =	vpop (xrf2)  }
0x185: {  	v18 =	vperm.xlane v18, v4;
	v22, v23, _ =	vpop (xrf1)  }
0x186: {  	vm1 =	vge.f32 v9, v15;
	v25, v26, _ =	vpop (xrf1)  }
0x187: {  	[tilespmem:s15+$0x10] =	vst v16;
	v16 =	vbroadcast v24, $0xF;
	v14 =	vsel vm1, v14, v18;
	v18 =	vperm.xlane v25, v4  }
0x188: {  	v9 =	vsel vm1, v9, v15;
	v24 =	vperm.xlane v26, v4  }
0x189: {  	v15, v27, _ =	vpop (xrf1);
	(xrf1) =	vsort.dscd.msk.f32 $0xffff, v9, v14;
	vm1 =	vge.f32 v22, v18  }
0x18a: {  	[tilespmem:s16+$0x10] =	vst v11;
	v11 =	vpop (erf);
	v14 =	vperm.xlane v15, v4;
	v18 =	vsel vm1, v22, v18;
	v22 =	vsel vm1, v23, v24  }
0x18b: {  	(xrf0) =	vmax.scan.msk.f32 $0xffff, v17;
	v15 =	vld [tilespmem:s28+$0xB0];
	(erf) = vrcp.f32 v16;
	v9 =	vnsel vm0, $0x0, v11;
	v25 =	vperm.xlane v27, v4;
	v27 =	vpop (erf)  }
0x18c: {  	v26 =	vld [tilespmem:s28+$0x90];
	(xrf2) =	vadd.scan.msk.f32 $0xffff, v9;
	v11, v16, _ =	vpop (xrf1)  }
0x18d: {  	v23 =	vld [tilespmem:s28+$0xA0];
	vm1 =	vge.f32 v11, v14;
	v24, v28, _ =	vpop (xrf1);
	(xrf1) =	vsort.dscd.msk.f32 $0xffff, v18, v22  }
0x18e: {  	v18 =	vperm.xlane v20, v4;
	v11 =	vsel vm1, v11, v14;
	v14 =	vsel vm1, v16, v25;
	v16 =	vld [tilespmem:s28+$0x80];
	v20, v22, _ =	vpop (xrf1)  }
0x18f: {  	(xrf1) =	vsort.dscd.msk.f32 $0xffff, v11, v14;
	v11 =	vperm.xlane v21, v4;
	v14 =	vperm.xlane v24, v4;
	v21, v24, _ =	vpop (xrf1)  }
0x190: {  	v12 =	vmul.f32 v27, v12;
	(xrf1) =	vsort.dscd.msk.f32 $0xffff, v15, v3;
	v15 =	vperm.xlane v21, v4  }
0x191: {  	(xrf1) =	vsort.dscd.msk.f32 $0xffff, v26, v1;
	v21, v25, _ =	vpop (xrf1);
	v26 =	vperm.xlane v28, v4  }
0x192: {  	[tilespmem:s18+$0xFFFFFFC0] =	vst v12;
	v24 =	vperm.xlane v24, v4;
	vm1 =	vge.f32 v20, v14;
	v27, v57, _ =	vpop (xrf1);
	(xrf1) =	vsort.dscd.msk.f32 $0xffff, v23, v2  }
0x193: {  	[tilespmem:s17+$0xFFFFFFC0] =	vst v5;
	v12 =	vsel vm1, v20, v14;
	vm2 =	vge.f32 v27, v15;
	(xrf1) =	vsort.dscd.msk.f32 $0xffff, v16, v0;
	v16, _, _ =	vpop (xrf0)  }
0x194: {  	v20 =	vsel vm1, v22, v26;
	v22 =	vld [tilespmem:s19+$0xFFFFFF70];
	v5 =	vsel vm2, v27, v15;
	v14 =	vsel vm2, v57, v24;
	v15 =	vpop (erf)  }
0x195: {  	vm1 =	vge.f32 v21, v18;
	(xrf1) =	vsort.dscd.msk.f32 $0xffff, v5, v14;
	v14 =	vbroadcast v16, $0xF;
	v5 =	vmul.f32 v15, v19;
	v15 =	vld [tilespmem:s19+$0xFFFFFF50]  }
0x196: {  	v18 =	vsel vm1, v21, v18;
	v16 =	vld [tilespmem:s19+$0xFFFFFF60];
	(xrf1) =	vsort.dscd.msk.f32 $0xffff, v12, v20;
	v12, _, _ =	vpop (xrf2)  }
0x197: {  	v11 =	vsel vm1, v25, v11;
	[tilespmem:s13+$0x20] =	vst v5;
	v5 =	vbroadcast v12, $0xF;
	v12 =	vsub.f32 v17, v14;
	v14 =	vld [tilespmem:s19+$0xFFFFFF40]  }
0x198: {  	(xrf1) =	vsort.dscd.msk.f32 $0xffff, v18, v11;
	[tilespmem:s14+$0x20] =	vst v10  }
0x199: {  	(xrf1) =	vsort.dscd.msk.f32 $0xffff, v22, v3;
	v10 =	vld [tilespmem:s29+$0xF0];
	(erf) = vrcp.f32 v5;
	v5 =	vmul.f32 $1.442695020e+00, v12  }
0x19a: {  	v11 =	vld [tilespmem:s29+$0xD0];
	(xrf1) =	vsort.dscd.msk.f32 $0xffff, v15, v1  }
0x19b: {  	v17, v18, _ =	vpop (xrf1);
	v15 =	vld [tilespmem:s29+$0xE0];
	(xrf1) =	vsort.dscd.msk.f32 $0xffff, v16, v2  }
0x19c: {  	v19, v12, _ =	vpop (xrf1);
	(xrf1) =	vsort.dscd.msk.f32 $0xffff, v14, v0  }
0x19d: {  	(erf) = vpow2.f32 v5;
	v16 =	vld [tilespmem:s29+$0xC0];
	v5, v14, _ =	vpop (xrf1);
	(xrf0) =	vmax.scan.msk.f32 $0xffff, v19  }
0x19e: {  	v20, v21, _ =	vpop (xrf1);
	(xrf1) =	vsort.dscd.msk.f32 $0xffff, v10, v3  }
0x19f: {  	v10 =	vperm.xlane v20, v4;
	v20, v22, _ =	vpop (xrf1);
	(xrf1) =	vsort.dscd.msk.f32 $0xffff, v11, v1  }
0x1a0: {  	v5 =	vperm.xlane v5, v4;
	v11 =	vperm.xlane v21, v4;
	v21, v23, _ =	vpop (xrf1);
	(xrf1) =	vsort.dscd.msk.f32 $0xffff, v15, v2  }
0x1a1: {  	v15 =	vperm.xlane v20, v4;
	v20 =	vperm.xlane v22, v4;
	vm1 =	vge.f32 v21, v10  }
0x1a2: {  	v22, v24, _ =	vpop (xrf1);
	(xrf1) =	vsort.dscd.msk.f32 $0xffff, v16, v0;
	v10 =	vsel vm1, v21, v10;
	v21 =	vsel vm1, v23, v11  }
0x1a3: {  	v14 =	vperm.xlane v14, v4;
	v16, v23, _ =	vpop (xrf1);
	vm1 =	vge.f32 v22, v15;
	(xrf1) =	vsort.dscd.msk.f32 $0xffff, v10, v21  }
0x1a4: {  	v15 =	vsel vm1, v22, v15;
	v20 =	vsel vm1, v24, v20;
	vm1 =	vge.f32 v16, v5  }
0x1a5: {  	v11 =	vpop (erf);
	v14 =	vsel vm1, v23, v14  }
0x1a6: {  	v5 =	vsel vm1, v16, v5;
	v16, _, _ =	vpop (xrf0)  }
0x1a7: {  	v21, v10, _ =	vpop (xrf1);
	(xrf1) =	vsort.dscd.msk.f32 $0xffff, v15, v20  }
0x1a8: {  	v17 =	vperm.xlane v17, v4;
	v15, v20, _ =	vpop (xrf1)  }
0x1a9: {  	(xrf1) =	vsort.dscd.msk.f32 $0xffff, v5, v14;
	v5, v14, _ =	vpop (xrf1)  }
0x1aa: {  	v18 =	vperm.xlane v18, v4;
	v16 =	vbroadcast v16, $0xF;
	v23, v24, _ =	vpop (xrf1)  }
0x1ab: {  	vm1 =	vge.f32 v15, v17;
	v5 =	vperm.xlane v5, v4;
	v25, v26, _ =	vpop (xrf1)  }
0x1ac: {  	v16 =	vsub.f32 v19, v16;
	v15 =	vsel vm1, v15, v17;
	v18 =	vsel vm1, v20, v18;
	v17, v19, _ =	vpop (xrf1)  }
0x1ad: {  	v14 =	vperm.xlane v14, v4;
	v20 =	vperm.xlane v23, v4;
	vm1 =	vge.f32 v25, v5;
	v23, v27, _ =	vpop (xrf1)  }
0x1ae: {  	v22 =	vpop (erf);
	v5 =	vsel vm1, v25, v5;
	v25 =	vperm.xlane v27, v4  }
0x1af: {  	(xrf1) =	vsort.dscd.msk.f32 $0xffff, v15, v18;
	v15 =	vmul.f32 $1.442695020e+00, v16;
	v14 =	vsel vm1, v26, v14;
	v16 =	vperm.xlane v23, v4;
	v18, v23, _ =	vpop (xrf1)  }
0x1b0: {  	v22 =	vnsel vm0, $0x0, v22;
	v24 =	vperm.xlane v24, v4;
	(xrf1) =	vsort.dscd.msk.f32 $0xffff, v5, v14;
	v26, v27, _ =	vpop (xrf1)  }
0x1b1: {  	v5 =	vperm.xlane v18, v4;
	v14 =	vperm.xlane v23, v4;
	vm1 =	vge.f32 v26, v16;
	v18, v23, _ =	vpop (xrf1)  }
0x1b2: {  	(xrf2) =	vadd.scan.msk.f32 $0xffff, v22;
	(erf) = vpow2.f32 v15;
	v15 =	vsel vm1, v26, v16;
	v16 =	vsel vm1, v27, v25;
	v25, v26, _ =	vpop (xrf1)  }
0x1b3: {  	vm1 =	vge.f32 v18, v5;
	(xrf1) =	vsort.dscd.msk.f32 $0xffff, v15, v16;
	v15 =	vperm.xlane v25, v4  }
0x1b4: {  	(xrf0) =	vmax.scan.msk.f32 $0xffff, v21;
	v5 =	vsel vm1, v18, v5;
	v14 =	vsel vm1, v23, v14;
	vm1 =	vge.f32 v17, v20  }
0x1b5: {  	(xrf1) =	vsort.dscd.msk.f32 $0xffff, v5, v14;
	v14 =	vsel vm1, v19, v24;
	v18, v23, _ =	vpop (xrf1)  }
0x1b6: {  	v5 =	vsel vm1, v17, v20;
	vm1 =	vge.f32 v18, v15  }
0x1b7: {  	v16 =	vnsel vm0, $0x0, v13;
	v13 =	vperm.xlane v26, v4;
	(xrf1) =	vsort.dscd.msk.f32 $0xffff, v5, v14;
	v5 =	vsel vm1, v18, v15;
	_ =	sdelay $0x1  }
0x1b8: {  	(xrf2) =	vadd.scan.msk.f32 $0xffff, v16;
	v13 =	vsel vm1, v23, v13;
	v15, v14, _ =	vpop (xrf1)  }
0x1b9: {  	(xrf1) =	vsort.dscd.msk.f32 $0xffff, v5, v13;
	v5, _, _ =	vpop (xrf0)  }
0x1ba: {  	(xrf0) =	vmax.scan.msk.f32 $0xffff, v15;
	v5 =	vbroadcast v5, $0xF;
	_ =	sdelay $0x1  }
0x1bb: {  	v5 =	vsub.f32 v21, v5  }
0x1bc: {  	v13 =	vpop (erf)  }
0x1bd: {  	s23 =	simm.s32 $0xB00;
	v17 =	vnsel vm0, $0x0, v13;
	v13, _, _ =	vpop (xrf2);
	v19 =	vmul.f32 $1.442695020e+00, v5  }
0x1be: {  	v18 =	vld [tilespmem:s23+$0x0];
	v13 =	vbroadcast v13, $0xF  }
0x1bf: {  	(xrf2) =	vadd.scan.msk.f32 $0xffff, v17;
	v21 =	vld [tilespmem:s23+$0x10];
	v23, _, _ =	vpop (xrf0)  }
0x1c0: {  	v23 =	vbroadcast v23, $0xF;
	v20, v5, _ =	vpop (xrf1)  }
0x1c1: {  	(erf) = vpow2.f32 v19;
	v19, v24, _ =	vpop (xrf1)  }
0x1c2: {  	v25 =	vld [tilespmem:s23+$0x30];
	(erf) = vrcp.f32 v13;
	v15 =	vsub.f32 v15, v23;
	v13, v26, _ =	vpop (xrf1)  }
0x1c3: {  	(xrf1) =	vsort.dscd.msk.f32 $0xffff, v18, v0;
	v27, _, _ =	vpop (xrf2);
	v13 =	vperm.xlane v13, v4  }
0x1c4: {  	(xrf1) =	vsort.dscd.msk.f32 $0xffff, v21, v1;
	v21 =	vperm.xlane v26, v4;
	v23, v26, _ =	vpop (xrf1);
	v15 =	vmul.f32 $1.442695020e+00, v15  }
0x1c5: {  	v18 =	vbroadcast v27, $0xF;
	vm1 =	vge.f32 v23, v13  }
0x1c6: {  	(xrf0) =	vmax.scan.msk.f32 $0xffff, v20;
	v23 =	vsel vm1, v23, v13  }
0x1c7: {  	v27 =	vld [tilespmem:s23+$0xFFFFFF30];
	(erf) = vrcp.f32 v18;
	(xrf1) =	vsort.dscd.msk.f32 $0xffff, v25, v3;
	v58, v29, _ =	vpop (xrf1);
	v21 =	vsel vm1, v26, v21  }
0x1c8: {  	v18 =	vld [tilespmem:s23+$0x20];
	(erf) = vpow2.f32 v15;
	(xrf1) =	vsort.dscd.msk.f32 $0xffff, v23, v21;
	v15, v13, _ =	vpop (xrf1)  }
0x1c9: {  	v25 =	vld [tilespmem:s23+$0xFFFFFF10];
	v23, _, _ =	vpop (xrf2);
	(xrf0) =	vmax.scan.msk.f32 $0xffff, v15  }
0x1ca: {  	v21 =	vld [tilespmem:s23+$0xFFFFFF20];
	v23 =	vbroadcast v23, $0xF  }
0x1cb: {  	v26 =	vpop (erf)  }
0x1cc: {  	(xrf1) =	vsort.dscd.msk.f32 $0xffff, v27, v3;
	v27 =	vpop (erf)  }
0x1cd: {  	(xrf1) =	vsort.dscd.msk.f32 $0xffff, v18, v2;
	v22 =	vmul.f32 v27, v22;
	(erf) = vrcp.f32 v23  }
0x1ce: {  	v18 =	vld [tilespmem:s23+$0xFFFFFF00];
	(xrf1) =	vsort.dscd.msk.f32 $0xffff, v25, v1;
	v23, _, _ =	vpop (xrf0)  }
0x1cf: {  	(xrf1) =	vsort.dscd.msk.f32 $0xffff, v21, v2;
	[tilespmem:s15+$0xFFFFFFD0] =	vst v22;
	v21, _, _ =	vpop (xrf0)  }
0x1d0: {  	v19 =	vperm.xlane v19, v4;
	[tilespmem:s16+$0xFFFFFFD0] =	vst v7;
	v7 =	vbroadcast v21, $0xF  }
0x1d1: {  	v24 =	vperm.xlane v24, v4;
	v21 =	vld [tilespmem:s28+$0xFFFFFFB0]  }
0x1d2: {  	vm1 =	vge.f32 v58, v19;
	v22 =	vpop (erf);
	v27 =	vld [tilespmem:s28+$0xFFFFFF90];
	v7 =	vsub.f32 v15, v7  }
0x1d3: {  	v19 =	vsel vm1, v58, v19;
	v24 =	vsel vm1, v29, v24;
	(xrf1) =	vsort.dscd.msk.f32 $0xffff, v18, v0;
	v25 =	vpop (erf)  }
0x1d4: {  	v30 =	vld [tilespmem:s28+$0xFFFFFFA0];
	(xrf1) =	vsort.dscd.msk.f32 $0xffff, v19, v24;
	v18 =	vnsel vm0, $0x0, v25;
	v7 =	vmul.f32 $1.442695020e+00, v7  }
0x1d5: {  	(xrf2) =	vadd.scan.msk.f32 $0xffff, v18;
	v15, v25, _ =	vpop (xrf1)  }
0x1d6: {  	v23 =	vbroadcast v23, $0xF;
	v19 =	vpop (erf);
	(xrf1) =	vsort.dscd.msk.f32 $0xffff, v21, v3  }
0x1d7: {  	v59, v60, _ =	vpop (xrf1);
	v17 =	vmul.f32 v19, v17;
	v19 =	vnsel vm0, $0x0, v26;
	(xrf1) =	vsort.dscd.msk.f32 $0xffff, v27, v1  }
0x1d8: {  	v20 =	vsub.f32 v20, v23;
	v23 =	vperm.xlane v60, v4;
	v21, v24, _ =	vpop (xrf1);
	v26 =	vperm.xlane v59, v4;
	(xrf2) =	vadd.scan.msk.f32 $0xffff, v19  }
0x1d9: {  	s20 =	simm.s32 $0x8240;
	(erf) = vpow2.f32 v7;
	(xrf1) =	vsort.dscd.msk.f32 $0xffff, v30, v2;
	v27, v7, _ =	vpop (xrf1)  }
0x1da: {  	s21 =	simm.s32 $0xA240;
	v24 =	vperm.xlane v24, v4;
	[tilespmem:s20+$0x0] =	vst v17;
	vm1 =	vge.f32 v15, v26;
	(xrf0) =	vmax.scan.msk.f32 $0xffff, v27  }
0x1db: {  	v17 =	vperm.xlane v21, v4;
	[tilespmem:s21+$0x0] =	vst v12;
	v12 =	vsel vm1, v15, v26;
	v15 =	vsel vm1, v25, v23;
	v21, v61, _ =	vpop (xrf1)  }
0x1dc: {  	v26 =	vld [tilespmem:s22+$0x70];
	(xrf1) =	vsort.dscd.msk.f32 $0xffff, v12, v15;
	v15 =	vmul.f32 v22, v16;
	v16 =	vmul.f32 $1.442695020e+00, v20;
	v23, v25, _ =	vpop (xrf1)  }
0x1dd: {  	v12 =	vld [tilespmem:s22+$0x60];
	v62, v63, _ =	vpop (xrf1)  }
0x1de: {  	v21 =	vperm.xlane v21, v4;
	vm1 =	vge.f32 v23, v17;
	v20, v22, _ =	vpop (xrf1)  }
0x1df: {  	(erf) = vpow2.f32 v16;
	v17 =	vsel vm1, v23, v17;
	v23 =	vsel vm1, v25, v24;
	v24, _, _ =	vpop (xrf2)  }
0x1e0: {  	v25 =	vperm.xlane v61, v4;
	(xrf1) =	vsort.dscd.msk.f32 $0xffff, v17, v23;
	v17 =	vbroadcast v24, $0xF;
	v16, _, _ =	vpop (xrf0)  }
0x1e1: {  	v24 =	vperm.xlane v62, v4;
	vm1 =	vge.f32 v20, v21;
	(xrf1) =	vsort.dscd.msk.f32 $0xffff, v26, v3;
	v16 =	vbroadcast v16, $0xF  }
0x1e2: {  	[tilespmem:s11+$0xFFFFFFE0] =	vst v15;
	v26, v33, _ =	vpop (xrf1);
	v15 =	vsel vm1, v20, v21;
	(xrf1) =	vsort.dscd.msk.f32 $0xffff, v12, v2;
	v12 =	vperm.xlane v63, v4  }
0x1e3: {  	v20 =	vsel vm1, v22, v25;
	vm1 =	vge.f32 v26, v24;
	v16 =	vsub.f32 v27, v16  }
0x1e4: {  	v23 =	vpop (erf);
	(erf) = vrcp.f32 v17;
	v22 =	vsel vm1, v26, v24;
	v24 =	vsel vm1, v33, v12  }
0x1e5: {  	v34 =	vld [tilespmem:s22+$0x50];
	v23 =	vnsel vm0, $0x0, v23;
	(xrf1) =	vsort.dscd.msk.f32 $0xffff, v15, v20  }
0x1e6: {  	v17 =	vld [tilespmem:s28+$0xFFFFFF80];
	v21, _, _ =	vpop (xrf2);
	(xrf2) =	vadd.scan.msk.f32 $0xffff, v23;
	v15 =	vmul.f32 $1.442695020e+00, v16  }
0x1e7: {  	[tilespmem:s12+$0xFFFFFFE0] =	vst v6;
	v20 =	vld [tilespmem:s22+$0x40];
	v21 =	vbroadcast v21, $0xF;
	v16, v12, _ =	vpop (xrf1)  }
0x1e8: {  	v6 =	vld [tilespmem:s24+$0xFFFFFFF0];
	(xrf1) =	vsort.dscd.msk.f32 $0xffff, v22, v24;
	v22, v24, _ =	vpop (xrf1)  }
0x1e9: {  	(erf) = vpow2.f32 v15;
	v25, v26, _ =	vpop (xrf1)  }
0x1ea: {  	(xrf1) =	vsort.dscd.msk.f32 $0xffff, v34, v1;
	v22 =	vperm.xlane v22, v4;
	v15 =	vpop (erf)  }
0x1eb: {  	(xrf1) =	vsort.dscd.msk.f32 $0xffff, v17, v0;
	(erf) = vrcp.f32 v21;
	v17 =	vperm.xlane v24, v4;
	v21, v24, _ =	vpop (xrf1)  }
0x1ec: {  	(xrf1) =	vsort.dscd.msk.f32 $0xffff, v20, v0;
	vm1 =	vge.f32 v21, v22  }
0x1ed: {  	(xrf1) =	vsort.dscd.msk.f32 $0xffff, v6, v3;
	v6 =	vpop (erf);
	v21 =	vsel vm1, v21, v22;
	v17 =	vsel vm1, v24, v17  }
0x1ee: {  	v6 =	vmul.f32 v6, v18  }
0x1ef: {  	v20 =	vld [tilespmem:s24+$0xFFFFFFD0];
	v27, v35, _ =	vpop (xrf1)  }
0x1f0: {  	v36 =	vld [tilespmem:s24+$0xFFFFFFE0];
	(xrf1) =	vsort.dscd.msk.f32 $0xffff, v21, v17;
	v17, _, _ =	vpop (xrf2)  }
0x1f1: {  	v18, v21, _ =	vpop (xrf1);
	v17 =	vbroadcast v17, $0xF  }
0x1f2: {  	v9 =	vmul.f32 v11, v9;
	[tilespmem:s18+$0x10] =	vst v6;
	v6 =	vpop (erf)  }
0x1f3: {  	(xrf0) =	vmax.scan.msk.f32 $0xffff, v16;
	[tilespmem:s17+$0x10] =	vst v14;
	v22, v24, _ =	vpop (xrf1);
	v18 =	vperm.xlane v18, v4;
	(erf) = vrcp.f32 v17  }
0x1f4: {  	(xrf1) =	vsort.dscd.msk.f32 $0xffff, v20, v1;
	v14 =	vperm.xlane v21, v4;
	v17 =	vperm.xlane v22, v4;
	v20, v21, _ =	vpop (xrf1);
	v22 =	vld [tilespmem:s19+$0xB0]  }
0x1f5: {  	v38 =	vld [tilespmem:s19+$0x90];
	v6 =	vnsel vm0, $0x0, v6;
	(xrf1) =	vsort.dscd.msk.f32 $0xffff, v36, v2;
	v24 =	vperm.xlane v24, v4;
	v37 =	vpop (erf);
	vm1 =	vge.f32 v27, v18  }
0x1f6: {  	v31 =	vld [tilespmem:s19+$0xA0];
	(xrf2) =	vadd.scan.msk.f32 $0xffff, v6;
	v18 =	vsel vm1, v27, v18;
	v14 =	vsel vm1, v35, v14;
	v27, v39, _ =	vpop (xrf1);
	vm1 =	vge.f32 v20, v17  }
0x1f7: {  	v32, v33, _ =	vpop (xrf1);
	(xrf1) =	vsort.dscd.msk.f32 $0xffff, v18, v14;
	v14 =	vsel vm1, v20, v17;
	v17 =	vsel vm1, v21, v24  }
0x1f8: {  	v11 =	vmul.f32 v37, v19;
	v18 =	vld [tilespmem:s19+$0x80];
	(xrf1) =	vsort.dscd.msk.f32 $0xffff, v14, v17;
	v17 =	vperm.xlane v25, v4;
	v20, v21, _ =	vpop (xrf1)  }
0x1f9: {  	(xrf1) =	vsort.dscd.msk.f32 $0xffff, v22, v3;
	v22 =	vperm.xlane v27, v4;
	v20 =	vperm.xlane v20, v4;
	v24, v25, _ =	vpop (xrf1)  }
0x1fa: {  	[tilespmem:s11+$0x30] =	vst v9;
	v27 =	vperm.xlane v39, v4;
	v21 =	vperm.xlane v21, v4;
	(xrf1) =	vsort.dscd.msk.f32 $0xffff, v38, v1;
	v41, v40, _ =	vpop (xrf1)  }
0x1fb: {  	v19 =	vperm.xlane v26, v4;
	[tilespmem:s20+$0xFFFFFFC0] =	vst v11;
	(xrf1) =	vsort.dscd.msk.f32 $0xffff, v31, v2;
	vm2 =	vge.f32 v41, v20  }
0x1fc: {  	v26 =	vld [tilespmem:s24+$0xFFFFFFC0];
	[tilespmem:s21+$0xFFFFFFC0] =	vst v10;
	vm1 =	vge.f32 v32, v22;
	v9 =	vsel vm2, v41, v20;
	v20 =	vsel vm2, v40, v21;
	v42 =	vpop (erf)  }
0x1fd: {  	[tilespmem:s12+$0x30] =	vst v8;
	v14, _, _ =	vpop (xrf0);
	(xrf1) =	vsort.dscd.msk.f32 $0xffff, v18, v0;
	v18 =	vld [tilespmem:s22+$0xFFFFFF70];
	v8 =	vsel vm1, v32, v22;
	v23 =	vmul.f32 v42, v23  }
0x1fe: {  	v11, v10, _ =	vpop (xrf1);
	v14 =	vbroadcast v14, $0xF;
	v21 =	vld [tilespmem:s22+$0xFFFFFF50];
	v22 =	vsel vm1, v33, v27;
	vm1 =	vge.f32 v24, v17;
	(xrf1) =	vsort.dscd.msk.f32 $0xffff, v9, v20  }
0x1ff: {  	v9 =	vld [tilespmem:s22+$0xFFFFFF60];
	v17 =	vsel vm1, v24, v17;
	v20, v27, _ =	vpop (xrf1);
	[tilespmem:s15+$0x20] =	vst v23  }
0x200: {  	(xrf1) =	vsort.dscd.msk.f32 $0xffff, v8, v22;
	v8, _, _ =	vpop (xrf2);
	v22 =	vld [tilespmem:s22+$0xFFFFFF40];
	[tilespmem:s16+$0x20] =	vst v13;
	v13 =	vsub.f32 v16, v14  }
0x201: {  	v19 =	vsel vm1, v25, v19;
	v8 =	vbroadcast v8, $0xF  }
0x202: {  	(xrf1) =	vsort.dscd.msk.f32 $0xffff, v17, v19  }
0x203: {  	v14 =	vld [tilespmem:s28+$0xF0];
	v16, v17, _ =	vpop (xrf1);
	(erf) = vrcp.f32 v8;
	v8 =	vmul.f32 $1.442695020e+00, v13;
	(xrf1) =	vsort.dscd.msk.f32 $0xffff, v18, v3  }
0x204: {  	v18 =	vld [tilespmem:s28+$0xD0];
	v23, v24, _ =	vpop (xrf1);
	(xrf1) =	vsort.dscd.msk.f32 $0xffff, v21, v1  }
0x205: {  	v19 =	vld [tilespmem:s28+$0xE0];
	v21, v13, _ =	vpop (xrf1);
	(xrf1) =	vsort.dscd.msk.f32 $0xffff, v9, v2  }
0x206: {  	v9 =	vld [tilespmem:s28+$0xC0];
	(xrf1) =	vsort.dscd.msk.f32 $0xffff, v22, v0  }
0x207: {  	(erf) = vpow2.f32 v8;
	v8, v22, _ =	vpop (xrf1);
	(xrf0) =	vmax.scan.msk.f32 $0xffff, v21  }
0x208: {  	v25, v43, _ =	vpop (xrf1);
	(xrf1) =	vsort.dscd.msk.f32 $0xffff, v14, v3;
	v8 =	vperm.xlane v8, v4  }
0x209: {  	v22 =	vperm.xlane v22, v4;
	v14 =	vperm.xlane v25, v4;
	v25, v44, _ =	vpop (xrf1);
	(xrf1) =	vsort.dscd.msk.f32 $0xffff, v18, v1  }
0x20a: {  	v18 =	vperm.xlane v43, v4;
	v46, v45, _ =	vpop (xrf1);
	(xrf1) =	vsort.dscd.msk.f32 $0xffff, v19, v2;
	v19 =	vperm.xlane v25, v4  }
0x20b: {  	v25 =	vperm.xlane v44, v4;
	vm1 =	vge.f32 v46, v14;
	v48, v47, _ =	vpop (xrf1);
	(xrf1) =	vsort.dscd.msk.f32 $0xffff, v9, v0  }
0x20c: {  	v14 =	vsel vm1, v46, v14;
	v18 =	vsel vm1, v45, v18;
	v49, v50, _ =	vpop (xrf1);
	vm1 =	vge.f32 v48, v19  }
0x20d: {  	(xrf1) =	vsort.dscd.msk.f32 $0xffff, v14, v18;
	vm2 =	vge.f32 v49, v8;
	v18 =	vsel vm1, v48, v19  }
0x20e: {  	v19 =	vsel vm1, v47, v25;
	v8 =	vsel vm2, v49, v8  }
0x20f: {  	v22 =	vsel vm2, v50, v22;
	(xrf1) =	vsort.dscd.msk.f32 $0xffff, v18, v19;
	v19 =	vperm.xlane v20, v4;
	v20, _, _ =	vpop (xrf0)  }
0x210: {  	v51, v14, _ =	vpop (xrf1)  }
0x211: {  	(xrf1) =	vsort.dscd.msk.f32 $0xffff, v8, v22;
	v8, v18, _ =	vpop (xrf1)  }
0x212: {  	v20 =	vbroadcast v20, $0xF;
	v22, v52, _ =	vpop (xrf1)  }
0x213: {  	v27 =	vperm.xlane v27, v4;
	vm1 =	vge.f32 v8, v19;
	(xrf1) =	vsort.dscd.msk.f32 $0xffff, v26, v0;
	v26, v53, _ =	vpop (xrf1)  }
0x214: {  	v20 =	vsub.f32 v21, v20;
	v8 =	vsel vm1, v8, v19;
	v19 =	vperm.xlane v22, v4;
	v21, v22, _ =	vpop (xrf1)  }
0x215: {  	v18 =	vsel vm1, v18, v27;
	v27 =	vperm.xlane v52, v4;
	v55, v54, _ =	vpop (xrf1)  }
0x216: {  	v20 =	vmul.f32 $1.442695020e+00, v20;
	vm1 =	vge.f32 v21, v19;
	v57, v56, _ =	vpop (xrf1)  }
0x217: {  	v9 =	vpop (erf);
	v19 =	vsel vm1, v21, v19;
	v21 =	vsel vm1, v22, v27;
	v22 =	vperm.xlane v57, v4  }
0x218: {  	v25 =	vpop (erf);
	v26 =	vperm.xlane v26, v4  }
0x219: {  	v25 =	vnsel vm0, $0x0, v25;
	(xrf0) =	vmax.scan.msk.f32 $0xffff, v51;
	v29 =	vperm.xlane v53, v4;
	v27, v58, _ =	vpop (xrf1)  }
0x21a: {  	(erf) = vpow2.f32 v20;
	(xrf1) =	vsort.dscd.msk.f32 $0xffff, v8, v18;
	vm1 =	vge.f32 v55, v26;
	v8 =	vperm.xlane v56, v4;
	v20, v59, _ =	vpop (xrf1)  }
0x21b: {  	v18 =	vnsel vm0, $0x0, v15;
	(xrf1) =	vsort.dscd.msk.f32 $0xffff, v19, v21;
	v15 =	vperm.xlane v27, v4;
	vm2 =	vge.f32 v20, v22  }
0x21c: {  	(xrf2) =	vadd.scan.msk.f32 $0xffff, v25;
	v19 =	vperm.xlane v58, v4;
	v20 =	vsel vm2, v20, v22;
	v8 =	vsel vm2, v59, v8;
	v21, v22, _ =	vpop (xrf1)  }
0x21d: {  	(xrf1) =	vsort.dscd.msk.f32 $0xffff, v20, v8;
	v20 =	vsel vm1, v54, v29;
	v27, v60, _ =	vpop (xrf1);
	vm2 =	vge.f32 v21, v15  }
0x21e: {  	v15 =	vsel vm2, v21, v15;
	v19 =	vsel vm2, v22, v19  }
0x21f: {  	v26 =	vsel vm1, v55, v26;
	v8 =	vperm.xlane v27, v4;
	v22, v27, _ =	vpop (xrf1);
	(xrf1) =	vsort.dscd.msk.f32 $0xffff, v15, v19  }
0x220: {  	(xrf1) =	vsort.dscd.msk.f32 $0xffff, v26, v20;
	v20, _, _ =	vpop (xrf0)  }
0x221: {  	v20 =	vbroadcast v20, $0xF  }
0x222: {  	v21 =	vperm.xlane v60, v4;
	v15, v19, _ =	vpop (xrf1)  }
0x223: {  	v11 =	vperm.xlane v11, v4;
	vm1 =	vge.f32 v22, v8;
	(xrf0) =	vmax.scan.msk.f32 $0xffff, v15;
	v20 =	vsub.f32 v51, v20  }
0x224: {  	(xrf2) =	vadd.scan.msk.f32 $0xffff, v18;
	v8 =	vsel vm1, v22, v8;
	v21 =	vsel vm1, v27, v21  }
0x225: {  	(xrf1) =	vsort.dscd.msk.f32 $0xffff, v8, v21;
	v8 =	vperm.xlane v10, v4;
	v20 =	vmul.f32 $1.442695020e+00, v20  }
0x226: {  	vm1 =	vge.f32 v23, v11;
	v10 =	vpop (erf)  }
0x227: {  	v21 =	vnsel vm0, $0x0, v10;
	v10 =	vsel vm1, v23, v11;
	v11, _, _ =	vpop (xrf2);
	v8 =	vsel vm1, v24, v8  }
0x228: {  	v22, v23, _ =	vpop (xrf1);
	(xrf1) =	vsort.dscd.msk.f32 $0xffff, v10, v8;
	v10 =	vbroadcast v11, $0xF  }
0x229: {  	v8 =	vperm.xlane v16, v4;
	(erf) = vpow2.f32 v20;
	v20, _, _ =	vpop (xrf0)  }
0x22a: {  	(erf) = vrcp.f32 v10;
	v10 =	vbroadcast v20, $0xF  }
0x22b: {  	v17 =	vperm.xlane v17, v4  }
0x22c: {  	s26 =	simm.s32 $0xD00;
	(xrf2) =	vadd.scan.msk.f32 $0xffff, v21;
	v27, v11, _ =	vpop (xrf1);
	vm1 =	vge.f32 v22, v8  }
0x22d: {  	v24 =	vld [tilespmem:s26+$0x0];
	v8 =	vsel vm1, v22, v8;
	v17 =	vsel vm1, v23, v17;
	v20, v22, _ =	vpop (xrf1)  }
0x22e: {  	v26 =	vld [tilespmem:s26+$0x10];
	(xrf1) =	vsort.dscd.msk.f32 $0xffff, v8, v17;
	v8 =	vsub.f32 v15, v10;
	v10, v15, _ =	vpop (xrf1)  }
0x22f: {  	v16, _, _ =	vpop (xrf2);
	v23 =	vld [tilespmem:s26+$0x30];
	v15 =	vperm.xlane v15, v4  }
0x230: {  	v16 =	vbroadcast v16, $0xF  }
0x231: {  	(xrf0) =	vmax.scan.msk.f32 $0xffff, v27;
	v10 =	vperm.xlane v10, v4  }
0x232: {  	(erf) = vrcp.f32 v16;
	v16 =	vld [tilespmem:s26+$0xFFFFFF30];
	(xrf1) =	vsort.dscd.msk.f32 $0xffff, v24, v0;
	v8 =	vmul.f32 $1.442695020e+00, v8;
	v17, v24, _ =	vpop (xrf1)  }
0x233: {  	(xrf1) =	vsort.dscd.msk.f32 $0xffff, v26, v1;
	v26 =	vld [tilespmem:s26+$0x20];
	v62, v61, _ =	vpop (xrf1);
	vm1 =	vge.f32 v17, v10  }
0x234: {  	(xrf1) =	vsort.dscd.msk.f32 $0xffff, v23, v3;
	(erf) = vpow2.f32 v8;
	v8 =	vsel vm1, v17, v10;
	v10 =	vsel vm1, v24, v15;
	v63, v15, _ =	vpop (xrf1)  }
0x235: {  	v24 =	vld [tilespmem:s26+$0xFFFFFF10];
	(xrf0) =	vmax.scan.msk.f32 $0xffff, v63  }
0x236: {  	v23, _, _ =	vpop (xrf2);
	(xrf1) =	vsort.dscd.msk.f32 $0xffff, v8, v10  }
0x237: {  	v36 =	vpop (erf);
	v8 =	vbroadcast v23, $0xF;
	v23 =	vld [tilespmem:s26+$0xFFFFFF20];
	(xrf1) =	vsort.dscd.msk.f32 $0xffff, v16, v3  }
0x238: {  	v10 =	vpop (erf);
	(xrf1) =	vsort.dscd.msk.f32 $0xffff, v26, v2  }
0x239: {  	(erf) = vrcp.f32 v8;
	v17, v16, _ =	vpop (xrf1);
	v10 =	vmul.f32 v10, v25  }
0x23a: {  	v25 =	vld [tilespmem:s26+$0xFFFFFF00];
	(xrf1) =	vsort.dscd.msk.f32 $0xffff, v24, v1;
	v24, _, _ =	vpop (xrf0)  }
0x23b: {  	[tilespmem:s18+$0xFFFFFFD0] =	vst v10;
	v8, _, _ =	vpop (xrf0)  }
0x23c: {  	(xrf1) =	vsort.dscd.msk.f32 $0xffff, v23, v2;
	[tilespmem:s17+$0xFFFFFFD0] =	vst v12;
	v12 =	vperm.xlane v20, v4;
	v38 =	vbroadcast v8, $0xF  }
0x23d: {  	v22 =	vperm.xlane v22, v4;
	v26 =	vpop (erf);
	v20 =	vld [tilespmem:s19+$0xFFFFFFB0]  }
0x23e: {  	v37 =	vpop (erf);
	v23 =	vld [tilespmem:s19+$0xFFFFFF90];
	vm1 =	vge.f32 v62, v12;
	v30 =	vsub.f32 v63, v38  }
0x23f: {  	(xrf1) =	vsort.dscd.msk.f32 $0xffff, v25, v0;
	v8, v10, _ =	vpop (xrf1);
	v12 =	vsel vm1, v62, v12;
	v22 =	vsel vm1, v61, v22  }
0x240: {  	v24 =	vbroadcast v24, $0xF;
	v25 =	vnsel vm0, $0x0, v37;
	v39, v40, _ =	vpop (xrf1);
	(xrf1) =	vsort.dscd.msk.f32 $0xffff, v12, v22;
	v22 =	vmul.f32 $1.442695020e+00, v30  }
0x241: {  	(xrf2) =	vadd.scan.msk.f32 $0xffff, v25;
	v42, v34, _ =	vpop (xrf1)  }
0x242: {  	v41 =	vld [tilespmem:s19+$0xFFFFFFA0];
	v24 =	vsub.f32 v27, v24;
	v12 =	vpop (erf);
	(xrf1) =	vsort.dscd.msk.f32 $0xffff, v20, v3  }
0x243: {  	v43, v44, _ =	vpop (xrf1);
	v21 =	vmul.f32 v12, v21;
	(xrf1) =	vsort.dscd.msk.f32 $0xffff, v23, v1;
	v23 =	vperm.xlane v42, v4  }
0x244: {  	s24 =	simm.s32 $0x82C0;
	v20 =	vnsel vm0, $0x0, v36;
	v27 =	vperm.xlane v34, v4;
	(erf) = vpow2.f32 v22;
	v22, v12, _ =	vpop (xrf1)  }
0x245: {  	s25 =	simm.s32 $0xA2C0;
	(xrf2) =	vadd.scan.msk.f32 $0xffff, v20;
	[tilespmem:s24+$0x0] =	vst v21;
	vm1 =	vge.f32 v39, v23;
	v21 =	vperm.xlane v43, v4;
	v46, v45, _ =	vpop (xrf1)  }
0x246: {  	[tilespmem:s25+$0x0] =	vst v13;
	v13 =	vsel vm1, v39, v23;
	v23 =	vsel vm1, v40, v27;
	(xrf0) =	vmax.scan.msk.f32 $0xffff, v22;
	v47, v48, _ =	vpop (xrf1)  }
0x247: {  	(xrf1) =	vsort.dscd.msk.f32 $0xffff, v41, v2;
	vm1 =	vge.f32 v47, v21  }
0x248: {  	v27 =	vperm.xlane v44, v4;
	(xrf1) =	vsort.dscd.msk.f32 $0xffff, v13, v23;
	v13 =	vmul.f32 $1.442695020e+00, v24;
	v21 =	vsel vm1, v47, v21  }
0x249: {  	v49 =	vld [tilespmem:s23+$0x70];
	v23, v24, _ =	vpop (xrf1)  }
0x24a: {  	(erf) = vpow2.f32 v13;
	v27 =	vsel vm1, v48, v27;
	v51, v52, _ =	vpop (xrf1)  }
0x24b: {  	v53 =	vperm.xlane v45, v4;
	(xrf1) =	vsort.dscd.msk.f32 $0xffff, v21, v27;
	v21, _, _ =	vpop (xrf2)  }
0x24c: {  	v27 =	vperm.xlane v46, v4;
	v13, _, _ =	vpop (xrf0);
	v21 =	vbroadcast v21, $0xF  }
0x24d: {  	v50 =	vld [tilespmem:s23+$0x60];
	v23 =	vperm.xlane v23, v4;
	v54 =	vpop (erf);
	v13 =	vbroadcast v13, $0xF  }
0x24e: {  	(xrf1) =	vsort.dscd.msk.f32 $0xffff, v49, v3;
	vm1 =	vge.f32 v51, v27;
	(erf) = vrcp.f32 v21;
	v21 =	vnsel vm0, $0x0, v54  }
0x24f: {  	v13 =	vsub.f32 v22, v13;
	v22 =	vmul.f32 v26, v18;
	v18 =	vperm.xlane v24, v4  }
0x250: {  	v24 =	vsel vm1, v51, v27;
	v27, v56, _ =	vpop (xrf1);
	(xrf2) =	vadd.scan.msk.f32 $0xffff, v21  }
0x251: {  	v55 =	vld [tilespmem:s23+$0x50];
	v57 =	vsel vm1, v52, v53;
	vm1 =	vge.f32 v27, v23;
	v13 =	vmul.f32 $1.442695020e+00, v13  }
0x252: {  	(xrf1) =	vsort.dscd.msk.f32 $0xffff, v50, v2;
	v58, _, _ =	vpop (xrf2);
	v26 =	vld [tilespmem:s19+$0xFFFFFF80];
	v23 =	vsel vm1, v27, v23;
	v27 =	vsel vm1, v56, v18;
	[tilespmem:s13+$0xFFFFFFE0] =	vst v22  }
0x253: {  	v59 =	vld [tilespmem:s23+$0x40];
	[tilespmem:s14+$0xFFFFFFE0] =	vst v5;
	v5 =	vpop (erf);
	(erf) = vpow2.f32 v13;
	v13 =	vbroadcast v58, $0xF  }
0x254: {  	(xrf1) =	vsort.dscd.msk.f32 $0xffff, v24, v57;
	v28, v18, _ =	vpop (xrf1)  }
0x255: {  	(xrf1) =	vsort.dscd.msk.f32 $0xffff, v23, v27;
	v22, v24, _ =	vpop (xrf1)  }
0x256: {  	(xrf1) =	vsort.dscd.msk.f32 $0xffff, v55, v1;
	v23, v27, _ =	vpop (xrf1);
	v24 =	vperm.xlane v24, v4  }
0x257: {  	(xrf1) =	vsort.dscd.msk.f32 $0xffff, v26, v0;
	(erf) = vrcp.f32 v13;
	v22 =	vperm.xlane v22, v4;
	v13, v26, _ =	vpop (xrf1)  }
0x258: {  	v60 =	vld [tilespmem:s29+$0xFFFFFFF0];
	(xrf1) =	vsort.dscd.msk.f32 $0xffff, v59, v0;
	v63, v62, _ =	vpop (xrf1)  }
0x259: {  	v41 =	vpop (erf);
	vm1 =	vge.f32 v13, v22  }
0x25a: {  	v61 =	vld [tilespmem:s29+$0xFFFFFFD0];
	v25 =	vmul.f32 v41, v25;
	v13 =	vsel vm1, v13, v22;
	v22 =	vsel vm1, v26, v24;
	v24, _, _ =	vpop (xrf2)  }
0x25b: {  	v40 =	vld [tilespmem:s29+$0xFFFFFFE0];
	v35, v36, _ =	vpop (xrf1);
	v24 =	vbroadcast v24, $0xF  }
0x25c: {  	(xrf0) =	vmax.scan.msk.f32 $0xffff, v28;
	[tilespmem:s20+$0x10] =	vst v25;
	v25 =	vperm.xlane v35, v4  }
0x25d: {  	(xrf1) =	vsort.dscd.msk.f32 $0xffff, v60, v3;
	v26 =	vperm.xlane v36, v4  }
0x25e: {  	(xrf1) =	vsort.dscd.msk.f32 $0xffff, v13, v22;
	[tilespmem:s21+$0x10] =	vst v19;
	v13, v22, _ =	vpop (xrf1);
	vm1 =	vge.f32 v63, v25  }
0x25f: {  	(xrf1) =	vsort.dscd.msk.f32 $0xffff, v61, v1;
	v19 =	vpop (erf);
	v43 =	vld [tilespmem:s22+$0xB0];
	(erf) = vrcp.f32 v24;
	v42 =	vperm.xlane v13, v4;
	v26 =	vsel vm1, v62, v26  }
0x260: {  	(xrf1) =	vsort.dscd.msk.f32 $0xffff, v40, v2;
	v44 =	vld [tilespmem:s22+$0x90];
	v13 =	vnsel vm0, $0x0, v19;
	v22 =	vperm.xlane v22, v4;
	v25 =	vsel vm1, v63, v25;
	v19, v24, _ =	vpop (xrf1)  }
0x261: {  	v46 =	vld [tilespmem:s22+$0xA0];
	v45 =	vpop (erf);
	(xrf2) =	vadd.scan.msk.f32 $0xffff, v13;
	vm1 =	vge.f32 v19, v42  }
0x262: {  	(xrf1) =	vsort.dscd.msk.f32 $0xffff, v25, v26;
	v48, v47, _ =	vpop (xrf1);
	v19 =	vsel vm1, v19, v42;
	v22 =	vsel vm1, v24, v22  }
0x263: {  	v23 =	vperm.xlane v23, v4;
	v20 =	vmul.f32 v45, v20;
	v24 =	vld [tilespmem:s22+$0x80];
	v25, v26, _ =	vpop (xrf1);
	(xrf1) =	vsort.dscd.msk.f32 $0xffff, v19, v22  }
0x264: {  	v19 =	vperm.xlane v27, v4;
	v22 =	vperm.xlane v48, v4;
	v27, v49, _ =	vpop (xrf1);
	(xrf1) =	vsort.dscd.msk.f32 $0xffff, v43, v3  }
0x265: {  	v52 =	vperm.xlane v47, v4;
	v27 =	vperm.xlane v27, v4;
	v51, v50, _ =	vpop (xrf1);
	(xrf1) =	vsort.dscd.msk.f32 $0xffff, v44, v1  }
0x266: {  	v29 =	vperm.xlane v49, v4;
	v53, v54, _ =	vpop (xrf1);
	vm1 =	vge.f32 v25, v22;
	(xrf1) =	vsort.dscd.msk.f32 $0xffff, v46, v2  }
0x267: {  	[tilespmem:s24+$0xFFFFFFC0] =	vst v20;
	vm2 =	vge.f32 v53, v27;
	v20 =	vsel vm1, v25, v22;
	v25, _, _ =	vpop (xrf0);
	v26 =	vsel vm1, v26, v52  }
0x268: {  	[tilespmem:s25+$0xFFFFFFC0] =	vst v14;
	(xrf1) =	vsort.dscd.msk.f32 $0xffff, v24, v0;
	v14 =	vsel vm2, v53, v27;
	v22 =	vsel vm2, v54, v29;
	v24 =	vpop (erf)  }
0x269: {  	vm1 =	vge.f32 v51, v23;
	(xrf1) =	vsort.dscd.msk.f32 $0xffff, v14, v22;
	v14 =	vmul.f32 v24, v21;
	v21 =	vbroadcast v25, $0xF  }
0x26a: {  	v27 =	vld [tilespmem:s23+$0xFFFFFF70];
	v23 =	vsel vm1, v51, v23  }
0x26b: {  	v19 =	vsel vm1, v50, v19;
	v22 =	vld [tilespmem:s23+$0xFFFFFF50];
	(xrf1) =	vsort.dscd.msk.f32 $0xffff, v20, v26;
	v20, _, _ =	vpop (xrf2);
	v21 =	vsub.f32 v28, v21  }
0x26c: {  	v24 =	vld [tilespmem:s23+$0xFFFFFF60];
	[tilespmem:s18+$0x20] =	vst v14;
	v14 =	vbroadcast v20, $0xF  }
0x26d: {  	v25 =	vld [tilespmem:s23+$0xFFFFFF40];
	v20, v26, _ =	vpop (xrf1);
	[tilespmem:s17+$0x20] =	vst v15  }
0x26e: {  	(xrf1) =	vsort.dscd.msk.f32 $0xffff, v23, v19;
	v19, v23, _ =	vpop (xrf1);
	v15 =	vld [tilespmem:s19+$0xF0];
	(erf) = vrcp.f32 v14;
	v14 =	vmul.f32 $1.442695020e+00, v21  }
0x26f: {  	(xrf1) =	vsort.dscd.msk.f32 $0xffff, v27, v3;
	v27 =	vld [tilespmem:s19+$0xD0];
	v21, v28, _ =	vpop (xrf1)  }
0x270: {  	v56 =	vld [tilespmem:s19+$0xE0];
	(xrf1) =	vsort.dscd.msk.f32 $0xffff, v22, v1;
	v29, v55, _ =	vpop (xrf1)  }
0x271: {  	(xrf1) =	vsort.dscd.msk.f32 $0xffff, v24, v2;
	v57, v22, _ =	vpop (xrf1)  }
0x272: {  	(erf) = vpow2.f32 v14;
	(xrf1) =	vsort.dscd.msk.f32 $0xffff, v25, v0;
	v25 =	vld [tilespmem:s19+$0xC0];
	v14, v24, _ =	vpop (xrf1)  }
0x273: {  	(xrf1) =	vsort.dscd.msk.f32 $0xffff, v15, v3;
	v59, v58, _ =	vpop (xrf1)  }
0x274: {  	(xrf1) =	vsort.dscd.msk.f32 $0xffff, v27, v1;
	v15 =	vperm.xlane v59, v4;
	v61, v60, _ =	vpop (xrf1)  }
0x275: {  	v27 =	vperm.xlane v58, v4;
	(xrf1) =	vsort.dscd.msk.f32 $0xffff, v56, v2;
	v63, v62, _ =	vpop (xrf1)  }
0x276: {  	(xrf0) =	vmax.scan.msk.f32 $0xffff, v57;
	v40 =	vperm.xlane v61, v4;
	v41 =	vperm.xlane v60, v4;
	vm1 =	vge.f32 v63, v15  }
0x277: {  	(xrf1) =	vsort.dscd.msk.f32 $0xffff, v25, v0;
	v42, v37, _ =	vpop (xrf1);
	v34 =	vsel vm1, v63, v15;
	v27 =	vsel vm1, v62, v27  }
0x278: {  	v25, v43, _ =	vpop (xrf1);
	vm1 =	vge.f32 v42, v40;
	(xrf1) =	vsort.dscd.msk.f32 $0xffff, v34, v27;
	v27 =	vperm.xlane v14, v4  }
0x279: {  	v33 =	vsel vm1, v37, v41  }
0x27a: {  	v24 =	vperm.xlane v24, v4;
	v31 =	vsel vm1, v42, v40  }
0x27b: {  	v44, v14, _ =	vpop (xrf1);
	vm1 =	vge.f32 v25, v27  }
0x27c: {  	(xrf1) =	vsort.dscd.msk.f32 $0xffff, v31, v33;
	v25 =	vsel vm1, v25, v27;
	v24 =	vsel vm1, v43, v24;
	v27, _, _ =	vpop (xrf0)  }
0x27d: {  	v31, v33, _ =	vpop (xrf1);
	(xrf1) =	vsort.dscd.msk.f32 $0xffff, v25, v24;
	v24 =	vbroadcast v27, $0xF  }
0x27e: {  	v45 =	vld [tilespmem:s29+$0xFFFFFFC0];
	v19 =	vperm.xlane v19, v4;
	v15 =	vpop (erf)  }
0x27f: {  	v23 =	vperm.xlane v23, v4;
	v46 =	vpop (erf);
	v24 =	vsub.f32 v57, v24  }
0x280: {  	vm1 =	vge.f32 v31, v19;
	v25, v27, _ =	vpop (xrf1)  }
0x281: {  	v23 =	vsel vm1, v33, v23;
	v47, v38, _ =	vpop (xrf1)  }
0x282: {  	v20 =	vperm.xlane v20, v4;
	(xrf0) =	vmax.scan.msk.f32 $0xffff, v44;
	v49, v48, _ =	vpop (xrf1)  }
0x283: {  	(xrf1) =	vsort.dscd.msk.f32 $0xffff, v45, v0;
	v19 =	vsel vm1, v31, v19;
	v25 =	vperm.xlane v25, v4;
	v50, v51, _ =	vpop (xrf1)  }
0x284: {  	v27 =	vperm.xlane v27, v4;
	(xrf1) =	vsort.dscd.msk.f32 $0xffff, v19, v23;
	v19 =	vmul.f32 $1.442695020e+00, v24;
	v23, v24, _ =	vpop (xrf1)  }
0x285: {  	v37 =	vnsel vm0, $0x0, v46;
	v36 =	vperm.xlane v47, v4;
	v23 =	vperm.xlane v23, v4;
	v39, v40, _ =	vpop (xrf1)  }
0x286: {  	vm1 =	vge.f32 v49, v25;
	(erf) = vpow2.f32 v19;
	v19 =	vperm.xlane v24, v4;
	v24, v52, _ =	vpop (xrf1)  }
0x287: {  	v32 =	vsel vm1, v49, v25;
	v27 =	vsel vm1, v48, v27;
	vm1 =	vge.f32 v24, v23  }
0x288: {  	v25 =	vnsel vm0, $0x0, v5;
	v5, _, _ =	vpop (xrf0);
	(xrf1) =	vsort.dscd.msk.f32 $0xffff, v32, v27;
	v27 =	vperm.xlane v39, v4;
	v23 =	vsel vm1, v24, v23  }
0x289: {  	(xrf2) =	vadd.scan.msk.f32 $0xffff, v37;
	v38 =	vperm.xlane v38, v4;
	v53 =	vperm.xlane v40, v4;
	v19 =	vsel vm1, v52, v19;
	v24, v54, _ =	vpop (xrf1)  }
0x28a: {  	(xrf2) =	vadd.scan.msk.f32 $0xffff, v25;
	v5 =	vbroadcast v5, $0xF;
	vm1 =	vge.f32 v50, v36;
	vm2 =	vge.f32 v24, v27  }
0x28b: {  	(xrf1) =	vsort.dscd.msk.f32 $0xffff, v23, v19;
	v24 =	vsel vm2, v24, v27;
	v27 =	vsel vm2, v54, v53  }
0x28c: {  	v5 =	vsub.f32 v44, v5;
	(xrf1) =	vsort.dscd.msk.f32 $0xffff, v24, v27;
	v24 =	vsel vm1, v51, v38;
	v19, v23, _ =	vpop (xrf1)  }
0x28d: {  	v26 =	vperm.xlane v26, v4;
	v19 =	vperm.xlane v19, v4  }
0x28e: {  	v5 =	vmul.f32 $1.442695020e+00, v5;
	v31 =	vsel vm1, v50, v36;
	v23 =	vperm.xlane v23, v4;
	v32, v35, _ =	vpop (xrf1)  }
0x28f: {  	(xrf1) =	vsort.dscd.msk.f32 $0xffff, v31, v24;
	vm1 =	vge.f32 v32, v19  }
0x290: {  	v27, v24, _ =	vpop (xrf1);
	v19 =	vsel vm1, v32, v19;
	v23 =	vsel vm1, v35, v23;
	vm1 =	vge.f32 v29, v20  }
0x291: {  	v17 =	vperm.xlane v17, v4;
	(xrf0) =	vmax.scan.msk.f32 $0xffff, v27;
	v20 =	vsel vm1, v29, v20  }
0x292: {  	v16 =	vperm.xlane v16, v4;
	(erf) = vpow2.f32 v5;
	v5 =	vpop (erf);
	(xrf1) =	vsort.dscd.msk.f32 $0xffff, v19, v23  }
0x293: {  	v19 =	vperm.xlane v21, v4;
	v21 =	vsel vm1, v55, v26;
	vm1 =	vge.f32 v8, v17;
	v23, v26, _ =	vpop (xrf1)  }
0x294: {  	v28 =	vperm.xlane v28, v4;
	v55 =	vnsel vm0, $0x0, v5;
	(xrf1) =	vsort.dscd.msk.f32 $0xffff, v20, v21;
	v17 =	vsel vm1, v8, v17;
	v20, _, _ =	vpop (xrf2)  }
0x295: {  	s30 =	simm.s32 $0xF00;
	v10 =	vsel vm1, v10, v16;
	vm2 =	vge.f32 v23, v19;
	v5 =	vbroadcast v20, $0xF;
	v20, _, _ =	vpop (xrf2)  }
0x296: {  	(xrf2) =	vadd.scan.msk.f32 $0xffff, v55;
	v19 =	vsel vm2, v23, v19;
	v21 =	vsel vm2, v26, v28;
	v23 =	vld [tilespmem:s30+$0x0];
	v16 =	vbroadcast v20, $0xF  }
0x297: {  	v26, v8, _ =	vpop (xrf1);
	(xrf1) =	vsort.dscd.msk.f32 $0xffff, v19, v21;
	v19 =	vld [tilespmem:s30+$0x10]  }
0x298: {  	v20, _, _ =	vpop (xrf0)  }
0x299: {  	v57, v56, _ =	vpop (xrf1);
	(erf) = vrcp.f32 v5;
	(xrf1) =	vsort.dscd.msk.f32 $0xffff, v17, v10;
	v10 =	vld [tilespmem:s30+$0x30]  }
0x29a: {  	(erf) = vrcp.f32 v16;
	v16, v17, _ =	vpop (xrf1)  }
0x29b: {  	v5 =	vbroadcast v20, $0xF;
	(xrf1) =	vsort.dscd.msk.f32 $0xffff, v23, v0;
	v16 =	vperm.xlane v16, v4  }
0x29c: {  	(xrf1) =	vsort.dscd.msk.f32 $0xffff, v19, v1;
	v19, v20, _ =	vpop (xrf1)  }
0x29d: {  	(xrf0) =	vmax.scan.msk.f32 $0xffff, v26;
	v5 =	vsub.f32 v27, v5;
	v17 =	vperm.xlane v17, v4;
	vm1 =	vge.f32 v19, v16  }
0x29e: {  	v27 =	vpop (erf);
	(xrf1) =	vsort.dscd.msk.f32 $0xffff, v10, v3;
	v10 =	vsel vm1, v19, v16  }
0x29f: {  	v58 =	vld [tilespmem:s30+$0xFFFFFF30];
	v5 =	vmul.f32 $1.442695020e+00, v5;
	v60, v59, _ =	vpop (xrf1);
	v16 =	vsel vm1, v20, v17  }
0x2a0: {  	v17 =	vld [tilespmem:s30+$0x20];
	v61, v23, _ =	vpop (xrf1);
	(xrf1) =	vsort.dscd.msk.f32 $0xffff, v10, v16  }
0x2a1: {  	(erf) = vpow2.f32 v5;
	(xrf0) =	vmax.scan.msk.f32 $0xffff, v61;
	v10, _, _ =	vpop (xrf2)  }
0x2a2: {  	v16 =	vpop (erf)  }
0x2a3: {  	v5 =	vld [tilespmem:s30+$0xFFFFFF10];
	v10 =	vbroadcast v10, $0xF;
	v16 =	vmul.f32 v16, v37  }
0x2a4: {  	v62 =	vld [tilespmem:s30+$0xFFFFFF20];
	v63, _, _ =	vpop (xrf0);
	(xrf1) =	vsort.dscd.msk.f32 $0xffff, v58, v3  }
0x2a5: {  	v21, v19, _ =	vpop (xrf1);
	(xrf1) =	vsort.dscd.msk.f32 $0xffff, v17, v2;
	(erf) = vrcp.f32 v10  }
0x2a6: {  	v42 =	vld [tilespmem:s30+$0xFFFFFF00];
	v20, v17, _ =	vpop (xrf1)  }
0x2a7: {  	[tilespmem:s20+$0xFFFFFFD0] =	vst v16;
	v16, _, _ =	vpop (xrf0)  }
0x2a8: {  	(xrf1) =	vsort.dscd.msk.f32 $0xffff, v5, v1;
	[tilespmem:s21+$0xFFFFFFD0] =	vst v18;
	v18, v5, _ =	vpop (xrf1);
	v16 =	vbroadcast v16, $0xF  }
0x2a9: {  	v28 =	vperm.xlane v57, v4;
	(xrf1) =	vsort.dscd.msk.f32 $0xffff, v62, v2;
	v10 =	vpop (erf)  }
0x2aa: {  	v30 =	vperm.xlane v56, v4;
	v43 =	vld [tilespmem:s22+$0xFFFFFFB0];
	(xrf0) =	vmax.scan.msk.f32 $0xffff, v18;
	v44 =	vpop (erf);
	v16 =	vsub.f32 v61, v16  }
0x2ab: {  	vm1 =	vge.f32 v60, v28;
	v45 =	vld [tilespmem:s22+$0xFFFFFF90];
	v37 =	vnsel vm0, $0x0, v44;
	v47, v46, _ =	vpop (xrf1);
	(xrf1) =	vsort.dscd.msk.f32 $0xffff, v42, v0  }
0x2ac: {  	v28 =	vsel vm1, v60, v28;
	v30 =	vsel vm1, v59, v30;
	v50 =	vld [tilespmem:s22+$0xFFFFFFA0];
	(xrf2) =	vadd.scan.msk.f32 $0xffff, v37;
	v16 =	vmul.f32 $1.442695020e+00, v16  }
0x2ad: {  	v27 =	vnsel vm0, $0x0, v27;
	v48, v49, _ =	vpop (xrf1);
	(xrf1) =	vsort.dscd.msk.f32 $0xffff, v28, v30  }
0x2ae: {  	v32 =	vperm.xlane v48, v4;
	(xrf2) =	vadd.scan.msk.f32 $0xffff, v27;
	v51 =	vpop (erf);
	(erf) = vpow2.f32 v16  }
0x2af: {  	(xrf1) =	vsort.dscd.msk.f32 $0xffff, v43, v3;
	v28 =	vmul.f32 v51, v55  }
0x2b0: {  	s29 =	simm.s32 $0x8340;
	v52, v53, _ =	vpop (xrf1);
	v56 =	vperm.xlane v49, v4;
	(xrf1) =	vsort.dscd.msk.f32 $0xffff, v45, v1;
	vm1 =	vge.f32 v47, v32  }
0x2b1: {  	s31 =	simm.s32 $0xA340;
	v54 =	vbroadcast v63, $0xF;
	(xrf1) =	vsort.dscd.msk.f32 $0xffff, v50, v2;
	v32 =	vsel vm1, v47, v32;
	v55, v16, _ =	vpop (xrf1);
	[tilespmem:s29+$0x0] =	vst v28  }
0x2b2: {  	v28 =	vsel vm1, v46, v56;
	(xrf0) =	vmax.scan.msk.f32 $0xffff, v55;
	[tilespmem:s31+$0x0] =	vst v22;
	v22 =	vperm.xlane v52, v4;
	v58, v57, _ =	vpop (xrf1)  }
0x2b3: {  	v26 =	vsub.f32 v26, v54;
	(xrf1) =	vsort.dscd.msk.f32 $0xffff, v32, v28;
	v62, v61, _ =	vpop (xrf1)  }
0x2b4: {  	v60 =	vperm.xlane v53, v4;
	v59 =	vld [tilespmem:s26+$0x70];
	vm1 =	vge.f32 v62, v22  }
0x2b5: {  	v26 =	vmul.f32 $1.442695020e+00, v26;
	v29, _, _ =	vpop (xrf0);
	v22 =	vsel vm1, v62, v22  }
0x2b6: {  	v10 =	vmul.f32 v10, v25;
	v63 =	vld [tilespmem:s26+$0x60];
	v40, _, _ =	vpop (xrf2);
	v34 =	vsel vm1, v61, v60  }
0x2b7: {  	(erf) = vpow2.f32 v26;
	v26 =	vbroadcast v40, $0xF;
	(xrf1) =	vsort.dscd.msk.f32 $0xffff, v22, v34;
	v41 =	vpop (erf)  }
0x2b8: {  	v30 =	vperm.xlane v58, v4;
	v33 =	vperm.xlane v57, v4;
	v22, _, _ =	vpop (xrf0)  }
0x2b9: {  	v28, v32, _ =	vpop (xrf1);
	(erf) = vrcp.f32 v26;
	(xrf1) =	vsort.dscd.msk.f32 $0xffff, v59, v3;
	v26 =	vnsel vm0, $0x0, v41;
	v22 =	vbroadcast v22, $0xF  }
0x2ba: {  	v44 =	vld [tilespmem:s26+$0x50];
	v42, v43, _ =	vpop (xrf1);
	v28 =	vperm.xlane v28, v4;
	v45 =	vperm.xlane v32, v4;
	(xrf2) =	vadd.scan.msk.f32 $0xffff, v26  }
0x2bb: {  	v25 =	vld [tilespmem:s22+$0xFFFFFF80];
	vm1 =	vge.f32 v42, v30;
	v46, v47, _ =	vpop (xrf1);
	(xrf1) =	vsort.dscd.msk.f32 $0xffff, v63, v2;
	v22 =	vsub.f32 v55, v22  }
0x2bc: {  	[tilespmem:s15+$0xFFFFFFE0] =	vst v10;
	v48, _, _ =	vpop (xrf2);
	v30 =	vsel vm1, v42, v30;
	v33 =	vsel vm1, v43, v33;
	vm1 =	vge.f32 v46, v28  }
0x2bd: {  	v32, v10, _ =	vpop (xrf1);
	v28 =	vsel vm1, v46, v28;
	v31 =	vsel vm1, v47, v45;
	(xrf1) =	vsort.dscd.msk.f32 $0xffff, v30, v33;
	v22 =	vmul.f32 $1.442695020e+00, v22  }
0x2be: {  	[tilespmem:s16+$0xFFFFFFE0] =	vst v11;
	v49 =	vld [tilespmem:s26+$0x40];
	v11, v50, _ =	vpop (xrf1);
	(xrf1) =	vsort.dscd.msk.f32 $0xffff, v28, v31  }
0x2bf: {  	v51 =	vld [tilespmem:s28+$0xFFFFFFF0];
	v54, v53, _ =	vpop (xrf1);
	(xrf1) =	vsort.dscd.msk.f32 $0xffff, v44, v1;
	(erf) = vpow2.f32 v22  }
0x2c0: {  	(xrf1) =	vsort.dscd.msk.f32 $0xffff, v25, v0;
	v25, v55, _ =	vpop (xrf1)  }
0x2c1: {  	v11 =	vperm.xlane v11, v4;
	v30 =	vperm.xlane v50, v4;
	v60, v59, _ =	vpop (xrf1)  }
0x2c2: {  	v52 =	vbroadcast v48, $0xF;
	v22 =	vpop (erf)  }
0x2c3: {  	(xrf1) =	vsort.dscd.msk.f32 $0xffff, v49, v0;
	vm1 =	vge.f32 v25, v11;
	v57 =	vpop (erf)  }
0x2c4: {  	v11 =	vsel vm1, v25, v11;
	v25 =	vsel vm1, v55, v30;
	(xrf1) =	vsort.dscd.msk.f32 $0xffff, v51, v3;
	(erf) = vrcp.f32 v52;
	v61, _, _ =	vpop (xrf2)  }
0x2c5: {  	v56 =	vld [tilespmem:s28+$0xFFFFFFD0];
	(xrf1) =	vsort.dscd.msk.f32 $0xffff, v11, v25;
	v36 =	vmul.f32 v57, v37;
	v30, v31, _ =	vpop (xrf1);
	v11 =	vbroadcast v61, $0xF  }
0x2c6: {  	v30 =	vperm.xlane v30, v4  }
0x2c7: {  	v58 =	vld [tilespmem:s28+$0xFFFFFFE0];
	[tilespmem:s24+$0x10] =	vst v36;
	v25, v62, _ =	vpop (xrf1)  }
0x2c8: {  	v31 =	vperm.xlane v31, v4;
	[tilespmem:s25+$0x10] =	vst v24;
	v25 =	vperm.xlane v25, v4;
	vm1 =	vge.f32 v60, v30;
	v24 =	vpop (erf)  }
0x2c9: {  	(xrf0) =	vmax.scan.msk.f32 $0xffff, v32;
	v28 =	vperm.xlane v62, v4;
	(erf) = vrcp.f32 v11;
	v11, v40, _ =	vpop (xrf1);
	v30 =	vsel vm1, v60, v30  }
0x2ca: {  	(xrf1) =	vsort.dscd.msk.f32 $0xffff, v56, v1;
	v63 =	vld [tilespmem:s23+$0xB0];
	v31 =	vsel vm1, v59, v31;
	v24 =	vnsel vm0, $0x0, v24;
	vm1 =	vge.f32 v11, v25  }
0x2cb: {  	v41 =	vld [tilespmem:s23+$0x90];
	(xrf2) =	vadd.scan.msk.f32 $0xffff, v24;
	v11 =	vsel vm1, v11, v25;
	v25 =	vsel vm1, v40, v28  }
0x2cc: {  	v29 =	vbroadcast v29, $0xF;
	v42 =	vld [tilespmem:s23+$0xA0];
	(xrf1) =	vsort.dscd.msk.f32 $0xffff, v58, v2;
	v45, v44, _ =	vpop (xrf1)  }
0x2cd: {  	v48 =	vperm.xlane v53, v4;
	(xrf1) =	vsort.dscd.msk.f32 $0xffff, v30, v31;
	v43 =	vpop (erf);
	v28 =	vperm.xlane v45, v4  }
0x2ce: {  	v46 =	vld [tilespmem:s23+$0x80];
	v31 =	vperm.xlane v44, v4;
	(xrf1) =	vsort.dscd.msk.f32 $0xffff, v11, v25;
	v11 =	vsub.f32 v18, v29;
	v25, v47, _ =	vpop (xrf1)  }
0x2cf: {  	v18 =	vperm.xlane v54, v4;
	v27 =	vmul.f32 v43, v27;
	(xrf1) =	vsort.dscd.msk.f32 $0xffff, v63, v3;
	v50, v49, _ =	vpop (xrf1)  }
0x2d0: {  	(xrf1) =	vsort.dscd.msk.f32 $0xffff, v41, v1;
	v11 =	vmul.f32 $1.442695020e+00, v11;
	v30 =	vperm.xlane v50, v4;
	v51, v52, _ =	vpop (xrf1)  }
0x2d1: {  	[tilespmem:s29+$0xFFFFFFC0] =	vst v27;
	(xrf1) =	vsort.dscd.msk.f32 $0xffff, v42, v2;
	vm1 =	vge.f32 v25, v28;
	v27 =	vperm.xlane v49, v4;
	v54, v53, _ =	vpop (xrf1)  }
0x2d2: {  	v56, _, _ =	vpop (xrf0);
	[tilespmem:s31+$0xFFFFFFC0] =	vst v14;
	v25 =	vsel vm1, v25, v28;
	(erf) = vpow2.f32 v11;
	vm2 =	vge.f32 v54, v30  }
0x2d3: {  	v11 =	vbroadcast v56, $0xF;
	(xrf1) =	vsort.dscd.msk.f32 $0xffff, v46, v0;
	v55 =	vpop (erf);
	v14 =	vsel vm2, v54, v30;
	v27 =	vsel vm2, v53, v27  }
0x2d4: {  	v29 =	vsel vm1, v47, v31;
	(xrf1) =	vsort.dscd.msk.f32 $0xffff, v14, v27;
	v14 =	vmul.f32 v55, v26  }
0x2d5: {  	v57 =	vld [tilespmem:s26+$0xFFFFFF70];
	v11 =	vsub.f32 v32, v11;
	(xrf1) =	vsort.dscd.msk.f32 $0xffff, v25, v29;
	v25, _, _ =	vpop (xrf2)  }
0x2d6: {  	v26 =	vld [tilespmem:s26+$0xFFFFFF50];
	[tilespmem:s20+$0x20] =	vst v14;
	v14 =	vbroadcast v25, $0xF  }
0x2d7: {  	v58 =	vld [tilespmem:s26+$0xFFFFFF60];
	vm1 =	vge.f32 v51, v18;
	v11 =	vmul.f32 $1.442695020e+00, v11;
	v27, v28, _ =	vpop (xrf1)  }
0x2d8: {  	v61 =	vld [tilespmem:s26+$0xFFFFFF40];
	v18 =	vsel vm1, v51, v18;
	v59 =	vsel vm1, v52, v48;
	v25, v60, _ =	vpop (xrf1);
	[tilespmem:s21+$0x20] =	vst v23  }
0x2d9: {  	(xrf1) =	vsort.dscd.msk.f32 $0xffff, v18, v59;
	v62, v23, _ =	vpop (xrf1);
	v18 =	vld [tilespmem:s22+$0xF0]  }
0x2da: {  	(xrf1) =	vsort.dscd.msk.f32 $0xffff, v57, v3;
	v63, v42, _ =	vpop (xrf1)  }
0x2db: {  	(erf) = vrcp.f32 v14;
	(xrf1) =	vsort.dscd.msk.f32 $0xffff, v26, v1;
	v44, v14, _ =	vpop (xrf1)  }
0x2dc: {  	v45 =	vmul.f32 v9, v6;
	(erf) = vpow2.f32 v11;
	(xrf1) =	vsort.dscd.msk.f32 $0xffff, v58, v2;
	v6, v11, _ =	vpop (xrf1)  }
0x2dd: {  	v9 =	vperm.xlane v21, v4;
	v46 =	vmul.f32 v15, v13;
	v43 =	vld [tilespmem:s22+$0xD0];
	(xrf1) =	vsort.dscd.msk.f32 $0xffff, v61, v0;
	v15, v21, _ =	vpop (xrf1)  }
0x2de: {  	v26 =	vld [tilespmem:s22+$0xE0];
	(xrf1) =	vsort.dscd.msk.f32 $0xffff, v18, v3;
	v15 =	vperm.xlane v15, v4;
	v18, v47, _ =	vpop (xrf1)  }
0x2df: {  	v13 =	vld [tilespmem:s22+$0xC0];
	v21 =	vperm.xlane v21, v4;
	v49, v48, _ =	vpop (xrf1)  }
0x2e0: {  	vm2 =	vge.f32 v49, v15  }
0x2e1: {  	(xrf0) =	vmax.scan.msk.f32 $0xffff, v44;
	v21 =	vsel vm2, v48, v21  }
0x2e2: {  	vm1 =	vge.f32 v20, v9;
	(xrf1) =	vsort.dscd.msk.f32 $0xffff, v43, v1;
	v15 =	vsel vm2, v49, v15  }
0x2e3: {  	v9 =	vsel vm1, v20, v9;
	v20 =	vpop (erf);
	(xrf1) =	vsort.dscd.msk.f32 $0xffff, v26, v2;
	v18 =	vperm.xlane v18, v4  }
0x2e4: {  	v6 =	vperm.xlane v6, v4;
	v33 =	vperm.xlane v47, v4;
	v26, v50, _ =	vpop (xrf1);
	(xrf1) =	vsort.dscd.msk.f32 $0xffff, v13, v0  }
0x2e5: {  	v51 =	vld [tilespmem:s28+$0xFFFFFFC0];
	v13 =	vperm.xlane v11, v4;
	vm2 =	vge.f32 v26, v18;
	(xrf1) =	vsort.dscd.msk.f32 $0xffff, v15, v21;
	v15, v21, _ =	vpop (xrf1)  }
0x2e6: {  	v52 =	vpop (erf);
	v18 =	vsel vm2, v26, v18;
	v26 =	vsel vm2, v50, v33;
	vm2 =	vge.f32 v15, v6  }
0x2e7: {  	v19 =	vperm.xlane v19, v4;
	v6 =	vsel vm2, v15, v6;
	v15 =	vpop (erf)  }
0x2e8: {  	(xrf1) =	vsort.dscd.msk.f32 $0xffff, v18, v26;
	v13 =	vsel vm2, v21, v13;
	v21 =	vperm.xlane v25, v4;
	v18 =	vnsel vm0, $0x0, v15;
	v15, _, _ =	vpop (xrf0)  }
0x2e9: {  	v53, v11, _ =	vpop (xrf1);
	v25 =	vperm.xlane v27, v4;
	(xrf1) =	vsort.dscd.msk.f32 $0xffff, v6, v13;
	v13 =	vsel vm1, v17, v19;
	v19 =	vbroadcast v15, $0xF  }
0x2ea: {  	v17 =	vperm.xlane v60, v4;
	(xrf1) =	vsort.dscd.msk.f32 $0xffff, v51, v0;
	v6, v26, _ =	vpop (xrf1)  }
0x2eb: {  	vm1 =	vge.f32 v63, v25;
	vm2 =	vge.f32 v6, v21;
	v15, v27, _ =	vpop (xrf1);
	v19 =	vsub.f32 v44, v19  }
0x2ec: {  	v6 =	vsel vm2, v6, v21;
	v17 =	vsel vm2, v26, v17;
	v21 =	vperm.xlane v15, v4;
	v26, v54, _ =	vpop (xrf1)  }
0x2ed: {  	v15 =	vnsel vm0, $0x0, v22;
	v22 =	vsel vm1, v63, v25;
	v25, v55, _ =	vpop (xrf1);
	(xrf1) =	vsort.dscd.msk.f32 $0xffff, v6, v17;
	v6 =	vperm.xlane v27, v4  }
0x2ee: {  	v17 =	vperm.xlane v26, v4;
	v19 =	vmul.f32 $1.442695020e+00, v19;
	vm2 =	vge.f32 v25, v21;
	v26, v27, _ =	vpop (xrf1)  }
0x2ef: {  	(xrf0) =	vmax.scan.msk.f32 $0xffff, v53;
	v21 =	vsel vm2, v25, v21;
	v25, v56, _ =	vpop (xrf1)  }
0x2f0: {  	(xrf2) =	vadd.scan.msk.f32 $0xffff, v18;
	v32 =	vperm.xlane v54, v4;
	v25 =	vperm.xlane v25, v4  }
0x2f1: {  	[tilespmem:s13+$0x30] =	vst v45;
	v33 =	vsel vm2, v55, v6;
	vm2 =	vge.f32 v26, v17;
	(erf) = vpow2.f32 v19;
	v58, v57, _ =	vpop (xrf1)  }
0x2f2: {  	v6 =	vnsel vm0, $0x0, v20;
	v17 =	vsel vm2, v26, v17;
	(xrf1) =	vsort.dscd.msk.f32 $0xffff, v21, v33;
	v21 =	vperm.xlane v56, v4;
	v19, v20, _ =	vpop (xrf1)  }
0x2f3: {  	(xrf2) =	vadd.scan.msk.f32 $0xffff, v15;
	v26 =	vsel vm2, v27, v32;
	v59 =	vperm.xlane v58, v4;
	vm2 =	vge.f32 v19, v25  }
0x2f4: {  	[tilespmem:s14+$0x30] =	vst v7;
	v7 =	vperm.xlane v57, v4;
	v19 =	vsel vm2, v19, v25;
	v25, v60, _ =	vpop (xrf1)  }
0x2f5: {  	v28 =	vperm.xlane v28, v4;
	v27, _, _ =	vpop (xrf0);
	(xrf2) =	vadd.scan.msk.f32 $0xffff, v6;
	v20 =	vsel vm2, v20, v21;
	vm2 =	vge.f32 v25, v59  }
0x2f6: {  	v30 =	vperm.xlane v62, v4;
	v27 =	vbroadcast v27, $0xF;
	v21, v34, _ =	vpop (xrf1);
	(xrf1) =	vsort.dscd.msk.f32 $0xffff, v19, v20;
	v7 =	vsel vm2, v60, v7  }
0x2f7: {  	[tilespmem:s15+$0x30] =	vst v46;
	v24 =	vmul.f32 v52, v24;
	v20 =	vperm.xlane v21, v4;
	v21 =	vsel vm2, v25, v59  }
0x2f8: {  	[tilespmem:s16+$0x30] =	vst v12;
	v27 =	vsub.f32 v53, v27;
	v25, v61, _ =	vpop (xrf1);
	v62 =	vperm.xlane v34, v4;
	(xrf1) =	vsort.dscd.msk.f32 $0xffff, v21, v7  }
0x2f9: {  	[tilespmem:s18+$0x30] =	vst v24;
	v21 =	vsel vm1, v42, v28;
	(xrf1) =	vsort.dscd.msk.f32 $0xffff, v17, v26;
	vm1 =	vge.f32 v25, v20;
	v7, v12, _ =	vpop (xrf1)  }
0x2fa: {  	v24 =	vmul.f32 $1.442695020e+00, v27;
	v19, _, _ =	vpop (xrf2);
	v20 =	vsel vm1, v25, v20;
	v25 =	vsel vm1, v61, v62;
	(xrf0) =	vmax.scan.msk.f32 $0xffff, v7  }
0x2fb: {  	v17, v26, _ =	vpop (xrf1);
	(xrf1) =	vsort.dscd.msk.f32 $0xffff, v20, v25  }
0x2fc: {  	[tilespmem:s17+$0x30] =	vst v16;
	v16 =	vpop (erf);
	(erf) = vpow2.f32 v24  }
0x2fd: {  	v63 =	vperm.xlane v23, v4;
	v27, _, _ =	vpop (xrf2);
	v20 =	vnsel vm0, $0x0, v16;
	(xrf1) =	vsort.dscd.msk.f32 $0xffff, v22, v21  }
0x2fe: {  	v23 =	vbroadcast v19, $0xF;
	vm1 =	vge.f32 v17, v30;
	v21, v16, _ =	vpop (xrf1);
	(xrf2) =	vadd.scan.msk.f32 $0xffff, v20  }
0x2ff: {  	s0 =	simm.s32 $0x38;
	s1 =	simm.s32 $0x1100;
	s28 =	simm.s32 $0xA340;
	v24 =	vbroadcast v27, $0xF;
	v25 =	vsel vm1, v17, v30;
	v22 =	vsel vm1, v26, v63;
	v17, _, _ =	vpop (xrf2)  }
.LBB2_2:
0x300: {  	v19 =	vld [tilespmem:s1+$0x0];
	v26, _, _ =	vpop (xrf0);
	(xrf1) =	vsort.dscd.msk.f32 $0xffff, v25, v22;
	v22 =	vbroadcast v17, $0xF  }
0x301: {  	v17 =	vld [tilespmem:s1+$0x10];
	v25, v27, _ =	vpop (xrf1);
	(erf) = vrcp.f32 v23;
	(xrf1) =	vsort.dscd.msk.f32 $0xffff, v9, v13  }
0x302: {  	v28 =	vbroadcast v26, $0xF;
	v9 =	vld [tilespmem:s1+$0xFFFFFF30];
	v13 =	vperm.xlane v25, v4  }
0x303: {  	v26 =	vperm.xlane v27, v4;
	v25 =	vld [tilespmem:s1+$0x30];
	(erf) = vrcp.f32 v24  }
0x304: {  	v7 =	vsub.f32 v7, v28;
	v24 =	vld [tilespmem:s1+$0xFFFFFF10];
	v23, v27, _ =	vpop (xrf1)  }
0x305: {  	v28 =	vld [tilespmem:s1+$0xFFFFFF20];
	(xrf1) =	vsort.dscd.msk.f32 $0xffff, v19, v0;
	v19 =	vpop (erf);
	v23 =	vperm.xlane v23, v4  }
0x306: {  	v7 =	vmul.f32 $1.442695020e+00, v7;
	v34 =	vperm.xlane v27, v4;
	v29 =	vld [tilespmem:s1+$0xFFFFFF00];
	(xrf1) =	vsort.dscd.msk.f32 $0xffff, v17, v1;
	v19 =	vnsel vm0, $0x0, v19;
	v27, v30, _ =	vpop (xrf1)  }
0x307: {  	v31 =	vld [tilespmem:s1+$0x20];
	v32, v33, _ =	vpop (xrf1);
	vm1 =	vge.f32 v27, v23;
	(xrf0) =	vmax.scan.msk.f32 $0xffff, v21  }
0x308: {  	(xrf1) =	vsort.dscd.msk.f32 $0xffff, v25, v3;
	v25, _, _ =	vpop (xrf2);
	(erf) = vpow2.f32 v7;
	v7 =	vsel vm1, v27, v23;
	v23 =	vsel vm1, v30, v34  }
0x309: {  	vm1 =	vge.f32 v32, v13;
	v27, v17, _ =	vpop (xrf1);
	(xrf1) =	vsort.dscd.msk.f32 $0xffff, v7, v23;
	(erf) = vrcp.f32 v22  }
0x30a: {  	v22 =	vbroadcast v25, $0xF;
	v23 =	vsel vm1, v32, v13;
	v25 =	vsel vm1, v33, v26;
	v13 =	vpop (erf);
	(xrf0) =	vmax.scan.msk.f32 $0xffff, v27  }
0x30b: {  	(xrf1) =	vsort.dscd.msk.f32 $0xffff, v9, v3;
	v26 =	vmul.f32 v13, v18;
	v13, v18, _ =	vpop (xrf1)  }
0x30c: {  	(xrf1) =	vsort.dscd.msk.f32 $0xffff, v31, v2;
	(erf) = vrcp.f32 v22;
	v7 =	vpop (erf);
	v13 =	vperm.xlane v13, v4  }
0x30d: {  	(xrf1) =	vsort.dscd.msk.f32 $0xffff, v24, v1;
	[tilespmem:s24+$0xFFFFFFD0] =	vst v26;
	v9, _, _ =	vpop (xrf0);
	v7 =	vmul.f32 v7, v15;
	v15 =	vperm.xlane v18, v4  }
0x30e: {  	(xrf1) =	vsort.dscd.msk.f32 $0xffff, v28, v2;
	[tilespmem:s25+$0xFFFFFFD0] =	vst v10;
	v9 =	vbroadcast v9, $0xF;
	v10, v18, _ =	vpop (xrf1)  }
0x30f: {  	v24 =	vld [tilespmem:s23+$0xFFFFFFB0];
	[tilespmem:s18+$0xFFFFFFE0] =	vst v7;
	vm1 =	vge.f32 v10, v13;
	v26, v28, _ =	vpop (xrf1)  }
0x310: {  	v7 =	vld [tilespmem:s23+$0xFFFFFF90];
	v22, _, _ =	vpop (xrf0);
	v32 =	vsub.f32 v21, v9;
	[tilespmem:s17+$0xFFFFFFE0] =	vst v8;
	v9 =	vsel vm1, v10, v13;
	v13 =	vsel vm1, v18, v15  }
0x311: {  	v8 =	vmov v16;
	(xrf1) =	vsort.dscd.msk.f32 $0xffff, v29, v0;
	v10 =	vpop (erf);
	v29 =	vld [tilespmem:s23+$0xFFFFFFA0];
	v18 =	vbroadcast v22, $0xF  }
0x312: {  	v21 =	vnsel vm0, $0x0, v10;
	v15 =	vld [tilespmem:s23+$0xFFFFFF80];
	v10 =	vmul.f32 $1.442695020e+00, v32;
	(xrf0) =	vmax.scan.msk.f32 $0xffff, v26;
	v16 =	vpop (erf)  }
0x313: {  	v30, v31, _ =	vpop (xrf1);
	(xrf2) =	vadd.scan.msk.f32 $0xffff, v21;
	v34 =	vsub.f32 v27, v18;
	v22 =	vld [tilespmem:s19+$0xFFFFFFF0];
	v36 =	vmul.f32 v16, v6  }
0x314: {  	v32, v33, _ =	vpop (xrf1);
	(xrf1) =	vsort.dscd.msk.f32 $0xffff, v23, v25;
	v18 =	vld [tilespmem:s19+$0xFFFFFFD0]  }
0x315: {  	v23 =	vpop (erf)  }
0x316: {  	v34 =	vmul.f32 $1.442695020e+00, v34;
	(xrf1) =	vsort.dscd.msk.f32 $0xffff, v24, v3;
	v6 =	vld [tilespmem:s19+$0xFFFFFFE0];
	[tilespmem:s11+$0xFFFFFFF0] =	vst v36;
	s11 =	smov.u32 s13;
	s13 =	smov.u32 s15;
	s15 =	smov.u32 s18;
	v35 =	vmul.f32 v23, v20  }
0x317: {  	s18 =	smov.u32 s20;
	s20 =	smov.u32 s24;
	s24 =	smov.u32 s29;
	v24, v27, _ =	vpop (xrf1);
	(xrf1) =	vsort.dscd.msk.f32 $0xffff, v7, v1;
	v7 =	vld [tilespmem:s19+$0xFFFFFFC0];
	[tilespmem:s12+$0xFFFFFFF0] =	vst v5;
	v5 =	vmov v28;
	v28 =	vperm.xlane v33, v4  }
0x318: {  	s0 =	sadd.s32 $0x8, s0;
	s29 =	sadd.s32 $0x80, s29;
	v23 =	vperm.xlane v32, v4;
	s12 =	smov.u32 s14;
	(xrf2) =	vadd.scan.msk.f32 $0xffff, v19;
	(erf) = vpow2.f32 v34;
	v25, v16, _ =	vpop (xrf1)  }
0x319: {  	s31 =	sadd.s32 $0x80, s31;
	p0 =	slt.u32 s0, $0x1F8;
	s14 =	smov.u32 s16;
	v27 =	vperm.xlane v27, v4;
	[tilespmem:s29+$0x0] =	vst v35;
	(xrf0) =	vmax.scan.msk.f32 $0xffff, v25;
	v20, _, _ =	vpop (xrf0)  }
0x31a: {  	s16 =	smov.u32 s17;
	s17 =	smov.u32 s21;
	s21 =	smov.u32 s25;
	v24 =	vperm.xlane v24, v4;
	vm1 =	vge.f32 v30, v23;
	v32, v33, _ =	vpop (xrf1);
	[tilespmem:s31+$0x0] =	vst v14;
	(xrf1) =	vsort.dscd.msk.f32 $0xffff, v29, v2  }
0x31b: {  	s25 =	smov.u32 s28;
	s28 =	smov.u32 s31;
	s19 =	smov.u32 s22;
	v14 =	vsel vm1, v30, v23;
	v23 =	vsel vm1, v31, v28;
	v28, v29, _ =	vpop (xrf1);
	v30 =	vld [tilespmem:s30+$0x70]  }
0x31c: {  	s22 =	smov.u32 s23;
	s23 =	smov.u32 s26;
	s26 =	smov.u32 s30;
	v35 =	vperm.xlane v32, v4;
	vm1 =	vge.f32 v28, v24;
	v32, v34, _ =	vpop (xrf1);
	(xrf1) =	vsort.dscd.msk.f32 $0xffff, v14, v23;
	v14 =	vbroadcast v20, $0xF  }
0x31d: {  	s30 =	smov.u32 s1;
	v20 =	vperm.xlane v33, v4;
	v33 =	vsel vm1, v28, v24;
	v24 =	vsel vm1, v29, v27;
	v27, v28, _ =	vpop (xrf1);
	v29 =	vld [tilespmem:s26+$0x60]  }
0x31e: {  	v32 =	vperm.xlane v32, v4;
	vm1 =	vge.f32 v27, v35;
	(xrf1) =	vsort.dscd.msk.f32 $0xffff, v33, v24;
	v23, _, _ =	vpop (xrf2);
	(erf) = vpow2.f32 v10  }
0x31f: {  	v34 =	vperm.xlane v34, v4;
	v24 =	vsel vm1, v27, v35;
	v20 =	vsel vm1, v28, v20;
	v27, _, _ =	vpop (xrf0)  }
0x320: {  	v14 =	vsub.f32 v26, v14;
	v23 =	vbroadcast v23, $0xF;
	v28, v31, _ =	vpop (xrf1);
	(xrf1) =	vsort.dscd.msk.f32 $0xffff, v30, v3;
	v27 =	vbroadcast v27, $0xF  }
0x321: {  	vm1 =	vge.f32 v28, v32;
	v26 =	vpop (erf)  }
0x322: {  	v30 =	vld [tilespmem:s26+$0x50];
	v33, _, _ =	vpop (xrf2);
	(xrf1) =	vsort.dscd.msk.f32 $0xffff, v29, v2;
	(erf) = vrcp.f32 v23;
	v23 =	vnsel vm0, $0x0, v26;
	v25 =	vsub.f32 v25, v27  }
0x323: {  	v26 =	vsel vm1, v28, v32;
	v32 =	vsel vm1, v31, v34;
	v28 =	vbroadcast v33, $0xF;
	v29, v10, _ =	vpop (xrf1);
	(xrf2) =	vadd.scan.msk.f32 $0xffff, v23  }
0x324: {  	v14 =	vmul.f32 $1.442695020e+00, v14;
	(xrf1) =	vsort.dscd.msk.f32 $0xffff, v24, v20;
	v20 =	vld [tilespmem:s26+$0x40];
	v24, v31, _ =	vpop (xrf1);
	v25 =	vmul.f32 $1.442695020e+00, v25  }
0x325: {  	(xrf1) =	vsort.dscd.msk.f32 $0xffff, v26, v32;
	v24 =	vperm.xlane v24, v4;
	v26 =	vperm.xlane v31, v4;
	v27, v31, _ =	vpop (xrf1)  }
0x326: {  	v27 =	vperm.xlane v27, v4;
	(erf) = vpow2.f32 v25  }
0x327: {  	v25 =	vperm.xlane v31, v4;
	(xrf1) =	vsort.dscd.msk.f32 $0xffff, v30, v1;
	v30 =	vpop (erf)  }
0x328: {  	(erf) = vrcp.f32 v28;
	(xrf1) =	vsort.dscd.msk.f32 $0xffff, v15, v0;
	v28, v31, _ =	vpop (xrf1);
	v15 =	vnsel vm0, $0x0, v30  }
0x329: {  	(xrf1) =	vsort.dscd.msk.f32 $0xffff, v20, v0;
	vm1 =	vge.f32 v28, v24  }
0x32a: {  	v20, v30, _ =	vpop (xrf1);
	v24 =	vsel vm1, v28, v24;
	v26 =	vsel vm1, v31, v26;
	(xrf1) =	vsort.dscd.msk.f32 $0xffff, v22, v3  }
0x32b: {  	v22 =	vpop (erf)  }
0x32c: {  	v28, v31, _ =	vpop (xrf1);
	v21 =	vmul.f32 v22, v21;
	(xrf1) =	vsort.dscd.msk.f32 $0xffff, v24, v26  }
0x32d: {  	v22, _, _ =	vpop (xrf2)  }
0x32e: {  	[tilespmem:s24+$0x10] =	vst v21;
	v21 =	vbroadcast v22, $0xF  }
0x32f: {  	v24, v26, _ =	vpop (xrf1);
	(xrf0) =	vmax.scan.msk.f32 $0xffff, v29;
	v22 =	vperm.xlane v28, v4;
	v28 =	vperm.xlane v31, v4  }
0x330: {  	[tilespmem:s25+$0x10] =	vst v12;
	v12 =	vpop (erf);
	(xrf1) =	vsort.dscd.msk.f32 $0xffff, v18, v1  }
0x331: {  	v18 =	vperm.xlane v24, v4;
	v24, v31, _ =	vpop (xrf1);
	v32 =	vld [tilespmem:s23+$0xB0];
	(erf) = vrcp.f32 v21;
	v12 =	vnsel vm0, $0x0, v12;
	(xrf1) =	vsort.dscd.msk.f32 $0xffff, v6, v2  }
0x332: {  	v36 =	vperm.xlane v26, v4;
	vm1 =	vge.f32 v20, v22;
	v26 =	vld [tilespmem:s23+$0x90];
	(xrf2) =	vadd.scan.msk.f32 $0xffff, v12;
	v21 =	vpop (erf)  }
0x333: {  	v20 =	vsel vm1, v20, v22;
	v22 =	vsel vm1, v30, v28;
	vm1 =	vge.f32 v24, v18;
	v28, v30, _ =	vpop (xrf1);
	v33 =	vld [tilespmem:s23+$0xA0]  }
0x334: {  	v18 =	vsel vm1, v24, v18;
	v24 =	vsel vm1, v31, v36;
	v34, v35, _ =	vpop (xrf1);
	(xrf1) =	vsort.dscd.msk.f32 $0xffff, v20, v22;
	v20 =	vld [tilespmem:s23+$0x80];
	(erf) = vpow2.f32 v14  }
0x335: {  	v14 =	vperm.xlane v28, v4;
	v22 =	vperm.xlane v30, v4;
	(xrf1) =	vsort.dscd.msk.f32 $0xffff, v18, v24;
	v6, _, _ =	vpop (xrf0)  }
0x336: {  	v18 =	vmul.f32 v21, v19;
	v19, v21, _ =	vpop (xrf1);
	v6 =	vbroadcast v6, $0xF;
	(xrf1) =	vsort.dscd.msk.f32 $0xffff, v32, v3  }
0x337: {  	vm1 =	vge.f32 v34, v14;
	v19 =	vperm.xlane v19, v4;
	(xrf1) =	vsort.dscd.msk.f32 $0xffff, v26, v1;
	v24, v26, _ =	vpop (xrf1)  }
0x338: {  	v14 =	vsel vm1, v34, v14;
	[tilespmem:s29+$0xFFFFFFC0] =	vst v18;
	v18 =	vperm.xlane v21, v4;
	v21, v28, _ =	vpop (xrf1);
	(xrf1) =	vsort.dscd.msk.f32 $0xffff, v33, v2  }
0x339: {  	v22 =	vsel vm1, v35, v22;
	[tilespmem:s31+$0xFFFFFFC0] =	vst v11;
	vm1 =	vge.f32 v21, v19;
	(xrf1) =	vsort.dscd.msk.f32 $0xffff, v20, v0;
	v11, v20, _ =	vpop (xrf1)  }
0x33a: {  	v6 =	vsub.f32 v29, v6;
	v30 =	vld [tilespmem:s26+$0xFFFFFF70];
	v31 =	vsel vm1, v21, v19;
	v18 =	vsel vm1, v28, v18;
	v29 =	vpop (erf)  }
0x33b: {  	vm1 =	vge.f32 v24, v27;
	v28 =	vld [tilespmem:s26+$0xFFFFFF50];
	(xrf1) =	vsort.dscd.msk.f32 $0xffff, v31, v18;
	v18 =	vmul.f32 v29, v23;
	v19, v21, _ =	vpop (xrf1)  }
0x33c: {  	(xrf1) =	vsort.dscd.msk.f32 $0xffff, v14, v22;
	v14 =	vsel vm1, v26, v25  }
0x33d: {  	v23 =	vmul.f32 $1.442695020e+00, v6;
	v6 =	vsel vm1, v24, v27;
	v22 =	vld [tilespmem:s26+$0xFFFFFF60];
	v24, _, _ =	vpop (xrf2)  }
0x33e: {  	v26 =	vperm.xlane v19, v4;
	v25 =	vld [tilespmem:s26+$0xFFFFFF40];
	[tilespmem:s20+$0x20] =	vst v18;
	v18 =	vbroadcast v24, $0xF;
	v19 =	vpop (erf)  }
0x33f: {  	v11 =	vperm.xlane v11, v4;
	v24 =	vperm.xlane v21, v4;
	[tilespmem:s21+$0x20] =	vst v17;
	(xrf1) =	vsort.dscd.msk.f32 $0xffff, v6, v14;
	v14, v27, _ =	vpop (xrf1)  }
0x340: {  	v31 =	vperm.xlane v20, v4;
	v6 =	vnsel vm0, $0x0, v19;
	v29 =	vld [tilespmem:s22+$0xF0];
	(erf) = vrcp.f32 v18;
	v20, v21, _ =	vpop (xrf1)  }
0x341: {  	v17 =	vperm.xlane v14, v4;
	(xrf1) =	vsort.dscd.msk.f32 $0xffff, v30, v3;
	v30 =	vld [tilespmem:s22+$0xD0];
	vm1 =	vge.f32 v20, v11  }
0x342: {  	(xrf1) =	vsort.dscd.msk.f32 $0xffff, v28, v1;
	v28 =	vld [tilespmem:s22+$0xE0];
	v19 =	vsel vm1, v20, v11;
	v21 =	vsel vm1, v21, v31  }
0x343: {  	v20, v14, _ =	vpop (xrf1);
	(xrf1) =	vsort.dscd.msk.f32 $0xffff, v22, v2;
	(erf) = vpow2.f32 v23;
	v22 =	vperm.xlane v27, v4  }
0x344: {  	(xrf1) =	vsort.dscd.msk.f32 $0xffff, v25, v0;
	v11, v18, _ =	vpop (xrf1);
	v23 =	vld [tilespmem:s22+$0xC0]  }
0x345: {  	v25, v27, _ =	vpop (xrf1);
	(xrf1) =	vsort.dscd.msk.f32 $0xffff, v29, v3  }
0x346: {  	v18 =	vperm.xlane v18, v4;
	v25 =	vperm.xlane v25, v4;
	v29, v31, _ =	vpop (xrf1);
	(xrf1) =	vsort.dscd.msk.f32 $0xffff, v30, v1  }
0x347: {  	v30 =	vperm.xlane v11, v4;
	v35 =	vperm.xlane v27, v4;
	v27, v32, _ =	vpop (xrf1);
	(xrf1) =	vsort.dscd.msk.f32 $0xffff, v28, v2  }
0x348: {  	v28 =	vperm.xlane v29, v4;
	v29 =	vperm.xlane v31, v4;
	(xrf0) =	vmax.scan.msk.f32 $0xffff, v20;
	vm1 =	vge.f32 v27, v25;
	v31, v33, _ =	vpop (xrf1)  }
0x349: {  	v25 =	vsel vm1, v27, v25;
	v34 =	vsel vm1, v32, v35;
	(xrf1) =	vsort.dscd.msk.f32 $0xffff, v23, v0;
	v23 =	vpop (erf)  }
0x34a: {  	vm1 =	vge.f32 v31, v28;
	v27, v32, _ =	vpop (xrf1);
	(xrf1) =	vsort.dscd.msk.f32 $0xffff, v25, v34;
	v34 =	vmul.f32 v23, v12  }
0x34b: {  	v31 =	vsel vm1, v31, v28;
	v28 =	vsel vm1, v33, v29;
	v23, v11, _ =	vpop (xrf1);
	vm2 =	vge.f32 v27, v30  }
0x34c: {  	v30 =	vsel vm2, v27, v30;
	v18 =	vsel vm2, v32, v18;
	v29 =	vpop (erf);
	(xrf1) =	vsort.dscd.msk.f32 $0xffff, v31, v28;
	[tilespmem:s18+$0x30] =	vst v34  }
0x34d: {  	(xrf1) =	vsort.dscd.msk.f32 $0xffff, v30, v18;
	v18 =	vnsel vm0, $0x0, v29;
	v12, v25, _ =	vpop (xrf1);
	[tilespmem:s17+$0x30] =	vst v16  }
0x34e: {  	v16, _, _ =	vpop (xrf0);
	vm1 =	vge.f32 v12, v26;
	(xrf1) =	vsort.dscd.msk.f32 $0xffff, v7, v0  }
0x34f: {  	v7 =	vbroadcast v16, $0xF;
	v16, v27, _ =	vpop (xrf1);
	(xrf2) =	vadd.scan.msk.f32 $0xffff, v18;
	v12 =	vsel vm1, v12, v26;
	v24 =	vsel vm1, v25, v24  }
0x350: {  	(xrf0) =	vmax.scan.msk.f32 $0xffff, v23;
	v16 =	vperm.xlane v16, v4;
	v31 =	vperm.xlane v27, v4;
	v26, v27, _ =	vpop (xrf1)  }
0x351: {  	v7 =	vsub.f32 v20, v7;
	v33 =	vperm.xlane v26, v4;
	v26 =	vperm.xlane v27, v4;
	v27, v28, _ =	vpop (xrf1)  }
0x352: {  	vm1 =	vge.f32 v27, v16;
	v29, v30, _ =	vpop (xrf1);
	(xrf1) =	vsort.dscd.msk.f32 $0xffff, v12, v24  }
0x353: {  	v7 =	vmul.f32 $1.442695020e+00, v7;
	v12 =	vsel vm1, v27, v16;
	v31 =	vsel vm1, v28, v31;
	v24, v25, _ =	vpop (xrf1);
	(xrf2) =	vadd.scan.msk.f32 $0xffff, v15  }
0x354: {  	vm1 =	vge.f32 v29, v33;
	v32 =	vperm.xlane v24, v4;
	v27, v28, _ =	vpop (xrf1)  }
0x355: {  	v26 =	vsel vm1, v30, v26;
	(xrf1) =	vsort.dscd.msk.f32 $0xffff, v12, v31;
	v12 =	vperm.xlane v25, v4;
	v16, v20, _ =	vpop (xrf1)  }
0x356: {  	(erf) = vpow2.f32 v7;
	v7 =	vsel vm1, v29, v33;
	vm1 =	vge.f32 v16, v32  }
0x357: {  	v27 =	vperm.xlane v27, v4;
	v28 =	vperm.xlane v28, v4;
	v25, _, _ =	vpop (xrf0);
	v12 =	vsel vm1, v20, v12  }
0x358: {  	v16 =	vsel vm1, v16, v32;
	v20, v24, _ =	vpop (xrf1);
	(xrf2) =	vadd.scan.msk.f32 $0xffff, v6  }
0x359: {  	v25 =	vbroadcast v25, $0xF;
	v29, v30, _ =	vpop (xrf1);
	vm1 =	vge.f32 v20, v27;
	(xrf1) =	vsort.dscd.msk.f32 $0xffff, v16, v12  }
0x35a: {  	v16 =	vperm.xlane v29, v4;
	v20 =	vsel vm1, v20, v27;
	v24 =	vsel vm1, v24, v28;
	v12, _, _ =	vpop (xrf2)  }
0x35b: {  	v28, v29, _ =	vpop (xrf1)  }
0x35c: {  	v31 =	vsub.f32 v23, v25;
	vm1 =	vge.f32 v28, v16  }
0x35d: {  	v27 =	vperm.xlane v30, v4;
	v23 =	vbroadcast v12, $0xF;
	(xrf1) =	vsort.dscd.msk.f32 $0xffff, v20, v24;
	v16 =	vsel vm1, v28, v16  }
0x35e: {  	(xrf1) =	vsort.dscd.msk.f32 $0xffff, v7, v26;
	v7, v12, _ =	vpop (xrf1)  }
0x35f: {  	v30 =	vmul.f32 $1.442695020e+00, v31;
	(xrf0) =	vmax.scan.msk.f32 $0xffff, v7;
	v24 =	vsel vm1, v29, v27;
	v25, v26, _ =	vpop (xrf1)  }
.Ltmp0:
0x360: {  	(xrf1) =	vsort.dscd.msk.f32 $0xffff, v16, v24;
	vm1 =	vge.f32 v25, v17;
	v16, _, _ =	vpop (xrf2);
	(pc) =	sbr.rel @p0 .LBB2_2-.Ltmp0, $4  }
0x361: {  	v25 =	vsel vm1, v25, v17;
	(erf) = vpow2.f32 v30;
	v20 =	vpop (erf);
	v24 =	vbroadcast v16, $0xF  }
0x362: {  	v22 =	vsel vm1, v26, v22;
	v20 =	vnsel vm0, $0x0, v20;
	(xrf1) =	vsort.dscd.msk.f32 $0xffff, v19, v21  }
0x363: {  	(xrf2) =	vadd.scan.msk.f32 $0xffff, v20;
	v21, v16, _ =	vpop (xrf1)  }
0x364: {  	s1 =	sadd.s32 $0x200, s1;
	v17, _, _ =	vpop (xrf2)  }
0x365: {  	_ = 	snop  }
0x366: {  	(erf) = vrcp.f32 v23;
	v19, _, _ =	vpop (xrf0)  }
0x367: {  	v35 =	vbroadcast v19, $0xF  }
0x368: {  	(xrf1) =	vsort.dscd.msk.f32 $0xffff, v25, v22;
	v63, v62, _ =	vpop (xrf1);
	(erf) = vrcp.f32 v24  }
0x369: {  	(xrf1) =	vsort.dscd.msk.f32 $0xffff, v9, v13;
	v36, v37, _ =	vpop (xrf1);
	v7 =	vsub.f32 v7, v35  }
0x36a: {  	v38 =	vpop (erf)  }
0x36b: {  	v7 =	vmul.f32 $1.442695020e+00, v7;
	v42, v41, _ =	vpop (xrf1)  }
0x36c: {  	v39 =	vperm.xlane v36, v4;
	v26, v27, _ =	vpop (xrf1)  }
0x36d: {  	v17 =	vbroadcast v17, $0xF;
	(xrf0) =	vmax.scan.msk.f32 $0xffff, v21;
	v28, _, _ =	vpop (xrf2)  }
0x36e: {  	v40 =	vperm.xlane v37, v4;
	vm1 =	vge.f32 v42, v39;
	(erf) = vpow2.f32 v7;
	v43, v22, _ =	vpop (xrf1)  }
0x36f: {  	v9 =	vsel vm1, v42, v39;
	(erf) = vrcp.f32 v17;
	v7 =	vpop (erf);
	(xrf0) =	vmax.scan.msk.f32 $0xffff, v43  }
0x370: {  	v13 =	vsel vm1, v41, v40;
	v44 =	vbroadcast v28, $0xF;
	v7 =	vmul.f32 v7, v18  }
0x371: {  	(xrf1) =	vsort.dscd.msk.f32 $0xffff, v9, v13;
	v45 =	vpop (erf)  }
0x372: {  	(erf) = vrcp.f32 v44;
	[tilespmem:s24+$0xFFFFFFD0] =	vst v7;
	v7 =	vmul.f32 v45, v15  }
0x373: {  	v46, _, _ =	vpop (xrf0)  }
0x374: {  	v18, v17, _ =	vpop (xrf1)  }
0x375: {  	[tilespmem:s25+$0xFFFFFFD0] =	vst v10;
	v47, _, _ =	vpop (xrf0)  }
0x376: {  	v15, v13, _ =	vpop (xrf1);
	v10 =	vld [tilespmem:s23+$0xFFFFFFB0];
	v32 =	vbroadcast v47, $0xF  }
0x377: {  	v29 =	vld [tilespmem:s23+$0xFFFFFF90];
	[tilespmem:s18+$0xFFFFFFE0] =	vst v7;
	v30, v7, _ =	vpop (xrf1)  }
0x378: {  	v23 =	vperm.xlane v63, v4;
	v31 =	vld [tilespmem:s23+$0xFFFFFFA0];
	[tilespmem:s17+$0xFFFFFFE0] =	vst v8;
	v48 =	vpop (erf);
	(xrf0) =	vmax.scan.msk.f32 $0xffff, v30;
	v49 =	vsub.f32 v43, v32  }
0x379: {  	v33 =	vld [tilespmem:s23+$0xFFFFFF80];
	v34 =	vnsel vm0, $0x0, v48;
	v9 =	vpop (erf)  }
0x37a: {  	v25 =	vperm.xlane v62, v4;
	vm1 =	vge.f32 v26, v23;
	(xrf2) =	vadd.scan.msk.f32 $0xffff, v34;
	v8 =	vmul.f32 $1.442695020e+00, v49  }
0x37b: {  	v50 =	vsel vm1, v26, v23;
	v52 =	vpop (erf)  }
0x37c: {  	v51 =	vsel vm1, v27, v25;
	v53 =	vmul.f32 v52, v20;
	(erf) = vpow2.f32 v8  }
0x37d: {  	s0 =	sadd.s32 $0x80, s29;
	v55 =	vbroadcast v46, $0xF;
	(xrf1) =	vsort.dscd.msk.f32 $0xffff, v50, v51  }
0x37e: {  	s31 =	sadd.s32 $0x80, s31;
	(xrf1) =	vsort.dscd.msk.f32 $0xffff, v10, v3;
	[tilespmem:s0+$0x0] =	vst v53  }
0x37f: {  	v56 =	vsub.f32 v21, v55;
	(xrf1) =	vsort.dscd.msk.f32 $0xffff, v29, v1;
	[tilespmem:s31+$0x0] =	vst v14;
	v54, v8, _ =	vpop (xrf1)  }
0x380: {  	v20 =	vnsel vm0, $0x0, v38;
	v14 =	vld [tilespmem:s30+$0x70];
	(xrf0) =	vmax.scan.msk.f32 $0xffff, v54  }
0x381: {  	v10 =	vmul.f32 $1.442695020e+00, v56;
	(xrf2) =	vadd.scan.msk.f32 $0xffff, v20  }
0x382: {  	v57 =	vld [tilespmem:s30+$0x60]  }
0x383: {  	(xrf1) =	vsort.dscd.msk.f32 $0xffff, v31, v2;
	v23, _, _ =	vpop (xrf0);
	(erf) = vpow2.f32 v10  }
0x384: {  	v58, _, _ =	vpop (xrf2)  }
0x385: {  	v61 =	vld [tilespmem:s30+$0x50];
	(xrf1) =	vsort.dscd.msk.f32 $0xffff, v14, v3;
	v24 =	vbroadcast v58, $0xF;
	v60 =	vpop (erf)  }
0x386: {  	v59, _, _ =	vpop (xrf0)  }
0x387: {  	v63 =	vld [tilespmem:s30+$0x40];
	(xrf1) =	vsort.dscd.msk.f32 $0xffff, v57, v2;
	(erf) = vrcp.f32 v24;
	v21 =	vnsel vm0, $0x0, v60;
	v10 =	vbroadcast v59, $0xF  }
0x388: {  	(xrf2) =	vadd.scan.msk.f32 $0xffff, v21  }
0x389: {  	v10 =	vsub.f32 v54, v10  }
0x38a: {  	(xrf1) =	vsort.dscd.msk.f32 $0xffff, v61, v1  }
0x38b: {  	v62, _, _ =	vpop (xrf2);
	(xrf1) =	vsort.dscd.msk.f32 $0xffff, v33, v0;
	v10 =	vmul.f32 $1.442695020e+00, v10  }
0x38c: {  	v19 =	vpop (erf);
	(xrf1) =	vsort.dscd.msk.f32 $0xffff, v63, v0  }
0x38d: {  	v39 =	vld [tilespmem:s19+$0xFFFFFFF0];
	v27, v14, _ =	vpop (xrf1);
	(erf) = vpow2.f32 v10  }
0x38e: {  	v37, v36, _ =	vpop (xrf1)  }
0x38f: {  	v38, v32, _ =	vpop (xrf1)  }
0x390: {  	v40 =	vbroadcast v62, $0xF;
	v41 =	vperm.xlane v37, v4;
	v45 =	vpop (erf)  }
0x391: {  	v35 =	vld [tilespmem:s19+$0xFFFFFFD0];
	v43, v42, _ =	vpop (xrf1);
	v46 =	vmul.f32 v45, v34  }
0x392: {  	v47 =	vld [tilespmem:s19+$0xFFFFFFE0];
	(xrf1) =	vsort.dscd.msk.f32 $0xffff, v39, v3;
	v44 =	vperm.xlane v36, v4;
	vm1 =	vge.f32 v43, v41;
	(erf) = vrcp.f32 v40;
	v48, _, _ =	vpop (xrf2)  }
0x393: {  	(xrf0) =	vmax.scan.msk.f32 $0xffff, v27;
	v25 =	vsel vm1, v43, v41;
	v50, v51, _ =	vpop (xrf1);
	[tilespmem:s29+$0x10] =	vst v46  }
0x394: {  	v26 =	vsel vm1, v42, v44;
	v49 =	vbroadcast v48, $0xF;
	v24 =	vperm.xlane v50, v4;
	[tilespmem:s28+$0x10] =	vst v12  }
0x395: {  	(xrf1) =	vsort.dscd.msk.f32 $0xffff, v25, v26;
	v55, v54, _ =	vpop (xrf1);
	v25 =	vperm.xlane v51, v4;
	v53 =	vld [tilespmem:s26+$0xB0]  }
0x396: {  	(xrf1) =	vsort.dscd.msk.f32 $0xffff, v35, v1;
	v56 =	vld [tilespmem:s26+$0x90];
	vm1 =	vge.f32 v55, v24;
	v52 =	vpop (erf);
	(erf) = vrcp.f32 v49  }
0x397: {  	(xrf1) =	vsort.dscd.msk.f32 $0xffff, v47, v2;
	v57 =	vld [tilespmem:s26+$0xA0];
	v24 =	vsel vm1, v55, v24;
	v25 =	vsel vm1, v54, v25  }
0x398: {  	v61, v60, _ =	vpop (xrf1);
	v58 =	vld [tilespmem:s26+$0x80];
	(xrf1) =	vsort.dscd.msk.f32 $0xffff, v24, v25;
	v10 =	vnsel vm0, $0x0, v52  }
0x399: {  	v63, v62, _ =	vpop (xrf1);
	(xrf2) =	vadd.scan.msk.f32 $0xffff, v10  }
0x39a: {  	v33 =	vperm.xlane v61, v4;
	v35, v34, _ =	vpop (xrf1);
	(xrf1) =	vsort.dscd.msk.f32 $0xffff, v53, v3  }
0x39b: {  	v25 =	vperm.xlane v60, v4;
	v59 =	vpop (erf);
	(xrf1) =	vsort.dscd.msk.f32 $0xffff, v56, v1  }
0x39c: {  	vm1 =	vge.f32 v35, v33;
	v20 =	vmul.f32 v59, v20;
	(xrf1) =	vsort.dscd.msk.f32 $0xffff, v57, v2  }
0x39d: {  	v12 =	vsel vm1, v35, v33;
	v40 =	vsel vm1, v34, v25;
	(xrf1) =	vsort.dscd.msk.f32 $0xffff, v58, v0  }
0x39e: {  	[tilespmem:s0+$0xFFFFFFC0] =	vst v20;
	(xrf1) =	vsort.dscd.msk.f32 $0xffff, v12, v40  }
0x39f: {  	v37 =	vperm.xlane v38, v4;
	[tilespmem:s31+$0xFFFFFFC0] =	vst v11;
	v36 =	vpop (erf)  }
0x3a0: {  	v23 =	vbroadcast v23, $0xF;
	v38 =	vld [tilespmem:s30+$0xFFFFFF70];
	v11 =	vmul.f32 v36, v21  }
0x3a1: {  	v39 =	vperm.xlane v32, v4;
	v42, _, _ =	vpop (xrf0);
	vm1 =	vge.f32 v63, v37;
	v41 =	vld [tilespmem:s30+$0xFFFFFF50]  }
0x3a2: {  	v23 =	vsub.f32 v30, v23;
	v26 =	vsel vm1, v63, v37;
	v43 =	vld [tilespmem:s30+$0xFFFFFF60];
	v25, v20, _ =	vpop (xrf1);
	[tilespmem:s24+$0x20] =	vst v11  }
0x3a3: {  	v44 =	vbroadcast v42, $0xF;
	v45 =	vld [tilespmem:s30+$0xFFFFFF40];
	v47, v29, _ =	vpop (xrf1);
	v21 =	vsel vm1, v62, v39;
	[tilespmem:s25+$0x20] =	vst v22  }
0x3a4: {  	v46 =	vmul.f32 $1.442695020e+00, v23;
	(xrf1) =	vsort.dscd.msk.f32 $0xffff, v26, v21;
	v49, _, _ =	vpop (xrf2);
	v48 =	vld [tilespmem:s23+$0xF0]  }
0x3a5: {  	v26, v30, _ =	vpop (xrf1);
	v11 =	vsub.f32 v27, v44;
	(xrf1) =	vsort.dscd.msk.f32 $0xffff, v38, v3;
	v51 =	vbroadcast v49, $0xF;
	v50 =	vld [tilespmem:s23+$0xD0]  }
0x3a6: {  	(erf) = vpow2.f32 v46;
	v31, v32, _ =	vpop (xrf1);
	(xrf1) =	vsort.dscd.msk.f32 $0xffff, v41, v1;
	v52 =	vld [tilespmem:s23+$0xE0]  }
0x3a7: {  	v11 =	vmul.f32 $1.442695020e+00, v11;
	(xrf1) =	vsort.dscd.msk.f32 $0xffff, v43, v2;
	v53, v54, _ =	vpop (xrf1);
	(erf) = vrcp.f32 v51  }
0x3a8: {  	(xrf1) =	vsort.dscd.msk.f32 $0xffff, v45, v0;
	v12 =	vperm.xlane v53, v4;
	v22 =	vperm.xlane v54, v4;
	v57, v56, _ =	vpop (xrf1)  }
0x3a9: {  	v55 =	vld [tilespmem:s23+$0xC0];
	(erf) = vpow2.f32 v11;
	v11 =	vperm.xlane v57, v4;
	v58, v34, _ =	vpop (xrf1);
	(xrf1) =	vsort.dscd.msk.f32 $0xffff, v48, v3  }
0x3aa: {  	v59 =	vperm.xlane v56, v4;
	v61, v60, _ =	vpop (xrf1);
	v21 =	vperm.xlane v58, v4;
	(xrf1) =	vsort.dscd.msk.f32 $0xffff, v50, v1  }
0x3ab: {  	v62 =	vperm.xlane v34, v4;
	vm1 =	vge.f32 v61, v11;
	v63, v36, _ =	vpop (xrf1);
	(xrf1) =	vsort.dscd.msk.f32 $0xffff, v52, v2  }
0x3ac: {  	v11 =	vsel vm1, v61, v11;
	v27 =	vsel vm1, v60, v59;
	vm1 =	vge.f32 v63, v21;
	v43, v42, _ =	vpop (xrf1)  }
0x3ad: {  	v40 =	vsel vm1, v63, v21;
	v41 =	vsel vm1, v36, v62;
	vm1 =	vge.f32 v43, v12  }
0x3ae: {  	(xrf1) =	vsort.dscd.msk.f32 $0xffff, v55, v0;
	v22 =	vsel vm1, v42, v22  }
0x3af: {  	(xrf1) =	vsort.dscd.msk.f32 $0xffff, v11, v27;
	v12 =	vsel vm1, v43, v12  }
0x3b0: {  	v27 =	vpop (erf)  }
0x3b1: {  	v23 =	vperm.xlane v47, v4;
	(xrf1) =	vsort.dscd.msk.f32 $0xffff, v40, v41;
	v11 =	vpop (erf)  }
0x3b2: {  	v29 =	vperm.xlane v29, v4;
	v44 =	vld [tilespmem:s19+$0xFFFFFFC0];
	(xrf1) =	vsort.dscd.msk.f32 $0xffff, v12, v22;
	v12, v22, _ =	vpop (xrf1)  }
0x3b3: {  	v45 =	vpop (erf);
	vm1 =	vge.f32 v12, v23  }
0x3b4: {  	v47, v46, _ =	vpop (xrf1);
	v22 =	vsel vm1, v22, v29  }
0x3b5: {  	v49, v48, _ =	vpop (xrf1);
	v12 =	vsel vm1, v12, v23  }
0x3b6: {  	v50 =	vperm.xlane v47, v4;
	v51, v52, _ =	vpop (xrf1)  }
0x3b7: {  	(xrf1) =	vsort.dscd.msk.f32 $0xffff, v44, v0;
	v53 =	vperm.xlane v46, v4;
	v56, v55, _ =	vpop (xrf1)  }
0x3b8: {  	v54 =	vperm.xlane v49, v4;
	(xrf1) =	vsort.dscd.msk.f32 $0xffff, v12, v22;
	vm1 =	vge.f32 v51, v50;
	v12, v22, _ =	vpop (xrf1)  }
0x3b9: {  	v35 =	vperm.xlane v48, v4;
	v21 =	vsel vm1, v51, v50;
	v12 =	vperm.xlane v12, v4;
	v57, v37, _ =	vpop (xrf1)  }
0x3ba: {  	vm2 =	vge.f32 v56, v54;
	v28 =	vsel vm1, v52, v53;
	v22 =	vperm.xlane v22, v4;
	v33, v34, _ =	vpop (xrf1)  }
0x3bb: {  	v24 =	vnsel vm0, $0x0, v45;
	(xrf1) =	vsort.dscd.msk.f32 $0xffff, v21, v28;
	v59 =	vperm.xlane v57, v4;
	vm1 =	vge.f32 v33, v12  }
0x3bc: {  	(xrf2) =	vadd.scan.msk.f32 $0xffff, v24;
	v37 =	vperm.xlane v37, v4;
	v61, v60, _ =	vpop (xrf1);
	v12 =	vsel vm1, v33, v12;
	v22 =	vsel vm1, v34, v22  }
0x3bd: {  	v38 =	vnsel vm0, $0x0, v19;
	v58 =	vsel vm2, v56, v54;
	v62, v63, _ =	vpop (xrf1);
	vm1 =	vge.f32 v61, v59;
	(xrf1) =	vsort.dscd.msk.f32 $0xffff, v12, v22  }
0x3be: {  	(xrf2) =	vadd.scan.msk.f32 $0xffff, v38;
	v40 =	vperm.xlane v62, v4;
	v41 =	vsel vm1, v61, v59;
	v42 =	vsel vm1, v60, v37  }
0x3bf: {  	v46 =	vsel vm2, v55, v35;
	v43 =	vperm.xlane v63, v4;
	v44, v45, _ =	vpop (xrf1);
	(xrf1) =	vsort.dscd.msk.f32 $0xffff, v41, v42  }
0x3c0: {  	v48, v23, _ =	vpop (xrf1);
	vm1 =	vge.f32 v44, v40;
	(xrf1) =	vsort.dscd.msk.f32 $0xffff, v58, v46  }
0x3c1: {  	(xrf0) =	vmax.scan.msk.f32 $0xffff, v48;
	v12 =	vsel vm1, v44, v40;
	v47 =	vsel vm1, v45, v43  }
0x3c2: {  	(xrf1) =	vsort.dscd.msk.f32 $0xffff, v12, v47;
	_ =	sdelay $0x4  }
0x3c3: {  	v49, _, _ =	vpop (xrf2)  }
0x3c4: {  	v52, _, _ =	vpop (xrf0)  }
0x3c5: {  	v19 =	vbroadcast v49, $0xF;
	v53, _, _ =	vpop (xrf2);
	v54 =	vbroadcast v52, $0xF  }
0x3c6: {  	v51, v50, _ =	vpop (xrf1)  }
0x3c7: {  	v57 =	vbroadcast v53, $0xF;
	(erf) = vrcp.f32 v19;
	v55, v22, _ =	vpop (xrf1);
	v56 =	vsub.f32 v48, v54  }
0x3c8: {  	v35, v36, _ =	vpop (xrf1)  }
0x3c9: {  	v12 =	vnsel vm0, $0x0, v27;
	(erf) = vrcp.f32 v57;
	v19 =	vmul.f32 $1.442695020e+00, v56;
	v59, v58, _ =	vpop (xrf1)  }
0x3ca: {  	v18 =	vperm.xlane v18, v4;
	v25 =	vperm.xlane v25, v4;
	(xrf2) =	vadd.scan.msk.f32 $0xffff, v12;
	v60, v39, _ =	vpop (xrf1)  }
0x3cb: {  	v17 =	vperm.xlane v17, v4;
	(xrf0) =	vmax.scan.msk.f32 $0xffff, v55;
	(erf) = vpow2.f32 v19;
	v61, v40, _ =	vpop (xrf1)  }
0x3cc: {  	v20 =	vperm.xlane v20, v4;
	v26 =	vperm.xlane v26, v4;
	vm2 =	vge.f32 v31, v25;
	v62, v41, _ =	vpop (xrf1)  }
0x3cd: {  	v25 =	vsel vm2, v31, v25;
	v63 =	vperm.xlane v30, v4;
	vm1 =	vge.f32 v15, v18;
	(xrf0) =	vmax.scan.msk.f32 $0xffff, v62  }
0x3ce: {  	v20 =	vsel vm2, v32, v20;
	v15 =	vsel vm1, v15, v18;
	vm2 =	vge.f32 v51, v26  }
0x3cf: {  	v26 =	vsel vm2, v51, v26;
	v18 =	vsel vm2, v50, v63;
	(xrf1) =	vsort.dscd.msk.f32 $0xffff, v25, v20  }
0x3d0: {  	v13 =	vsel vm1, v13, v17;
	(xrf1) =	vsort.dscd.msk.f32 $0xffff, v26, v18;
	v32 =	vpop (erf);
	v30 =	vperm.xlane v59, v4  }
0x3d1: {  	(xrf1) =	vsort.dscd.msk.f32 $0xffff, v15, v13;
	v33, _, _ =	vpop (xrf0);
	v31 =	vperm.xlane v58, v4  }
0x3d2: {  	v42 =	vpop (erf);
	vm1 =	vge.f32 v60, v30  }
0x3d3: {  	v18 =	vsel vm1, v60, v30;
	v13 =	vsel vm1, v39, v31;
	v39, _, _ =	vpop (xrf0)  }
0x3d4: {  	(xrf1) =	vsort.dscd.msk.f32 $0xffff, v18, v13;
	v44 =	vpop (erf);
	v43 =	vbroadcast v39, $0xF  }
0x3d5: {  	v29, _, _ =	vpop (xrf2);
	v45 =	vnsel vm0, $0x0, v44  }
0x3d6: {  	v15 =	vmul.f32 v32, v24;
	v17 =	vbroadcast v29, $0xF;
	(xrf2) =	vadd.scan.msk.f32 $0xffff, v45;
	v13 =	vsub.f32 v62, v43  }
0x3d7: {  	v46 =	vperm.xlane v35, v4;
	v47 =	vperm.xlane v36, v4  }
0x3d8: {  	[tilespmem:s29+$0xFFFFFFD0] =	vst v15;
	(erf) = vrcp.f32 v17;
	v13 =	vmul.f32 $1.442695020e+00, v13  }
0x3d9: {  	[tilespmem:s28+$0xFFFFFFD0] =	vst v14;
	vm1 =	vge.f32 v61, v46  }
0x3da: {  	v48 =	vld [tilespmem:s26+$0xFFFFFFB0];
	v49 =	vsel vm1, v61, v46;
	v15 =	vsel vm1, v40, v47;
	(erf) = vpow2.f32 v13  }
0x3db: {  	v51 =	vld [tilespmem:s26+$0xFFFFFF90];
	(xrf1) =	vsort.dscd.msk.f32 $0xffff, v49, v15  }
0x3dc: {  	v50 =	vbroadcast v33, $0xF;
	v52 =	vld [tilespmem:s26+$0xFFFFFFA0]  }
0x3dd: {  	v25, v21, _ =	vpop (xrf1)  }
0x3de: {  	v17 =	vsub.f32 v55, v50;
	v20, v19, _ =	vpop (xrf1)  }
0x3df: {  	(xrf1) =	vsort.dscd.msk.f32 $0xffff, v48, v3;
	v28, v14, _ =	vpop (xrf1)  }
0x3e0: {  	v17 =	vmul.f32 $1.442695020e+00, v17;
	(xrf1) =	vsort.dscd.msk.f32 $0xffff, v51, v1;
	v53, _, _ =	vpop (xrf2)  }
0x3e1: {  	(xrf1) =	vsort.dscd.msk.f32 $0xffff, v52, v2;
	v15 =	vpop (erf);
	v55 =	vbroadcast v53, $0xF  }
0x3e2: {  	(xrf0) =	vmax.scan.msk.f32 $0xffff, v28;
	(erf) = vpow2.f32 v17;
	v54, v13, _ =	vpop (xrf1)  }
0x3e3: {  	(erf) = vrcp.f32 v55;
	v56 =	vpop (erf)  }
0x3e4: {  	(xrf0) =	vmax.scan.msk.f32 $0xffff, v54;
	v17 =	vnsel vm0, $0x0, v56  }
0x3e5: {  	(xrf2) =	vadd.scan.msk.f32 $0xffff, v17;
	_ =	sdelay $0x1  }
0x3e6: {  	v18 =	vmul.f32 v42, v38  }
0x3e7: {  	v27, _, _ =	vpop (xrf0)  }
0x3e8: {  	v31, v24, _ =	vpop (xrf1)  }
0x3e9: {  	v57, _, _ =	vpop (xrf0)  }
0x3ea: {  	[tilespmem:s20+$0xFFFFFFE0] =	vst v18;
	v18 =	vpop (erf);
	v58 =	vbroadcast v57, $0xF  }
0x3eb: {  	v59 =	vld [tilespmem:s26+$0xFFFFFF80];
	[tilespmem:s21+$0xFFFFFFE0] =	vst v16;
	v60 =	vpop (erf)  }
0x3ec: {  	v61 =	vld [tilespmem:s22+$0xFFFFFFF0];
	v62, v63, _ =	vpop (xrf1);
	v29 =	vsub.f32 v54, v58;
	v26 =	vmul.f32 v60, v45  }
0x3ed: {  	v44, v43, _ =	vpop (xrf1)  }
0x3ee: {  	v42 =	vld [tilespmem:s22+$0xFFFFFFD0];
	v33 =	vperm.xlane v62, v4;
	v29 =	vmul.f32 $1.442695020e+00, v29;
	[tilespmem:s0+$0x10] =	vst v26;
	v40, _, _ =	vpop (xrf2)  }
0x3ef: {  	v46 =	vld [tilespmem:s22+$0xFFFFFFE0];
	v34 =	vperm.xlane v63, v4;
	v48, v47, _ =	vpop (xrf1);
	[tilespmem:s31+$0x10] =	vst v23;
	v45 =	vbroadcast v40, $0xF  }
0x3f0: {  	(xrf1) =	vsort.dscd.msk.f32 $0xffff, v59, v0;
	vm1 =	vge.f32 v48, v33;
	(erf) = vpow2.f32 v29;
	v49 =	vld [tilespmem:s30+$0xB0]  }
0x3f1: {  	(xrf1) =	vsort.dscd.msk.f32 $0xffff, v61, v3;
	v50 =	vsel vm1, v48, v33;
	v51 =	vsel vm1, v47, v34;
	v52 =	vld [tilespmem:s30+$0x90];
	(erf) = vrcp.f32 v45  }
0x3f2: {  	(xrf1) =	vsort.dscd.msk.f32 $0xffff, v50, v51;
	v53 =	vld [tilespmem:s30+$0xA0]  }
0x3f3: {  	(xrf1) =	vsort.dscd.msk.f32 $0xffff, v42, v1  }
0x3f4: {  	(xrf1) =	vsort.dscd.msk.f32 $0xffff, v46, v2;
	v54 =	vld [tilespmem:s30+$0x80]  }
0x3f5: {  	(xrf1) =	vsort.dscd.msk.f32 $0xffff, v49, v3  }
0x3f6: {  	(xrf1) =	vsort.dscd.msk.f32 $0xffff, v52, v1  }
0x3f7: {  	(xrf1) =	vsort.dscd.msk.f32 $0xffff, v53, v2;
	_ =	sdelay $0x1  }
0x3f8: {  	v55 =	vpop (erf);
	(xrf1) =	vsort.dscd.msk.f32 $0xffff, v54, v0  }
0x3f9: {  	v56 =	vpop (erf)  }
0x3fa: {  	v17 =	vmul.f32 v56, v17;
	_ =	sdelay $0x1  }
0x3fb: {  	[tilespmem:s29+$0x20] =	vst v17  }
0x3fc: {  	v59, v58, _ =	vpop (xrf1);
	[tilespmem:s28+$0x20] =	vst v41  }
0x3fd: {  	v57 =	vperm.xlane v44, v4;
	v32, v33, _ =	vpop (xrf1);
	v60 =	vld [tilespmem:s26+$0xF0]  }
0x3fe: {  	v61 =	vperm.xlane v43, v4;
	v63, v36, _ =	vpop (xrf1);
	v62 =	vld [tilespmem:s26+$0xD0]  }
0x3ff: {  	vm1 =	vge.f32 v59, v57;
	v26, v30, _ =	vpop (xrf1);
	v16 =	vnsel vm0, $0x0, v55;
	v45 =	vld [tilespmem:s26+$0xE0]  }
0x400: {  	v46 =	vsel vm1, v58, v61;
	v38, v39, _ =	vpop (xrf1);
	(xrf2) =	vadd.scan.msk.f32 $0xffff, v16;
	v17 =	vsel vm1, v59, v57;
	v47 =	vld [tilespmem:s26+$0xC0]  }
0x401: {  	(xrf1) =	vsort.dscd.msk.f32 $0xffff, v17, v46;
	v49, v48, _ =	vpop (xrf1)  }
0x402: {  	v23 =	vperm.xlane v49, v4;
	v51, v50, _ =	vpop (xrf1);
	(xrf1) =	vsort.dscd.msk.f32 $0xffff, v60, v3  }
0x403: {  	v52 =	vperm.xlane v48, v4;
	v53, v42, _ =	vpop (xrf1);
	v29 =	vperm.xlane v51, v4;
	(xrf1) =	vsort.dscd.msk.f32 $0xffff, v62, v1  }
0x404: {  	v54 =	vperm.xlane v50, v4;
	vm1 =	vge.f32 v53, v23;
	(xrf1) =	vsort.dscd.msk.f32 $0xffff, v45, v2  }
0x405: {  	v55, v43, _ =	vpop (xrf1);
	v23 =	vsel vm1, v53, v23;
	v34 =	vsel vm1, v42, v52;
	(xrf1) =	vsort.dscd.msk.f32 $0xffff, v47, v0  }
0x406: {  	vm1 =	vge.f32 v55, v29;
	(xrf1) =	vsort.dscd.msk.f32 $0xffff, v23, v34  }
0x407: {  	(xrf0) =	vmax.scan.msk.f32 $0xffff, v31;
	v56 =	vsel vm1, v55, v29;
	v57 =	vsel vm1, v43, v54  }
0x408: {  	(xrf1) =	vsort.dscd.msk.f32 $0xffff, v56, v57;
	_ =	sdelay $0x2  }
0x409: {  	v58 =	vbroadcast v27, $0xF  }
0x40a: {  	v59 =	vld [tilespmem:s22+$0xFFFFFFC0]  }
0x40b: {  	v17 =	vsub.f32 v28, v58;
	v61, _, _ =	vpop (xrf2)  }
0x40c: {  	v60, _, _ =	vpop (xrf0)  }
0x40d: {  	v17 =	vmul.f32 $1.442695020e+00, v17;
	v62 =	vperm.xlane v63, v4;
	v40, v63, _ =	vpop (xrf1)  }
0x40e: {  	v41 =	vperm.xlane v36, v4;
	v28 =	vbroadcast v61, $0xF;
	v42, v43, _ =	vpop (xrf1)  }
0x40f: {  	(erf) = vpow2.f32 v17;
	v27 =	vbroadcast v60, $0xF;
	(xrf1) =	vsort.dscd.msk.f32 $0xffff, v59, v0;
	vm1 =	vge.f32 v40, v62;
	v45, v44, _ =	vpop (xrf1)  }
0x410: {  	v29 =	vsel vm1, v40, v62;
	v17 =	vsel vm1, v63, v41;
	v46 =	vperm.xlane v42, v4;
	v47, v48, _ =	vpop (xrf1)  }
0x411: {  	(erf) = vrcp.f32 v28;
	v27 =	vsub.f32 v31, v27;
	(xrf1) =	vsort.dscd.msk.f32 $0xffff, v29, v17;
	v49 =	vperm.xlane v43, v4;
	v50, v51, _ =	vpop (xrf1)  }
0x412: {  	v23 =	vperm.xlane v45, v4;
	v52 =	vperm.xlane v44, v4;
	vm1 =	vge.f32 v47, v46;
	v54, v53, _ =	vpop (xrf1)  }
0x413: {  	v31 =	vsel vm1, v47, v46;
	v17 =	vsel vm1, v48, v49;
	v55 =	vperm.xlane v54, v4  }
0x414: {  	v27 =	vmul.f32 $1.442695020e+00, v27;
	vm1 =	vge.f32 v50, v23;
	(xrf1) =	vsort.dscd.msk.f32 $0xffff, v31, v17;
	v56 =	vperm.xlane v53, v4;
	v57, v58, _ =	vpop (xrf1)  }
0x415: {  	v23 =	vsel vm1, v50, v23;
	v59 =	vsel vm1, v51, v52;
	vm1 =	vge.f32 v57, v55  }
0x416: {  	(erf) = vpow2.f32 v27;
	(xrf1) =	vsort.dscd.msk.f32 $0xffff, v23, v59;
	v60 =	vsel vm1, v57, v55;
	v17 =	vsel vm1, v58, v56  }
0x417: {  	(xrf1) =	vsort.dscd.msk.f32 $0xffff, v60, v17;
	_ =	sdelay $0x5  }
0x418: {  	v61 =	vpop (erf)  }
0x419: {  	v17 =	vpop (erf)  }
0x41a: {  	v62 =	vpop (erf)  }
0x41b: {  	v28 =	vnsel vm0, $0x0, v62  }
0x41c: {  	v29 =	vnsel vm0, $0x0, v18;
	v45, v63, _ =	vpop (xrf1);
	(xrf2) =	vadd.scan.msk.f32 $0xffff, v28  }
0x41d: {  	v32 =	vperm.xlane v32, v4;
	v35, v23, _ =	vpop (xrf1);
	(xrf2) =	vadd.scan.msk.f32 $0xffff, v29  }
0x41e: {  	v25 =	vperm.xlane v25, v4;
	v18 =	vnsel vm0, $0x0, v61;
	(xrf0) =	vmax.scan.msk.f32 $0xffff, v35;
	v47, v46, _ =	vpop (xrf1)  }
0x41f: {  	v33 =	vperm.xlane v33, v4;
	v26 =	vperm.xlane v26, v4;
	vm2 =	vge.f32 v38, v32;
	(xrf2) =	vadd.scan.msk.f32 $0xffff, v18;
	v48, v49, _ =	vpop (xrf1)  }
0x420: {  	v21 =	vperm.xlane v21, v4;
	v30 =	vperm.xlane v30, v4;
	v32 =	vsel vm2, v38, v32;
	v50, v42, _ =	vpop (xrf1)  }
0x421: {  	v33 =	vsel vm2, v39, v33;
	vm2 =	vge.f32 v45, v26;
	vm1 =	vge.f32 v20, v25;
	(xrf0) =	vmax.scan.msk.f32 $0xffff, v50  }
0x422: {  	v26 =	vsel vm2, v45, v26;
	v30 =	vsel vm2, v63, v30;
	(xrf1) =	vsort.dscd.msk.f32 $0xffff, v32, v33  }
0x423: {  	v20 =	vsel vm1, v20, v25;
	v19 =	vsel vm1, v19, v21;
	(xrf1) =	vsort.dscd.msk.f32 $0xffff, v26, v30  }
0x424: {  	(xrf1) =	vsort.dscd.msk.f32 $0xffff, v20, v19;
	v27 =	vperm.xlane v47, v4  }
0x425: {  	v54 =	vperm.xlane v46, v4;
	v55, _, _ =	vpop (xrf0)  }
0x426: {  	vm1 =	vge.f32 v48, v27;
	v51, _, _ =	vpop (xrf2)  }
0x427: {  	v56 =	vsel vm1, v48, v27;
	v57 =	vsel vm1, v49, v54;
	v58, _, _ =	vpop (xrf0)  }
0x428: {  	(xrf1) =	vsort.dscd.msk.f32 $0xffff, v56, v57;
	v52 =	vbroadcast v51, $0xF;
	v53, _, _ =	vpop (xrf2);
	v59 =	vbroadcast v58, $0xF  }
0x429: {  	v25 =	vbroadcast v53, $0xF;
	v60, _, _ =	vpop (xrf2)  }
0x42a: {  	(erf) = vrcp.f32 v52;
	v20 =	vbroadcast v60, $0xF;
	v19 =	vsub.f32 v50, v59  }
0x42b: {  	(erf) = vrcp.f32 v25  }
0x42c: {  	(erf) = vrcp.f32 v20;
	v19 =	vmul.f32 $1.442695020e+00, v19;
	_ =	sdelay $0x1  }
0x42d: {  	(erf) = vpow2.f32 v19;
	_ =	sdelay $0x1  }
0x42e: {  	v26, v27, _ =	vpop (xrf1)  }
0x42f: {  	v32, v33, _ =	vpop (xrf1)  }
0x430: {  	v34, v20, _ =	vpop (xrf1)  }
0x431: {  	v61 =	vpop (erf)  }
0x432: {  	v62 =	vpop (erf);
	v25 =	vmul.f32 v61, v28  }
0x433: {  	v21 =	vpop (erf)  }
0x434: {  	[tilespmem:s0+$0xFFFFFFD0] =	vst v25;
	v63, v19, _ =	vpop (xrf1)  }
0x435: {  	(xrf0) =	vmax.scan.msk.f32 $0xffff, v34;
	[tilespmem:s31+$0xFFFFFFD0] =	vst v24;
	v43 =	vpop (erf)  }
0x436: {  	(xrf0) =	vmax.scan.msk.f32 $0xffff, v63;
	v24 =	vld [tilespmem:s30+$0xFFFFFFB0];
	v37 =	vnsel vm0, $0x0, v43  }
0x437: {  	v45 =	vld [tilespmem:s30+$0xFFFFFF90];
	(xrf2) =	vadd.scan.msk.f32 $0xffff, v37  }
0x438: {  	v47 =	vld [tilespmem:s30+$0xFFFFFFA0]  }
0x439: {  	v44 =	vbroadcast v55, $0xF;
	_ =	sdelay $0x1  }
0x43a: {  	v28 =	vsub.f32 v35, v44;
	v25, _, _ =	vpop (xrf0);
	(xrf1) =	vsort.dscd.msk.f32 $0xffff, v24, v3  }
0x43b: {  	v46, _, _ =	vpop (xrf0);
	(xrf1) =	vsort.dscd.msk.f32 $0xffff, v45, v1  }
0x43c: {  	v28 =	vmul.f32 $1.442695020e+00, v28;
	v38 =	vbroadcast v46, $0xF;
	(xrf1) =	vsort.dscd.msk.f32 $0xffff, v47, v2;
	_ =	sdelay $0x1  }
0x43d: {  	(erf) = vpow2.f32 v28;
	v48 =	vsub.f32 v63, v38  }
0x43e: {  	v49 =	vld [tilespmem:s30+$0xFFFFFF80]  }
0x43f: {  	v50 =	vmul.f32 $1.442695020e+00, v48;
	v51, _, _ =	vpop (xrf2)  }
0x440: {  	v52 =	vbroadcast v51, $0xF  }
0x441: {  	(erf) = vpow2.f32 v50  }
0x442: {  	(erf) = vrcp.f32 v52  }
0x443: {  	(xrf1) =	vsort.dscd.msk.f32 $0xffff, v49, v0;
	_ =	sdelay $0x2  }
0x444: {  	v28 =	vpop (erf)  }
0x445: {  	v53 =	vmul.f32 v62, v29;
	v55, v56, _ =	vpop (xrf1)  }
0x446: {  	v58, v59, _ =	vpop (xrf1)  }
0x447: {  	[tilespmem:s24+$0xFFFFFFE0] =	vst v53;
	v39, v61, _ =	vpop (xrf1)  }
0x448: {  	[tilespmem:s25+$0xFFFFFFE0] =	vst v22;
	v30 =	vperm.xlane v55, v4;
	v22 =	vpop (erf)  }
0x449: {  	v24 =	vld [tilespmem:s23+$0xFFFFFFF0];
	v31 =	vperm.xlane v56, v4;
	v54 =	vpop (erf)  }
0x44a: {  	vm1 =	vge.f32 v39, v30;
	v29 =	vmul.f32 v54, v37  }
0x44b: {  	v57 =	vld [tilespmem:s23+$0xFFFFFFD0];
	v31 =	vsel vm1, v61, v31  }
0x44c: {  	v60 =	vld [tilespmem:s23+$0xFFFFFFE0];
	v30 =	vsel vm1, v39, v30;
	[tilespmem:s0+$0x20] =	vst v29  }
0x44d: {  	[tilespmem:s31+$0x20] =	vst v42  }
0x44e: {  	(xrf1) =	vsort.dscd.msk.f32 $0xffff, v24, v3;
	v62 =	vperm.xlane v58, v4;
	v63 =	vld [tilespmem:s30+$0xF0]  }
0x44f: {  	v40 =	vperm.xlane v59, v4;
	(xrf1) =	vsort.dscd.msk.f32 $0xffff, v30, v31;
	v30, v31, _ =	vpop (xrf1);
	v41 =	vld [tilespmem:s30+$0xD0]  }
0x450: {  	(xrf1) =	vsort.dscd.msk.f32 $0xffff, v57, v1;
	vm1 =	vge.f32 v30, v62;
	v42 =	vld [tilespmem:s30+$0xE0]  }
0x451: {  	(xrf1) =	vsort.dscd.msk.f32 $0xffff, v60, v2;
	v43 =	vsel vm1, v31, v40;
	v29 =	vsel vm1, v30, v62  }
0x452: {  	(xrf1) =	vsort.dscd.msk.f32 $0xffff, v29, v43;
	v44 =	vld [tilespmem:s30+$0xC0]  }
0x453: {  	(xrf1) =	vsort.dscd.msk.f32 $0xffff, v63, v3  }
0x454: {  	(xrf1) =	vsort.dscd.msk.f32 $0xffff, v41, v1  }
0x455: {  	(xrf1) =	vsort.dscd.msk.f32 $0xffff, v42, v2;
	_ =	sdelay $0x1  }
0x456: {  	(xrf1) =	vsort.dscd.msk.f32 $0xffff, v44, v0;
	_ =	sdelay $0x4  }
0x457: {  	v24, v29, _ =	vpop (xrf1)  }
0x458: {  	v45 =	vld [tilespmem:s23+$0xFFFFFFC0];
	v46, v47, _ =	vpop (xrf1)  }
0x459: {  	v48, v49, _ =	vpop (xrf1)  }
0x45a: {  	v38, v50, _ =	vpop (xrf1)  }
0x45b: {  	v31 =	vperm.xlane v46, v4;
	v52, v51, _ =	vpop (xrf1)  }
0x45c: {  	v35 =	vperm.xlane v47, v4;
	v54, v53, _ =	vpop (xrf1)  }
0x45d: {  	(xrf1) =	vsort.dscd.msk.f32 $0xffff, v45, v0;
	vm1 =	vge.f32 v52, v31;
	v55 =	vperm.xlane v54, v4;
	v56, v44, _ =	vpop (xrf1)  }
0x45e: {  	v31 =	vsel vm1, v52, v31;
	v35 =	vsel vm1, v51, v35;
	v57 =	vperm.xlane v53, v4;
	v58, v59, _ =	vpop (xrf1)  }
0x45f: {  	(xrf1) =	vsort.dscd.msk.f32 $0xffff, v31, v35;
	v60 =	vperm.xlane v56, v4;
	vm1 =	vge.f32 v58, v55  }
0x460: {  	v61 =	vperm.xlane v44, v4;
	v63, v62, _ =	vpop (xrf1);
	v30 =	vsel vm1, v58, v55;
	v40 =	vsel vm1, v59, v57  }
0x461: {  	vm1 =	vge.f32 v63, v60;
	(xrf1) =	vsort.dscd.msk.f32 $0xffff, v30, v40  }
0x462: {  	v43 =	vsel vm1, v63, v60;
	v44 =	vsel vm1, v62, v61  }
0x463: {  	(xrf1) =	vsort.dscd.msk.f32 $0xffff, v43, v44;
	_ =	sdelay $0x7  }
0x464: {  	v26 =	vperm.xlane v26, v4;
	v24 =	vperm.xlane v24, v4  }
0x465: {  	v27 =	vperm.xlane v27, v4;
	v25 =	vbroadcast v25, $0xF  }
0x466: {  	v29 =	vperm.xlane v29, v4;
	vm2 =	vge.f32 v38, v24;
	v45 =	vperm.xlane v48, v4;
	v46, v35, _ =	vpop (xrf1)  }
0x467: {  	v25 =	vsub.f32 v34, v25;
	v37 =	vperm.xlane v49, v4;
	v24 =	vsel vm2, v38, v24;
	v47, v36, _ =	vpop (xrf1)  }
0x468: {  	v29 =	vsel vm2, v50, v29;
	vm1 =	vge.f32 v32, v26;
	vm2 =	vge.f32 v46, v45;
	v48, v49, _ =	vpop (xrf1)  }
0x469: {  	v26 =	vsel vm1, v32, v26;
	v30 =	vsel vm2, v46, v45;
	v50 =	vperm.xlane v48, v4  }
0x46a: {  	v51 =	vsel vm2, v35, v37;
	(xrf1) =	vsort.dscd.msk.f32 $0xffff, v24, v29;
	v52 =	vperm.xlane v49, v4;
	v54, v53, _ =	vpop (xrf1)  }
0x46b: {  	v27 =	vsel vm1, v33, v27;
	(xrf1) =	vsort.dscd.msk.f32 $0xffff, v30, v51;
	vm1 =	vge.f32 v54, v50  }
0x46c: {  	v25 =	vmul.f32 $1.442695020e+00, v25;
	(xrf1) =	vsort.dscd.msk.f32 $0xffff, v26, v27;
	v55 =	vsel vm1, v54, v50;
	v24 =	vsel vm1, v53, v52  }
0x46d: {  	(xrf1) =	vsort.dscd.msk.f32 $0xffff, v55, v24  }
0x46e: {  	(erf) = vpow2.f32 v25;
	_ =	sdelay $0x5  }
0x46f: {  	v24 =	vnsel vm0, $0x0, v22  }
0x470: {  	v28 =	vnsel vm0, $0x0, v28;
	(xrf2) =	vadd.scan.msk.f32 $0xffff, v24  }
0x471: {  	(xrf2) =	vadd.scan.msk.f32 $0xffff, v28  }
0x472: {  	v56 =	vpop (erf)  }
0x473: {  	(xrf0) =	vmax.scan.msk.f32 $0xffff, v47;
	v30, v31, _ =	vpop (xrf1)  }
0x474: {  	v26 =	vnsel vm0, $0x0, v56;
	v33, v34, _ =	vpop (xrf1)  }
0x475: {  	(xrf2) =	vadd.scan.msk.f32 $0xffff, v26;
	v57, v25, _ =	vpop (xrf1)  }
0x476: {  	(xrf0) =	vmax.scan.msk.f32 $0xffff, v57;
	v58, v22, _ =	vpop (xrf1)  }
0x477: {  	(xrf0) =	vmax.scan.msk.f32 $0xffff, v58;
	_ =	sdelay $0x1  }
0x478: {  	v59, _, _ =	vpop (xrf0)  }
0x479: {  	v60, _, _ =	vpop (xrf2)  }
0x47a: {  	v61, _, _ =	vpop (xrf2)  }
0x47b: {  	v37 =	vbroadcast v60, $0xF;
	v62, _, _ =	vpop (xrf0)  }
0x47c: {  	v35 =	vbroadcast v59, $0xF;
	v38 =	vbroadcast v61, $0xF;
	v63, _, _ =	vpop (xrf0)  }
0x47d: {  	(erf) = vrcp.f32 v37;
	v40 =	vbroadcast v63, $0xF  }
0x47e: {  	v32 =	vsub.f32 v47, v35;
	v42, _, _ =	vpop (xrf2);
	(erf) = vrcp.f32 v38  }
0x47f: {  	v43 =	vbroadcast v42, $0xF;
	v27 =	vsub.f32 v58, v40  }
0x480: {  	v32 =	vmul.f32 $1.442695020e+00, v32  }
0x481: {  	(erf) = vrcp.f32 v43;
	v27 =	vmul.f32 $1.442695020e+00, v27  }
0x482: {  	(erf) = vpow2.f32 v32  }
0x483: {  	(erf) = vpow2.f32 v27;
	_ =	sdelay $0x2  }
0x484: {  	v27 =	vpop (erf)  }
0x485: {  	v44 =	vpop (erf)  }
0x486: {  	v32 =	vmul.f32 v44, v28;
	_ =	sdelay $0x1  }
0x487: {  	v28 =	vpop (erf);
	[tilespmem:s29+$0xFFFFFFE0] =	vst v32  }
0x488: {  	v45 =	vpop (erf);
	[tilespmem:s28+$0xFFFFFFE0] =	vst v23  }
0x489: {  	v47 =	vld [tilespmem:s26+$0xFFFFFFF0];
	v46 =	vpop (erf)  }
0x48a: {  	v48 =	vld [tilespmem:s26+$0xFFFFFFD0];
	v23 =	vnsel vm0, $0x0, v46  }
0x48b: {  	v32 =	vnsel vm0, $0x0, v45;
	v49 =	vld [tilespmem:s26+$0xFFFFFFE0];
	(xrf2) =	vadd.scan.msk.f32 $0xffff, v23  }
0x48c: {  	v50 =	vld [tilespmem:s26+$0xFFFFFFC0];
	(xrf2) =	vadd.scan.msk.f32 $0xffff, v32;
	_ =	sdelay $0x1  }
0x48d: {  	(xrf1) =	vsort.dscd.msk.f32 $0xffff, v47, v3  }
0x48e: {  	(xrf1) =	vsort.dscd.msk.f32 $0xffff, v48, v1  }
0x48f: {  	v39 =	vbroadcast v62, $0xF;
	(xrf1) =	vsort.dscd.msk.f32 $0xffff, v49, v2  }
0x490: {  	(xrf1) =	vsort.dscd.msk.f32 $0xffff, v50, v0  }
0x491: {  	v29 =	vsub.f32 v57, v39;
	_ =	sdelay $0x1  }
0x492: {  	v29 =	vmul.f32 $1.442695020e+00, v29  }
0x493: {  	v51, _, _ =	vpop (xrf2)  }
0x494: {  	(erf) = vpow2.f32 v29;
	v29 =	vbroadcast v51, $0xF;
	v52, _, _ =	vpop (xrf2)  }
0x495: {  	v35 =	vbroadcast v52, $0xF  }
0x496: {  	(erf) = vrcp.f32 v29  }
0x497: {  	(erf) = vrcp.f32 v35;
	_ =	sdelay $0x2  }
0x498: {  	v53, v54, _ =	vpop (xrf1)  }
0x499: {  	v57, v56, _ =	vpop (xrf1);
	v60 =	vperm.xlane v53, v4  }
0x49a: {  	v30 =	vperm.xlane v30, v4;
	v59, v58, _ =	vpop (xrf1);
	v38 =	vperm.xlane v57, v4  }
0x49b: {  	v31 =	vperm.xlane v31, v4;
	v35 =	vperm.xlane v54, v4;
	vm1 =	vge.f32 v59, v60;
	v63, v62, _ =	vpop (xrf1)  }
0x49c: {  	v55 =	vpop (erf);
	v39 =	vperm.xlane v56, v4;
	v40 =	vsel vm1, v59, v60;
	vm2 =	vge.f32 v63, v38  }
0x49d: {  	v35 =	vsel vm1, v58, v35;
	vm1 =	vge.f32 v33, v30;
	v42 =	vsel vm2, v63, v38;
	v29 =	vpop (erf)  }
0x49e: {  	v43 =	vsel vm2, v62, v39;
	(xrf1) =	vsort.dscd.msk.f32 $0xffff, v40, v35;
	v30 =	vsel vm1, v33, v30;
	v61 =	vpop (erf)  }
0x49f: {  	v31 =	vsel vm1, v34, v31;
	(xrf1) =	vsort.dscd.msk.f32 $0xffff, v42, v43;
	v32 =	vmul.f32 v61, v32  }
0x4a0: {  	(xrf1) =	vsort.dscd.msk.f32 $0xffff, v30, v31  }
0x4a1: {  	[tilespmem:s0+$0xFFFFFFE0] =	vst v32  }
0x4a2: {  	[tilespmem:s31+$0xFFFFFFE0] =	vst v36  }
0x4a3: {  	v44 =	vld [tilespmem:s30+$0xFFFFFFF0]  }
0x4a4: {  	v45 =	vld [tilespmem:s30+$0xFFFFFFD0]  }
0x4a5: {  	v46 =	vld [tilespmem:s30+$0xFFFFFFE0];
	_ =	sdelay $0x1  }
0x4a6: {  	v47 =	vld [tilespmem:s30+$0xFFFFFFC0]  }
0x4a7: {  	(xrf1) =	vsort.dscd.msk.f32 $0xffff, v44, v3  }
0x4a8: {  	(xrf1) =	vsort.dscd.msk.f32 $0xffff, v45, v1  }
0x4a9: {  	(xrf1) =	vsort.dscd.msk.f32 $0xffff, v46, v2;
	_ =	sdelay $0x1  }
0x4aa: {  	v48, v49, _ =	vpop (xrf1);
	(xrf1) =	vsort.dscd.msk.f32 $0xffff, v47, v0  }
0x4ab: {  	v51, v50, _ =	vpop (xrf1)  }
0x4ac: {  	v52, v36, _ =	vpop (xrf1)  }
0x4ad: {  	(xrf0) =	vmax.scan.msk.f32 $0xffff, v52;
	_ =	sdelay $0x1  }
0x4ae: {  	v32 =	vnsel vm0, $0x0, v55  }
0x4af: {  	(xrf2) =	vadd.scan.msk.f32 $0xffff, v32;
	_ =	sdelay $0x2  }
0x4b0: {  	v59, _, _ =	vpop (xrf0)  }
0x4b1: {  	v54, v53, _ =	vpop (xrf1)  }
0x4b2: {  	v30 =	vperm.xlane v48, v4;
	v37 =	vperm.xlane v54, v4;
	v55, v56, _ =	vpop (xrf1)  }
0x4b3: {  	v31 =	vperm.xlane v49, v4;
	v38 =	vperm.xlane v53, v4;
	v57, v58, _ =	vpop (xrf1)  }
0x4b4: {  	v43 =	vbroadcast v59, $0xF;
	v39 =	vperm.xlane v55, v4;
	vm1 =	vge.f32 v57, v37  }
0x4b5: {  	v40 =	vperm.xlane v56, v4;
	v60, v61, _ =	vpop (xrf1);
	v37 =	vsel vm1, v57, v37;
	v38 =	vsel vm1, v58, v38  }
0x4b6: {  	v35 =	vsub.f32 v52, v43;
	vm1 =	vge.f32 v60, v39;
	(xrf1) =	vsort.dscd.msk.f32 $0xffff, v37, v38  }
0x4b7: {  	v42, _, _ =	vpop (xrf2);
	v62 =	vsel vm1, v60, v39;
	v63 =	vsel vm1, v61, v40;
	vm1 =	vge.f32 v51, v30  }
0x4b8: {  	v39 =	vbroadcast v42, $0xF;
	v30 =	vsel vm1, v51, v30;
	v31 =	vsel vm1, v50, v31;
	(xrf1) =	vsort.dscd.msk.f32 $0xffff, v62, v63  }
0x4b9: {  	v44 =	vmul.f32 $1.442695020e+00, v35;
	(xrf1) =	vsort.dscd.msk.f32 $0xffff, v30, v31  }
0x4ba: {  	(erf) = vrcp.f32 v39  }
0x4bb: {  	(erf) = vpow2.f32 v44;
	_ =	sdelay $0x7  }
0x4bc: {  	v45 =	vpop (erf)  }
0x4bd: {  	v46 =	vpop (erf)  }
0x4be: {  	v48, v47, _ =	vpop (xrf1)  }
0x4bf: {  	v31 =	vnsel vm0, $0x0, v46;
	v49, v37, _ =	vpop (xrf1)  }
0x4c0: {  	(xrf2) =	vadd.scan.msk.f32 $0xffff, v31;
	v50, v51, _ =	vpop (xrf1)  }
0x4c1: {  	(xrf0) =	vmax.scan.msk.f32 $0xffff, v50;
	_ =	sdelay $0x5  }
0x4c2: {  	v33 =	vperm.xlane v48, v4;
	v52, _, _ =	vpop (xrf0)  }
0x4c3: {  	v34 =	vperm.xlane v47, v4;
	v40 =	vbroadcast v52, $0xF  }
0x4c4: {  	vm1 =	vge.f32 v49, v33  }
0x4c5: {  	v33 =	vsel vm1, v49, v33;
	v34 =	vsel vm1, v37, v34;
	v53, _, _ =	vpop (xrf2);
	v54 =	vsub.f32 v50, v40  }
0x4c6: {  	(xrf1) =	vsort.dscd.msk.f32 $0xffff, v33, v34;
	v35 =	vbroadcast v53, $0xF  }
0x4c7: {  	v55 =	vmul.f32 $1.442695020e+00, v54  }
0x4c8: {  	(erf) = vrcp.f32 v35  }
0x4c9: {  	(erf) = vpow2.f32 v55;
	_ =	sdelay $0x7  }
0x4ca: {  	v56 =	vpop (erf)  }
0x4cb: {  	v57 =	vpop (erf)  }
0x4cc: {  	v34 =	vnsel vm0, $0x0, v57  }
0x4cd: {  	v59, v58, _ =	vpop (xrf1);
	(xrf2) =	vadd.scan.msk.f32 $0xffff, v34  }
0x4ce: {  	(xrf0) =	vmax.scan.msk.f32 $0xffff, v59;
	_ =	sdelay $0x5  }
0x4cf: {  	v60, _, _ =	vpop (xrf0)  }
0x4d0: {  	v38 =	vbroadcast v60, $0xF;
	_ =	sdelay $0x1  }
0x4d1: {  	v35 =	vsub.f32 v59, v38;
	v61, _, _ =	vpop (xrf2)  }
0x4d2: {  	v38 =	vbroadcast v61, $0xF  }
0x4d3: {  	v35 =	vmul.f32 $1.442695020e+00, v35  }
0x4d4: {  	(erf) = vrcp.f32 v38  }
0x4d5: {  	(erf) = vpow2.f32 v35;
	_ =	sdelay $0x7  }
0x4d6: {  	v62 =	vpop (erf)  }
0x4d7: {  	v63 =	vpop (erf)  }
0x4d8: {  	v38 =	vnsel vm0, $0x0, v63  }
0x4d9: {  	(xrf2) =	vadd.scan.msk.f32 $0xffff, v38  }
0x4da: {  	v6 =	vmul.f32 v9, v6;
	_ =	sdelay $0x1  }
0x4db: {  	[tilespmem:s11+$0xFFFFFFF0] =	vst v6;
	v6 =	vmul.f32 v15, v12  }
0x4dc: {  	[tilespmem:s12+$0xFFFFFFF0] =	vst v5  }
0x4dd: {  	[tilespmem:s13+$0xFFFFFFF0] =	vst v6;
	v5 =	vmul.f32 v21, v18  }
0x4de: {  	[tilespmem:s14+$0xFFFFFFF0] =	vst v7  }
0x4df: {  	[tilespmem:s15+$0xFFFFFFF0] =	vst v5;
	v5 =	vmul.f32 v28, v26  }
0x4e0: {  	[tilespmem:s16+$0xFFFFFFF0] =	vst v14  }
0x4e1: {  	[tilespmem:s18+$0xFFFFFFF0] =	vst v5;
	v5 =	vmul.f32 v11, v10  }
0x4e2: {  	[tilespmem:s17+$0xFFFFFFF0] =	vst v20;
	v6, _, _ =	vpop (xrf2)  }
0x4e3: {  	[tilespmem:s20+$0x30] =	vst v5;
	v5 =	vmul.f32 v17, v16;
	v6 =	vbroadcast v6, $0xF  }
0x4e4: {  	[tilespmem:s21+$0x30] =	vst v8  }
0x4e5: {  	[tilespmem:s24+$0x30] =	vst v5;
	v5 =	vmul.f32 v27, v24;
	(erf) = vrcp.f32 v6  }
0x4e6: {  	[tilespmem:s25+$0x30] =	vst v13  }
0x4e7: {  	[tilespmem:s29+$0x30] =	vst v5;
	v5 =	vmul.f32 v29, v23  }
0x4e8: {  	[tilespmem:s28+$0x30] =	vst v19;
	v6 =	vmul.f32 v56, v31  }
0x4e9: {  	[tilespmem:s0+$0x30] =	vst v5  }
0x4ea: {  	v7 =	vmul.f32 v45, v32;
	[tilespmem:s24+$0xFFFFFFF0] =	vst v6;
	v6 =	vmul.f32 v62, v34  }
0x4eb: {  	[tilespmem:s31+$0x30] =	vst v22  }
0x4ec: {  	[tilespmem:s20+$0xFFFFFFF0] =	vst v7  }
0x4ed: {  	[tilespmem:s21+$0xFFFFFFF0] =	vst v25  }
0x4ee: {  	[tilespmem:s29+$0xFFFFFFF0] =	vst v6;
	v6 =	vpop (erf)  }
0x4ef: {  	[tilespmem:s25+$0xFFFFFFF0] =	vst v36;
	v6 =	vmul.f32 v6, v38  }
0x4f0: {  	[tilespmem:s28+$0xFFFFFFF0] =	vst v51  }
0x4f1: {  	[tilespmem:s0+$0xFFFFFFF0] =	vst v6  }
0x4f2: {  	[tilespmem:s31+$0xFFFFFFF0] =	vst v58  }
0x4f3: {  	[hbm4b:s4+s2] =	stream.linear.scatter [tilespmem:s8], [sflag:$0x1], $0x2000, $0x38;
	[tilespmem:$0xC000] =	vst v63  }
0x4f4: {  	s10 =	sadd.s32 $0x1, s10;
	_ =	swait.ge [sflag:s7], $0x2000  }
0x4f5: {  	p0 =	sne.s32 s10, s6;
	[sflag:s7] =	ssyncset.done $0x0  }
.Ltmp1:
0x4f6: {  	[sflag:s7] =	ssyncadd.s32 $0xFFFFE000;
	(pc) =	sbr.rel @p0 .LBB2_1-.Ltmp1, $4  }
0x4f7: {  	[hbm4b:s5+s2] =	stream.linear.scatter [tilespmem:s9], [sflag:$0x1], $0x2000, $0x38;
	[tilespmem:$0xC000] =	vst v63  }
0x4f8: {  	_ =	swait.ge [sflag:s7], $0x2000  }
0x4f9: {  	[sflag:s7] =	ssyncset.done $0x0  }
0x4fa: {  	[sflag:s7] =	ssyncadd.s32 $0xFFFFE000  }
0x4fb: {  	_ =	sfence.sel $0x180000  }
0x4fc: {  	[bflag:$0x0] =	sbarrier.arrive $0xFFFF  }
0x4fd: {  	_ =	strace $0x90000047  }
0x4fe: {  	s0 =	stileid.u32;
	[bflag:$0x2] =	sbarrier.arrive $0xFFFF  }
0x4ff: {  	p0 =	sne.s32 s0, $0x0;
	s0 =	rddreg [dreg:$0x1]  }
0x500: {  	s0 =	sadd.s32 @!p0 $0x100000, s0  }
0x501: {  	[sflag:s0] =	ssyncadd.tile.s32 @!p0 $0x1;
	_ =	shalt  }
.Lfunc_end2:
_tile_overlayer_lowered:
.L_overlay_start_2:
0x502: {  	(tag) =	ssettag $0x2  }
0x503: {  	s0 =	rddreg [dreg:$0x0];
	s2 =	stileid.u32  }
0x504: {  	s1 =	rddreg [dreg:$0x1];
	p0 =	sne.s32 s2, $0x0  }
0x505: {  	s3 =	rddreg [dreg:$0x2];
	[bflag:$0x3] =	sbarrier.arrive $0xFFFF;
	s2 =	simm.s32 @!p0 $0x1C01  }
0x506: {  	[timem:s3], [sflag:s2] =	dma.local @!p0 [hbm:s0], s1  }
0x507: {  	s0 =	simm.s32 @!p0 $0x1  }
0x508: {  	_ =	swait.ge @!p0 [sflag:s0], s1  }
0x509: {  	s1 =	ssub.s32 @!p0 $0x0, s1;
	[sflag:s0] =	ssyncset.done @!p0 $0x0  }
0x50a: {  	[sflag:s0] =	ssyncadd.s32 @!p0 s1  }
0x50b: {  	[bflag:$0x3] =	sbarrier.arrive $0xFFFF  }
0x50c: {  	_ =	shalt  }

</sc_bundles>
